<compile_context>
chip_gen: v7x
topology: tpu7x:2x2x1
jax: 0.10.2.dev20260603
libtpu: 0.0.44.dev20260713+nightly
codegen_flags: <defaults>
</compile_context>

<pallas_src>
import functools

import jax
import jax.numpy as jnp
from jax import lax
from jax.experimental import pallas as pl
from jax.experimental.pallas import tpu as pltpu
from jax.experimental.pallas import tpu_sc as plsc

N_NODES = 10000
N_EDGES = 320000
N_PAIR = 20000
D = 128

NC = 2
NS = 16
NW = NC * NS

NPAD = 10240
ROWS_PER_TILE = NPAD // NS
CHUNK = 128
CPTA = 54
CPTB = 104
EPAD = NS * (CPTA + CPTB) * CHUNK

GPT0 = 20
GPAD = NW * GPT0 * CHUNK
PPAD = GPAD // 4


def _sage_agg_body(table, src_idx, dst_idx, agg_out, deg_out,
                   src_v, dst_v, rows_v, ones_v, zflat_v,
                   agg_sh, deg_sh, gsem):
    c = lax.axis_index("c")
    s = lax.axis_index("s")
    tile_row0 = s * ROWS_PER_TILE

    def init_zrow(i, _):
        rows_v[i // 8, pl.ds((i % 8) * 16, 16)] = jnp.zeros((16,), jnp.float32)
        return 0
    lax.fori_loop(0, 1024, init_zrow, 0)

    def init_small(i, _):
        zflat_v[pl.ds(i * 16, 16)] = jnp.zeros((16,), jnp.float32)
        return 0
    lax.fori_loop(0, ROWS_PER_TILE // 16, init_small, 0)
    for i in range(8):
        ones_v[pl.ds(i * 16, 16)] = jnp.ones((16,), jnp.float32)

    for b in range(ROWS_PER_TILE // 128):
        pltpu.sync_copy(rows_v, agg_sh.at[pl.ds(tile_row0 + b * 128, 128)])
    pltpu.sync_copy(zflat_v, deg_sh.at[pl.ds(tile_row0, ROWS_PER_TILE)])
    plsc.subcore_barrier()

    wid = s * NC + c
    pltpu.sync_copy(src_idx.at[wid], src_v)
    pltpu.sync_copy(dst_idx.at[wid], dst_v)
    nchunks = jnp.where(c == 0, CPTA, CPTB)

    def step(j, _):
        pltpu.async_copy(table.at[src_v.at[j]], rows_v, gsem).wait()
        pltpu.sync_copy(rows_v, agg_sh.at[dst_v.at[j]], add=True)
        pltpu.sync_copy(ones_v, deg_sh.at[dst_v.at[j]], add=True)
        return 0
    lax.fori_loop(0, nchunks, step, 0)

    plsc.subcore_barrier()

    for b in range(ROWS_PER_TILE // 128):
        r0 = tile_row0 + b * 128
        pltpu.sync_copy(agg_sh.at[pl.ds(r0, 128)], rows_v)
        pltpu.sync_copy(rows_v, agg_out.at[c].at[pl.ds(r0, 128)])
    pltpu.sync_copy(deg_sh.at[pl.ds(tile_row0, ROWS_PER_TILE)], zflat_v)
    pltpu.sync_copy(zflat_v, deg_out.at[pl.ds(c * NPAD + tile_row0, ROWS_PER_TILE)])


def _sage_agg(table, src2d, dst2d):
    mesh = plsc.VectorSubcoreMesh(core_axis_name="c", subcore_axis_name="s")
    fn = functools.partial(
        pl.kernel,
        mesh=mesh,
        out_type=[
            jax.ShapeDtypeStruct((NC, NPAD, 128), jnp.float32),
            jax.ShapeDtypeStruct((NC * NPAD,), jnp.float32),
        ],
        scratch_types=[
            pltpu.VMEM((CPTB, 128), jnp.int32),
            pltpu.VMEM((CPTB, 128), jnp.int32),
            pltpu.VMEM((128, 128), jnp.float32),
            pltpu.VMEM((128,), jnp.float32),
            pltpu.VMEM((ROWS_PER_TILE,), jnp.float32),
            pltpu.VMEM_SHARED((NPAD, 128), jnp.float32),
            pltpu.VMEM_SHARED((NPAD,), jnp.float32),
            pltpu.SemaphoreType.DMA,
        ],
    )(_sage_agg_body)
    return fn(table, src2d, dst2d)


def _pair_gather_body(table, idx2d, out, idx_v, rows_v, gsem, osem):
    c = lax.axis_index("c")
    s = lax.axis_index("s")
    wid = s * NC + c
    pltpu.sync_copy(idx2d.at[wid], idx_v)

    def step(j, _):
        pltpu.async_copy(table.at[idx_v.at[j]], rows_v, gsem).wait()
        g = wid * GPT0 + j
        pltpu.async_copy(rows_v, out.at[pl.ds(g * 128, 128)], osem).wait()
        return 0
    lax.fori_loop(0, GPT0, step, 0)


def _pair_gather(table, idx2d):
    mesh = plsc.VectorSubcoreMesh(core_axis_name="c", subcore_axis_name="s")
    fn = functools.partial(
        pl.kernel,
        mesh=mesh,
        out_type=jax.ShapeDtypeStruct((GPAD, 128), jnp.float32),
        scratch_types=[
            pltpu.VMEM((GPT0, 128), jnp.int32),
            pltpu.VMEM((128, 128), jnp.float32),
            pltpu.SemaphoreType.DMA,
            pltpu.SemaphoreType.DMA,
        ],
    )(_pair_gather_body)
    return fn(table, idx2d)


def _layer_tc_body(x_ref, a0_ref, a1_ref, d0_ref, d1_ref,
                   ws_ref, wn_ref, b_ref, o_ref, *, relu):
    deg = d0_ref[...] + d1_ref[...]
    rdeg = (1.0 / jnp.maximum(deg, 1.0)).reshape(1, deg.shape[0])
    rd_mat = lax.dot_general(rdeg, jnp.ones((1, 128), jnp.float32),
                             (((0,), (0,)), ((), ())),
                             preferred_element_type=jnp.float32)
    hn = (a0_ref[0] + a1_ref[0]) * rd_mat
    acc = (jnp.dot(x_ref[...], ws_ref[...], preferred_element_type=jnp.float32)
           + jnp.dot(hn, wn_ref[...], preferred_element_type=jnp.float32)
           + b_ref[...])
    o_ref[...] = jnp.maximum(acc, 0.0) if relu else acc


def _layer_tc(x, aggp, degp, wself_t, wneigh_t, bias, relu):
    BN = 256
    grid = (NPAD // BN,)
    nb = NPAD // BN
    return pl.pallas_call(
        functools.partial(_layer_tc_body, relu=relu),
        grid=grid,
        in_specs=[
            pl.BlockSpec((BN, 128), lambda i: (i, 0)),
            pl.BlockSpec((1, BN, 128), lambda i: (0, i, 0)),
            pl.BlockSpec((1, BN, 128), lambda i: (1, i, 0)),
            pl.BlockSpec((BN,), lambda i: (i,)),
            pl.BlockSpec((BN,), lambda i: (i + nb,)),
            pl.BlockSpec((128, 128), lambda i: (0, 0)),
            pl.BlockSpec((128, 128), lambda i: (0, 0)),
            pl.BlockSpec((1, 128), lambda i: (0, 0)),
        ],
        out_specs=pl.BlockSpec((BN, 128), lambda i: (i, 0)),
        out_shape=jax.ShapeDtypeStruct((NPAD, 128), jnp.float32),
    )(x, aggp, aggp, degp, degp, wself_t, wneigh_t, bias)


def _decoder_tc_body(sp_ref, sn_ref, dp_ref, dn_ref, w1_ref, b1_ref,
                     w2_ref, b2_ref, w3_ref, b3_ref, op_ref, on_ref):
    e = jnp.concatenate([sp_ref[...] * dp_ref[...],
                         sn_ref[...] * dn_ref[...]], axis=0)
    e = jnp.maximum(
        jnp.dot(e, w1_ref[...], preferred_element_type=jnp.float32) + b1_ref[...], 0.0)
    e = jnp.maximum(
        jnp.dot(e, w2_ref[...], preferred_element_type=jnp.float32) + b2_ref[...], 0.0)
    r = jnp.dot(e, w3_ref[...], preferred_element_type=jnp.float32) + b3_ref[...]
    bp = op_ref.shape[0]
    op_ref[...] = r[:bp]
    on_ref[...] = r[bp:]


def _decoder_tc(g, w1t, b1, w2t, b2, w3t, b3):
    BP = 512
    nb = PPAD // BP
    grid = (nb,)
    qspec = lambda q: pl.BlockSpec((BP, 128), lambda i, q=q: (i + q * nb, 0))
    return pl.pallas_call(
        _decoder_tc_body,
        grid=grid,
        in_specs=[
            qspec(0), qspec(1), qspec(2), qspec(3),
            pl.BlockSpec((128, 128), lambda i: (0, 0)),
            pl.BlockSpec((1, 128), lambda i: (0, 0)),
            pl.BlockSpec((128, 128), lambda i: (0, 0)),
            pl.BlockSpec((1, 128), lambda i: (0, 0)),
            pl.BlockSpec((128, 1), lambda i: (0, 0)),
            pl.BlockSpec((1, 1), lambda i: (0, 0)),
        ],
        out_specs=[pl.BlockSpec((BP, 1), lambda i: (i, 0)),
                   pl.BlockSpec((BP, 1), lambda i: (i, 0))],
        out_shape=[jax.ShapeDtypeStruct((PPAD, 1), jnp.float32),
                   jax.ShapeDtypeStruct((PPAD, 1), jnp.float32)],
    )(g, g, g, g, w1t, b1, w2t, b2, w3t, b3)


def _pad_edges(edge_index):
    src = edge_index[0]
    dst = edge_index[1]
    pad = EPAD - N_EDGES
    src = jnp.concatenate([src, jnp.zeros((pad,), jnp.int32)])
    trash = N_NODES + (jnp.arange(pad, dtype=jnp.int32) % (NPAD - N_NODES))
    dst = jnp.concatenate([dst, trash])

    def split(a):
        a = a.reshape(NS, CPTA + CPTB, CHUNK)
        pa = jnp.pad(a[:, :CPTA], ((0, 0), (0, CPTB - CPTA), (0, 0)))
        return jnp.stack([pa, a[:, CPTA:]], axis=1).reshape(NW, CPTB, CHUNK)
    return split(src), split(dst)


def kernel(x, edge_index_l0, edge_index_l1, pos_edge_index, neg_edge_index,
           Wself0, Wneigh0, b0, Wself1, Wneigh1, b1,
           Wd1, bd1, Wd2, bd2, Wd3, bd3):
    xp = jnp.pad(x, ((0, NPAD - N_NODES), (0, 0)))
    src0, dst0 = _pad_edges(edge_index_l0)
    src1, dst1 = _pad_edges(edge_index_l1)

    aggp0, degp0 = _sage_agg(xp, src0, dst0)
    h0 = _layer_tc(xp, aggp0, degp0, Wself0.T, Wneigh0.T,
                   b0.reshape(1, D), relu=True)

    aggp1, degp1 = _sage_agg(h0, src1, dst1)
    h1 = _layer_tc(h0, aggp1, degp1, Wself1.T, Wneigh1.T,
                   b1.reshape(1, D), relu=False)

    zpad = jnp.zeros((PPAD - N_PAIR,), jnp.int32)
    idx_all = jnp.concatenate([
        pos_edge_index[0], zpad, neg_edge_index[0], zpad,
        pos_edge_index[1], zpad, neg_edge_index[1], zpad,
    ]).reshape(NW, GPT0, CHUNK)
    gathered = _pair_gather(h1, idx_all)

    dec_p, dec_n = _decoder_tc(gathered, Wd1.T, bd1.reshape(1, D), Wd2.T,
                               bd2.reshape(1, D), Wd3.T, bd3.reshape(1, 1))
    return (dec_p[:N_PAIR], dec_n[:N_PAIR])

# --- scband reference (transcript-rebuilt; emitter-appended) ---
"""Pipeline reference for scband-graph-sagemodel-11793980195325 (READ-ONLY COPY).

The authoritative reference and input builder live on the scoring server;
editing this copy changes nothing except your own understanding.
"""

import jax, jax.numpy as jnp
import numpy as np

N_NODES = 10000
N_EDGES = 320000
N_PAIR = 20000
D = 128


def setup_inputs(seed: int = 0) -> dict:
    key = jax.random.key(seed)
    ks = jax.random.split(key, 24)
    inp = {}
    inp["x"] = jax.random.normal(ks[0], (N_NODES, D), dtype=jnp.float32)
    inp["edge_index_l0"] = jax.random.randint(ks[1], (2, N_EDGES), 0, N_NODES, dtype=jnp.int32)
    inp["edge_index_l1"] = jax.random.randint(ks[2], (2, N_EDGES), 0, N_NODES, dtype=jnp.int32)
    inp["pos_edge_index"] = jax.random.randint(ks[3], (2, N_PAIR), 0, N_NODES, dtype=jnp.int32)
    inp["neg_edge_index"] = jax.random.randint(ks[4], (2, N_PAIR), 0, N_NODES, dtype=jnp.int32)
    s = 1.0 / np.sqrt(D)
    # SAGEConv layer 0 (in_feats=128 -> hidden=128) and layer 1 (hidden -> hidden)
    inp["Wself0"] = jax.random.uniform(ks[5], (D, D), jnp.float32, -s, s)
    inp["Wneigh0"] = jax.random.uniform(ks[6], (D, D), jnp.float32, -s, s)
    inp["b0"] = jnp.zeros((D,), jnp.float32)
    inp["Wself1"] = jax.random.uniform(ks[7], (D, D), jnp.float32, -s, s)
    inp["Wneigh1"] = jax.random.uniform(ks[8], (D, D), jnp.float32, -s, s)
    inp["b1"] = jnp.zeros((D,), jnp.float32)
    # EdgeDecoder MLP: D->D, D->D, D->1
    inp["Wd1"] = jax.random.uniform(ks[9], (D, D), jnp.float32, -s, s)
    inp["bd1"] = jax.random.uniform(ks[10], (D,), jnp.float32, -s, s)
    inp["Wd2"] = jax.random.uniform(ks[11], (D, D), jnp.float32, -s, s)
    inp["bd2"] = jax.random.uniform(ks[12], (D,), jnp.float32, -s, s)
    inp["Wd3"] = jax.random.uniform(ks[13], (1, D), jnp.float32, -s, s)
    inp["bd3"] = jax.random.uniform(ks[14], (1,), jnp.float32, -s, s)
    return inp


def _sage_conv_mean(h, edge_index, Wself, Wneigh, b):
    src = edge_index[0]
    dst = edge_index[1]
    msgs = jnp.take(h, src, axis=0)
    agg = jax.ops.segment_sum(msgs, dst, num_segments=h.shape[0])
    deg = jax.ops.segment_sum(jnp.ones((edge_index.shape[1],), h.dtype), dst, num_segments=h.shape[0])
    h_neigh = agg / jnp.maximum(deg, 1.0)[:, None]
    return h @ Wself.T + h_neigh @ Wneigh.T + b


def _edge_decoder(h, edge_index, Wd1, bd1, Wd2, bd2, Wd3, bd3):
    src = edge_index[0]
    dst = edge_index[1]
    e = jnp.take(h, src, axis=0) * jnp.take(h, dst, axis=0)
    e = jax.nn.relu(e @ Wd1.T + bd1)
    e = jax.nn.relu(e @ Wd2.T + bd2)
    return e @ Wd3.T + bd3


def reference(x, edge_index_l0, edge_index_l1, pos_edge_index, neg_edge_index,
              Wself0, Wneigh0, b0, Wself1, Wneigh1, b1,
              Wd1, bd1, Wd2, bd2, Wd3, bd3):
    # GraphSAGE encoder: 2 SAGEConv layers, ReLU between (not after last)
    h = _sage_conv_mean(x, edge_index_l0, Wself0, Wneigh0, b0)
    h = jax.nn.relu(h)
    h = _sage_conv_mean(h, edge_index_l1, Wself1, Wneigh1, b1)
    # EdgeDecoder on positive and negative pair graphs
    h_pos = _edge_decoder(h, pos_edge_index, Wd1, bd1, Wd2, bd2, Wd3, bd3)
    h_neg = _edge_decoder(h, neg_edge_index, Wd1, bd1, Wd2, bd2, Wd3, bd3)
    return (h_pos, h_neg)

if __name__ == "__main__":
    import jax
    _d = setup_inputs()
    print(jax.jit(kernel)(*tuple(_d.values())))

</pallas_src>

<mosaic_0001>
#map = affine_map<(d0, d1) -> (0, 0)>
#map1 = affine_map<(d0, d1) -> (0, 0, 0)>
module attributes {stable_mosaic.version = 14 : i64} {
  func.func @_pair_gather_body(%arg0: i32, %arg1: i32, %arg2: memref<10240x128xf32, #tpu.memory_space<hbm>>, %arg3: memref<32x20x128xi32, #tpu.memory_space<hbm>>, %arg4: memref<81920x128xf32, #tpu.memory_space<hbm>>, %arg5: memref<20x128xi32, #tpu.memory_space<vmem>>, %arg6: memref<128x128xf32, #tpu.memory_space<vmem>>, %arg7: memref<!tpu.dma_semaphore, #tpu.memory_space<semaphore_mem>>, %arg8: memref<!tpu.dma_semaphore, #tpu.memory_space<semaphore_mem>>) attributes {dimension_semantics = [#tpu.dimension_semantics<core_parallel>, #tpu.dimension_semantics<subcore_parallel>], iteration_bounds = array<i64: 2, 16>, scalar_prefetch = 0 : i64, scratch_operands = 4 : i64, tpu.core_type = #tpu.core_type<sc_vector_subcore>, window_params = [{transform_indices = #map}, {transform_indices = #map1}, {transform_indices = #map}]} {
    %mul3A = arith.constant 2 : i32
    %mul3A_0 = arith.muli %arg1, %mul3A : i32
    %add3A = arith.addi %mul3A_0, %arg0 : i32
    "tpu.region"() ({
      %run_scoped3A = tpu.sem_alloc : memref<!tpu.dma_semaphore, #tpu.memory_space<semaphore_mem>>
      %dma_start3A = arith.constant 0 : i32
      %dma_start3A_7 = arith.constant 0 : i32
      %dma_start3A_8 = tpu.memref_slice %arg3[%add3A, %dma_start3A, %dma_start3A_7] : memref<32x20x128xi32, #tpu.memory_space<hbm>> -> memref<1x20x128xi32, #tpu.memory_space<hbm>>
      %dma_start3A_9 = tpu.memref_squeeze %dma_start3A_8 : memref<1x20x128xi32, #tpu.memory_space<hbm>> -> memref<20x128xi32, #tpu.memory_space<hbm>>
      %dma_start3A_10 = arith.constant 0 : i32
      %dma_start3A_11 = arith.constant 0 : i32
      %dma_start3A_12 = tpu.memref_slice %arg3[%add3A, %dma_start3A_10, %dma_start3A_11] : memref<32x20x128xi32, #tpu.memory_space<hbm>> -> memref<1x20x128xi32, #tpu.memory_space<hbm>>
      %dma_start3A_13 = tpu.memref_squeeze %dma_start3A_12 : memref<1x20x128xi32, #tpu.memory_space<hbm>> -> memref<20x128xi32, #tpu.memory_space<hbm>>
      tpu.enqueue_dma source(%dma_start3A_13 : memref<20x128xi32, #tpu.memory_space<hbm>>) target(%arg5 : memref<20x128xi32, #tpu.memory_space<vmem>>) target_semaphore(%run_scoped3A : memref<!tpu.dma_semaphore, #tpu.memory_space<semaphore_mem>>)
      %dma_wait3A = arith.constant 0 : i32
      %dma_wait3A_14 = arith.constant 0 : i32
      %dma_wait3A_15 = tpu.memref_slice %arg3[%add3A, %dma_wait3A, %dma_wait3A_14] : memref<32x20x128xi32, #tpu.memory_space<hbm>> -> memref<1x20x128xi32, #tpu.memory_space<hbm>>
      %dma_wait3A_16 = tpu.memref_squeeze %dma_wait3A_15 : memref<1x20x128xi32, #tpu.memory_space<hbm>> -> memref<20x128xi32, #tpu.memory_space<hbm>>
      %dma_wait3A_17 = arith.constant 0 : i32
      %dma_wait3A_18 = arith.constant 0 : i32
      %dma_wait3A_19 = tpu.memref_slice %arg3[%add3A, %dma_wait3A_17, %dma_wait3A_18] : memref<32x20x128xi32, #tpu.memory_space<hbm>> -> memref<1x20x128xi32, #tpu.memory_space<hbm>>
      %dma_wait3A_20 = tpu.memref_squeeze %dma_wait3A_19 : memref<1x20x128xi32, #tpu.memory_space<hbm>> -> memref<20x128xi32, #tpu.memory_space<hbm>>
      tpu.wait_dma2 semaphore(%run_scoped3A : memref<!tpu.dma_semaphore, #tpu.memory_space<semaphore_mem>>) src(%dma_wait3A_20 : memref<20x128xi32, #tpu.memory_space<hbm>>) dst(%arg5 : memref<20x128xi32, #tpu.memory_space<vmem>>)
      tpu.yield
    }) : () -> ()
    %scan3A = arith.constant 0 : i32
    %scan3A_1 = arith.constant 0 : i32
    %scan3A_2 = arith.constant 20 : i32
    %scan3A_3 = arith.addi %scan3A_1, %scan3A_2 : i32
    %scan3A_4 = arith.constant 1 : i32
    %scan3A_5 = scf.for %scan3A_7 = %scan3A_1 to %scan3A_3 step %scan3A_4 iter_args(%scan3A_8 = %scan3A) -> (i32)  : i32 {
      %dma_start3A = arith.constant 0 : i32
      %dma_start3A_9 = tpu.memref_slice %arg5[%scan3A_7, %dma_start3A] : memref<20x128xi32, #tpu.memory_space<vmem>> -> memref<1x128xi32, #tpu.memory_space<vmem>>
      %dma_start3A_10 = tpu.memref_squeeze %dma_start3A_9 : memref<1x128xi32, #tpu.memory_space<vmem>> -> memref<128xi32, #tpu.memory_space<vmem>>
      %dma_start3A_11 = arith.constant 0 : i32
      %dma_start3A_12 = arith.constant 0 : i32
      %dma_start3A_13 = tpu.memref_slice %arg2[%dma_start3A_11, %dma_start3A_12] : memref<10240x128xf32, #tpu.memory_space<hbm>> -> memref<10240x128xf32, #tpu.memory_space<hbm>>
      tpu.enqueue_indirect_dma source(%dma_start3A_13 : memref<10240x128xf32, #tpu.memory_space<hbm>>) target(%arg6 : memref<128x128xf32, #tpu.memory_space<vmem>>) offsets(%dma_start3A_10 : memref<128xi32, #tpu.memory_space<vmem>>) semaphore(%arg7 : memref<!tpu.dma_semaphore, #tpu.memory_space<semaphore_mem>>)
      %dma_wait3A = arith.constant 0 : i32
      %dma_wait3A_14 = tpu.memref_slice %arg5[%scan3A_7, %dma_wait3A] : memref<20x128xi32, #tpu.memory_space<vmem>> -> memref<1x128xi32, #tpu.memory_space<vmem>>
      %dma_wait3A_15 = tpu.memref_squeeze %dma_wait3A_14 : memref<1x128xi32, #tpu.memory_space<vmem>> -> memref<128xi32, #tpu.memory_space<vmem>>
      %dma_wait3A_16 = arith.constant 0 : i32
      %dma_wait3A_17 = arith.constant 0 : i32
      %dma_wait3A_18 = tpu.memref_slice %arg2[%dma_wait3A_16, %dma_wait3A_17] : memref<10240x128xf32, #tpu.memory_space<hbm>> -> memref<10240x128xf32, #tpu.memory_space<hbm>>
      tpu.wait_indirect_dma semaphore(%arg7 : memref<!tpu.dma_semaphore, #tpu.memory_space<semaphore_mem>>) src(%dma_wait3A_18 : memref<10240x128xf32, #tpu.memory_space<hbm>>) dst(%arg6 : memref<128x128xf32, #tpu.memory_space<vmem>>)
      %mul3A_19 = arith.constant 20 : i32
      %mul3A_20 = arith.muli %add3A, %mul3A_19 : i32
      %add3A_21 = arith.addi %mul3A_20, %scan3A_7 : i32
      %mul3A_22 = arith.constant 128 : i32
      %mul3A_23 = arith.muli %add3A_21, %mul3A_22 : i32
      %dma_start3A_24 = arith.constant 0 : i32
      %dma_start3A_25 = tpu.memref_slice %arg4[%mul3A_23, %dma_start3A_24] : memref<81920x128xf32, #tpu.memory_space<hbm>> -> memref<128x128xf32, #tpu.memory_space<hbm>>
      %dma_start3A_26 = arith.constant 0 : i32
      %dma_start3A_27 = tpu.memref_slice %arg4[%mul3A_23, %dma_start3A_26] : memref<81920x128xf32, #tpu.memory_space<hbm>> -> memref<128x128xf32, #tpu.memory_space<hbm>>
      tpu.enqueue_dma source(%arg6 : memref<128x128xf32, #tpu.memory_space<vmem>>) target(%dma_start3A_27 : memref<128x128xf32, #tpu.memory_space<hbm>>) target_semaphore(%arg8 : memref<!tpu.dma_semaphore, #tpu.memory_space<semaphore_mem>>)
      %dma_wait3A_28 = arith.constant 0 : i32
      %dma_wait3A_29 = tpu.memref_slice %arg4[%mul3A_23, %dma_wait3A_28] : memref<81920x128xf32, #tpu.memory_space<hbm>> -> memref<128x128xf32, #tpu.memory_space<hbm>>
      %dma_wait3A_30 = arith.constant 0 : i32
      %dma_wait3A_31 = tpu.memref_slice %arg4[%mul3A_23, %dma_wait3A_30] : memref<81920x128xf32, #tpu.memory_space<hbm>> -> memref<128x128xf32, #tpu.memory_space<hbm>>
      tpu.wait_dma2 semaphore(%arg8 : memref<!tpu.dma_semaphore, #tpu.memory_space<semaphore_mem>>) src(%arg6 : memref<128x128xf32, #tpu.memory_space<vmem>>) dst(%dma_wait3A_31 : memref<128x128xf32, #tpu.memory_space<hbm>>)
      %scan3A_32 = arith.constant 0 : i32
      scf.yield %scan3A_32 : i32
    }
    %scan3A_6 = arith.constant 20 : i32
    return
  }
}

#map = affine_map<(d0, d1) -> (0, 0)>
#map1 = affine_map<(d0, d1) -> (0, 0, 0)>
#map2 = affine_map<(d0, d1) -> (0)>
module attributes {stable_mosaic.version = 14 : i64} {
  func.func @_sage_agg_body(%arg0: i32, %arg1: i32, %arg2: memref<10240x128xf32, #tpu.memory_space<hbm>>, %arg3: memref<32x104x128xi32, #tpu.memory_space<hbm>>, %arg4: memref<32x104x128xi32, #tpu.memory_space<hbm>>, %arg5: memref<2x10240x128xf32, #tpu.memory_space<hbm>>, %arg6: memref<20480xf32, #tpu.memory_space<hbm>>, %arg7: memref<104x128xi32, #tpu.memory_space<vmem>>, %arg8: memref<104x128xi32, #tpu.memory_space<vmem>>, %arg9: memref<128x128xf32, #tpu.memory_space<vmem>>, %arg10: memref<128xf32, #tpu.memory_space<vmem>>, %arg11: memref<640xf32, #tpu.memory_space<vmem>>, %arg12: memref<10240x128xf32, #tpu.memory_space<vmem_shared>>, %arg13: memref<10240xf32, #tpu.memory_space<vmem_shared>>, %arg14: memref<!tpu.dma_semaphore, #tpu.memory_space<semaphore_mem>>) attributes {dimension_semantics = [#tpu.dimension_semantics<core_parallel>, #tpu.dimension_semantics<subcore_parallel>], iteration_bounds = array<i64: 2, 16>, scalar_prefetch = 0 : i64, scratch_operands = 8 : i64, tpu.core_type = #tpu.core_type<sc_vector_subcore>, window_params = [{transform_indices = #map}, {transform_indices = #map1}, {transform_indices = #map1}, {transform_indices = #map1}, {transform_indices = #map2}]} {
    %mul3A = arith.constant 640 : i32
    %mul3A_0 = arith.muli %arg1, %mul3A : i32
    %scan3A = arith.constant 0 : i32
    %scan3A_1 = arith.constant 0 : i32
    %scan3A_2 = arith.constant 1024 : i32
    %scan3A_3 = arith.addi %scan3A_1, %scan3A_2 : i32
    %scan3A_4 = arith.constant 1 : i32
    %scan3A_5 = scf.for %scan3A_99 = %scan3A_1 to %scan3A_3 step %scan3A_4 iter_args(%scan3A_100 = %scan3A) -> (i32)  : i32 {
      %broadcast_in_dim3A_101 = arith.constant 0.000000e+00 : f32
      %broadcast_in_dim3A_102 = vector.broadcast %broadcast_in_dim3A_101 : f32 to vector<16xf32>
      %jit3A_103 = arith.constant 8 : i32
      %div3A = arith.divsi %scan3A_99, %jit3A_103 : i32
      %sign3A = arith.constant 0 : i32
      %sign3A_104 = arith.cmpi sgt, %scan3A_99, %sign3A : i32
      %sign3A_105 = arith.extui %sign3A_104 : i1 to i32
      %sign3A_106 = arith.constant 0 : i32
      %sign3A_107 = arith.cmpi slt, %scan3A_99, %sign3A_106 : i32
      %sign3A_108 = arith.extui %sign3A_107 : i1 to i32
      %sign3A_109 = arith.subi %sign3A_105, %sign3A_108 : i32
      %sign3A_110 = arith.constant 0 : i32
      %sign3A_111 = arith.cmpi sgt, %jit3A_103, %sign3A_110 : i32
      %sign3A_112 = arith.extui %sign3A_111 : i1 to i32
      %sign3A_113 = arith.constant 0 : i32
      %sign3A_114 = arith.cmpi slt, %jit3A_103, %sign3A_113 : i32
      %sign3A_115 = arith.extui %sign3A_114 : i1 to i32
      %sign3A_116 = arith.subi %sign3A_112, %sign3A_115 : i32
      %ne3A = arith.cmpi ne, %sign3A_109, %sign3A_116 : i32
      %rem3A = arith.remsi %scan3A_99, %jit3A_103 : i32
      %ne3A_117 = arith.constant 0 : i32
      %ne3A_118 = arith.cmpi ne, %rem3A, %ne3A_117 : i32
      %and3A = arith.andi %ne3A, %ne3A_118 : i1
      %sub3A = arith.constant 1 : i32
      %sub3A_119 = arith.subi %div3A, %sub3A : i32
      %select_n3A_120 = arith.select %and3A, %sub3A_119, %div3A : i32
      %jit3A_121 = arith.constant 8 : i32
      %eq3A_122 = arith.constant 0 : i32
      %eq3A_123 = arith.cmpi eq, %jit3A_121, %eq3A_122 : i32
      %jit3A_124 = arith.constant 1 : i32
      %select_n3A_125 = arith.select %eq3A_123, %jit3A_124, %jit3A_121 : i32
      %rem3A_126 = arith.remsi %scan3A_99, %select_n3A_125 : i32
      %ne3A_127 = arith.constant 0 : i32
      %ne3A_128 = arith.cmpi ne, %rem3A_126, %ne3A_127 : i32
      %lt3A = arith.constant 0 : i32
      %lt3A_129 = arith.cmpi slt, %rem3A_126, %lt3A : i32
      %lt3A_130 = arith.constant 0 : i32
      %lt3A_131 = arith.cmpi slt, %select_n3A_125, %lt3A_130 : i32
      %ne3A_132 = arith.xori %lt3A_129, %lt3A_131 : i1
      %and3A_133 = arith.andi %ne3A_132, %ne3A_128 : i1
      %add3A_134 = arith.addi %rem3A_126, %select_n3A_125 : i32
      %select_n3A_135 = arith.select %and3A_133, %add3A_134, %rem3A_126 : i32
      %mul3A_136 = arith.constant 16 : i32
      %mul3A_137 = arith.muli %select_n3A_135, %mul3A_136 : i32
      %swap3A_138 = arith.index_cast %select_n3A_120 : i32 to index
      %swap3A_139 = arith.index_cast %mul3A_137 : i32 to index
      %swap3A_140 = tpu.vector_load %arg9[%swap3A_138, %swap3A_139] {strides = array<i32>} : memref<128x128xf32, #tpu.memory_space<vmem>>, vector<1x16xf32>,
      %swap3A_141 = vector.shape_cast %swap3A_140 : vector<1x16xf32> to vector<16xf32>
      %swap3A_142 = vector.shape_cast %broadcast_in_dim3A_102 : vector<16xf32> to vector<1x16xf32>
      tpu.vector_store %arg9[%swap3A_138, %swap3A_139], %swap3A_142 {strides = array<i32>} : memref<128x128xf32, #tpu.memory_space<vmem>>, vector<1x16xf32>,
      %scan3A_143 = arith.constant 0 : i32
      scf.yield %scan3A_143 : i32
    }
    %scan3A_6 = arith.constant 1024 : i32
    %scan3A_7 = arith.constant 0 : i32
    %scan3A_8 = arith.constant 0 : i32
    %scan3A_9 = arith.constant 40 : i32
    %scan3A_10 = arith.addi %scan3A_8, %scan3A_9 : i32
    %scan3A_11 = arith.constant 1 : i32
    %scan3A_12 = scf.for %scan3A_99 = %scan3A_8 to %scan3A_10 step %scan3A_11 iter_args(%scan3A_100 = %scan3A_7) -> (i32)  : i32 {
      %broadcast_in_dim3A_101 = arith.constant 0.000000e+00 : f32
      %broadcast_in_dim3A_102 = vector.broadcast %broadcast_in_dim3A_101 : f32 to vector<16xf32>
      %mul3A_103 = arith.constant 16 : i32
      %mul3A_104 = arith.muli %scan3A_99, %mul3A_103 : i32
      %swap3A_105 = arith.index_cast %mul3A_104 : i32 to index
      %swap3A_106 = tpu.vector_load %arg11[%swap3A_105] {strides = array<i32>} : memref<640xf32, #tpu.memory_space<vmem>>, vector<16xf32>,
      %swap3A_107 = vector.shape_cast %swap3A_106 : vector<16xf32> to vector<16xf32>
      %swap3A_108 = vector.shape_cast %broadcast_in_dim3A_102 : vector<16xf32> to vector<16xf32>
      tpu.vector_store %arg11[%swap3A_105], %swap3A_108 {strides = array<i32>} : memref<640xf32, #tpu.memory_space<vmem>>, vector<16xf32>,
      %scan3A_109 = arith.constant 0 : i32
      scf.yield %scan3A_109 : i32
    }
    %scan3A_13 = arith.constant 40 : i32
    %broadcast_in_dim3A = arith.constant 1.000000e+00 : f32
    %broadcast_in_dim3A_14 = vector.broadcast %broadcast_in_dim3A : f32 to vector<16xf32>
    %swap3A = arith.constant 0 : index
    %swap3A_15 = tpu.vector_load %arg10[%swap3A] {strides = array<i32>} : memref<128xf32, #tpu.memory_space<vmem>>, vector<16xf32>,
    %swap3A_16 = vector.shape_cast %swap3A_15 : vector<16xf32> to vector<16xf32>
    %swap3A_17 = vector.shape_cast %broadcast_in_dim3A_14 : vector<16xf32> to vector<16xf32>
    tpu.vector_store %arg10[%swap3A], %swap3A_17 {strides = array<i32>} : memref<128xf32, #tpu.memory_space<vmem>>, vector<16xf32>,
    %broadcast_in_dim3A_18 = arith.constant 1.000000e+00 : f32
    %broadcast_in_dim3A_19 = vector.broadcast %broadcast_in_dim3A_18 : f32 to vector<16xf32>
    %swap3A_20 = arith.constant 16 : index
    %swap3A_21 = tpu.vector_load %arg10[%swap3A_20] {strides = array<i32>} : memref<128xf32, #tpu.memory_space<vmem>>, vector<16xf32>,
    %swap3A_22 = vector.shape_cast %swap3A_21 : vector<16xf32> to vector<16xf32>
    %swap3A_23 = vector.shape_cast %broadcast_in_dim3A_19 : vector<16xf32> to vector<16xf32>
    tpu.vector_store %arg10[%swap3A_20], %swap3A_23 {strides = array<i32>} : memref<128xf32, #tpu.memory_space<vmem>>, vector<16xf32>,
    %broadcast_in_dim3A_24 = arith.constant 1.000000e+00 : f32
    %broadcast_in_dim3A_25 = vector.broadcast %broadcast_in_dim3A_24 : f32 to vector<16xf32>
    %swap3A_26 = arith.constant 32 : index
    %swap3A_27 = tpu.vector_load %arg10[%swap3A_26] {strides = array<i32>} : memref<128xf32, #tpu.memory_space<vmem>>, vector<16xf32>,
    %swap3A_28 = vector.shape_cast %swap3A_27 : vector<16xf32> to vector<16xf32>
    %swap3A_29 = vector.shape_cast %broadcast_in_dim3A_25 : vector<16xf32> to vector<16xf32>
    tpu.vector_store %arg10[%swap3A_26], %swap3A_29 {strides = array<i32>} : memref<128xf32, #tpu.memory_space<vmem>>, vector<16xf32>,
    %broadcast_in_dim3A_30 = arith.constant 1.000000e+00 : f32
    %broadcast_in_dim3A_31 = vector.broadcast %broadcast_in_dim3A_30 : f32 to vector<16xf32>
    %swap3A_32 = arith.constant 48 : index
    %swap3A_33 = tpu.vector_load %arg10[%swap3A_32] {strides = array<i32>} : memref<128xf32, #tpu.memory_space<vmem>>, vector<16xf32>,
    %swap3A_34 = vector.shape_cast %swap3A_33 : vector<16xf32> to vector<16xf32>
    %swap3A_35 = vector.shape_cast %broadcast_in_dim3A_31 : vector<16xf32> to vector<16xf32>
    tpu.vector_store %arg10[%swap3A_32], %swap3A_35 {strides = array<i32>} : memref<128xf32, #tpu.memory_space<vmem>>, vector<16xf32>,
    %broadcast_in_dim3A_36 = arith.constant 1.000000e+00 : f32
    %broadcast_in_dim3A_37 = vector.broadcast %broadcast_in_dim3A_36 : f32 to vector<16xf32>
    %swap3A_38 = arith.constant 64 : index
    %swap3A_39 = tpu.vector_load %arg10[%swap3A_38] {strides = array<i32>} : memref<128xf32, #tpu.memory_space<vmem>>, vector<16xf32>,
    %swap3A_40 = vector.shape_cast %swap3A_39 : vector<16xf32> to vector<16xf32>
    %swap3A_41 = vector.shape_cast %broadcast_in_dim3A_37 : vector<16xf32> to vector<16xf32>
    tpu.vector_store %arg10[%swap3A_38], %swap3A_41 {strides = array<i32>} : memref<128xf32, #tpu.memory_space<vmem>>, vector<16xf32>,
    %broadcast_in_dim3A_42 = arith.constant 1.000000e+00 : f32
    %broadcast_in_dim3A_43 = vector.broadcast %broadcast_in_dim3A_42 : f32 to vector<16xf32>
    %swap3A_44 = arith.constant 80 : index
    %swap3A_45 = tpu.vector_load %arg10[%swap3A_44] {strides = array<i32>} : memref<128xf32, #tpu.memory_space<vmem>>, vector<16xf32>,
    %swap3A_46 = vector.shape_cast %swap3A_45 : vector<16xf32> to vector<16xf32>
    %swap3A_47 = vector.shape_cast %broadcast_in_dim3A_43 : vector<16xf32> to vector<16xf32>
    tpu.vector_store %arg10[%swap3A_44], %swap3A_47 {strides = array<i32>} : memref<128xf32, #tpu.memory_space<vmem>>, vector<16xf32>,
    %broadcast_in_dim3A_48 = arith.constant 1.000000e+00 : f32
    %broadcast_in_dim3A_49 = vector.broadcast %broadcast_in_dim3A_48 : f32 to vector<16xf32>
    %swap3A_50 = arith.constant 96 : index
    %swap3A_51 = tpu.vector_load %arg10[%swap3A_50] {strides = array<i32>} : memref<128xf32, #tpu.memory_space<vmem>>, vector<16xf32>,
    %swap3A_52 = vector.shape_cast %swap3A_51 : vector<16xf32> to vector<16xf32>
    %swap3A_53 = vector.shape_cast %broadcast_in_dim3A_49 : vector<16xf32> to vector<16xf32>
    tpu.vector_store %arg10[%swap3A_50], %swap3A_53 {strides = array<i32>} : memref<128xf32, #tpu.memory_space<vmem>>, vector<16xf32>,
    %broadcast_in_dim3A_54 = arith.constant 1.000000e+00 : f32
    %broadcast_in_dim3A_55 = vector.broadcast %broadcast_in_dim3A_54 : f32 to vector<16xf32>
    %swap3A_56 = arith.constant 112 : index
    %swap3A_57 = tpu.vector_load %arg10[%swap3A_56] {strides = array<i32>} : memref<128xf32, #tpu.memory_space<vmem>>, vector<16xf32>,
    %swap3A_58 = vector.shape_cast %swap3A_57 : vector<16xf32> to vector<16xf32>
    %swap3A_59 = vector.shape_cast %broadcast_in_dim3A_55 : vector<16xf32> to vector<16xf32>
    tpu.vector_store %arg10[%swap3A_56], %swap3A_59 {strides = array<i32>} : memref<128xf32, #tpu.memory_space<vmem>>, vector<16xf32>,
    %add3A = arith.constant 0 : i32
    %add3A_60 = arith.addi %mul3A_0, %add3A : i32
    "tpu.region"() ({
      %run_scoped3A = tpu.sem_alloc : memref<!tpu.dma_semaphore, #tpu.memory_space<semaphore_mem>>
      %dma_start3A = arith.constant 0 : i32
      %dma_start3A_99 = tpu.memref_slice %arg12[%add3A_60, %dma_start3A] : memref<10240x128xf32, #tpu.memory_space<vmem_shared>> -> memref<128x128xf32, #tpu.memory_space<vmem_shared>>
      %dma_start3A_100 = arith.constant 0 : i32
      %dma_start3A_101 = tpu.memref_slice %arg12[%add3A_60, %dma_start3A_100] : memref<10240x128xf32, #tpu.memory_space<vmem_shared>> -> memref<128x128xf32, #tpu.memory_space<vmem_shared>>
      tpu.enqueue_dma source(%arg9 : memref<128x128xf32, #tpu.memory_space<vmem>>) target(%dma_start3A_101 : memref<128x128xf32, #tpu.memory_space<vmem_shared>>) target_semaphore(%run_scoped3A : memref<!tpu.dma_semaphore, #tpu.memory_space<semaphore_mem>>)
      %dma_wait3A = arith.constant 0 : i32
      %dma_wait3A_102 = tpu.memref_slice %arg12[%add3A_60, %dma_wait3A] : memref<10240x128xf32, #tpu.memory_space<vmem_shared>> -> memref<128x128xf32, #tpu.memory_space<vmem_shared>>
      %dma_wait3A_103 = arith.constant 0 : i32
      %dma_wait3A_104 = tpu.memref_slice %arg12[%add3A_60, %dma_wait3A_103] : memref<10240x128xf32, #tpu.memory_space<vmem_shared>> -> memref<128x128xf32, #tpu.memory_space<vmem_shared>>
      tpu.wait_dma2 semaphore(%run_scoped3A : memref<!tpu.dma_semaphore, #tpu.memory_space<semaphore_mem>>) src(%arg9 : memref<128x128xf32, #tpu.memory_space<vmem>>) dst(%dma_wait3A_104 : memref<128x128xf32, #tpu.memory_space<vmem_shared>>)
      tpu.yield
    }) : () -> ()
    %add3A_61 = arith.constant 128 : i32
    %add3A_62 = arith.addi %mul3A_0, %add3A_61 : i32
    "tpu.region"() ({
      %run_scoped3A = tpu.sem_alloc : memref<!tpu.dma_semaphore, #tpu.memory_space<semaphore_mem>>
      %dma_start3A = arith.constant 0 : i32
      %dma_start3A_99 = tpu.memref_slice %arg12[%add3A_62, %dma_start3A] : memref<10240x128xf32, #tpu.memory_space<vmem_shared>> -> memref<128x128xf32, #tpu.memory_space<vmem_shared>>
      %dma_start3A_100 = arith.constant 0 : i32
      %dma_start3A_101 = tpu.memref_slice %arg12[%add3A_62, %dma_start3A_100] : memref<10240x128xf32, #tpu.memory_space<vmem_shared>> -> memref<128x128xf32, #tpu.memory_space<vmem_shared>>
      tpu.enqueue_dma source(%arg9 : memref<128x128xf32, #tpu.memory_space<vmem>>) target(%dma_start3A_101 : memref<128x128xf32, #tpu.memory_space<vmem_shared>>) target_semaphore(%run_scoped3A : memref<!tpu.dma_semaphore, #tpu.memory_space<semaphore_mem>>)
      %dma_wait3A = arith.constant 0 : i32
      %dma_wait3A_102 = tpu.memref_slice %arg12[%add3A_62, %dma_wait3A] : memref<10240x128xf32, #tpu.memory_space<vmem_shared>> -> memref<128x128xf32, #tpu.memory_space<vmem_shared>>
      %dma_wait3A_103 = arith.constant 0 : i32
      %dma_wait3A_104 = tpu.memref_slice %arg12[%add3A_62, %dma_wait3A_103] : memref<10240x128xf32, #tpu.memory_space<vmem_shared>> -> memref<128x128xf32, #tpu.memory_space<vmem_shared>>
      tpu.wait_dma2 semaphore(%run_scoped3A : memref<!tpu.dma_semaphore, #tpu.memory_space<semaphore_mem>>) src(%arg9 : memref<128x128xf32, #tpu.memory_space<vmem>>) dst(%dma_wait3A_104 : memref<128x128xf32, #tpu.memory_space<vmem_shared>>)
      tpu.yield
    }) : () -> ()
    %add3A_63 = arith.constant 256 : i32
    %add3A_64 = arith.addi %mul3A_0, %add3A_63 : i32
    "tpu.region"() ({
      %run_scoped3A = tpu.sem_alloc : memref<!tpu.dma_semaphore, #tpu.memory_space<semaphore_mem>>
      %dma_start3A = arith.constant 0 : i32
      %dma_start3A_99 = tpu.memref_slice %arg12[%add3A_64, %dma_start3A] : memref<10240x128xf32, #tpu.memory_space<vmem_shared>> -> memref<128x128xf32, #tpu.memory_space<vmem_shared>>
      %dma_start3A_100 = arith.constant 0 : i32
      %dma_start3A_101 = tpu.memref_slice %arg12[%add3A_64, %dma_start3A_100] : memref<10240x128xf32, #tpu.memory_space<vmem_shared>> -> memref<128x128xf32, #tpu.memory_space<vmem_shared>>
      tpu.enqueue_dma source(%arg9 : memref<128x128xf32, #tpu.memory_space<vmem>>) target(%dma_start3A_101 : memref<128x128xf32, #tpu.memory_space<vmem_shared>>) target_semaphore(%run_scoped3A : memref<!tpu.dma_semaphore, #tpu.memory_space<semaphore_mem>>)
      %dma_wait3A = arith.constant 0 : i32
      %dma_wait3A_102 = tpu.memref_slice %arg12[%add3A_64, %dma_wait3A] : memref<10240x128xf32, #tpu.memory_space<vmem_shared>> -> memref<128x128xf32, #tpu.memory_space<vmem_shared>>
      %dma_wait3A_103 = arith.constant 0 : i32
      %dma_wait3A_104 = tpu.memref_slice %arg12[%add3A_64, %dma_wait3A_103] : memref<10240x128xf32, #tpu.memory_space<vmem_shared>> -> memref<128x128xf32, #tpu.memory_space<vmem_shared>>
      tpu.wait_dma2 semaphore(%run_scoped3A : memref<!tpu.dma_semaphore, #tpu.memory_space<semaphore_mem>>) src(%arg9 : memref<128x128xf32, #tpu.memory_space<vmem>>) dst(%dma_wait3A_104 : memref<128x128xf32, #tpu.memory_space<vmem_shared>>)
      tpu.yield
    }) : () -> ()
    %add3A_65 = arith.constant 384 : i32
    %add3A_66 = arith.addi %mul3A_0, %add3A_65 : i32
    "tpu.region"() ({
      %run_scoped3A = tpu.sem_alloc : memref<!tpu.dma_semaphore, #tpu.memory_space<semaphore_mem>>
      %dma_start3A = arith.constant 0 : i32
      %dma_start3A_99 = tpu.memref_slice %arg12[%add3A_66, %dma_start3A] : memref<10240x128xf32, #tpu.memory_space<vmem_shared>> -> memref<128x128xf32, #tpu.memory_space<vmem_shared>>
      %dma_start3A_100 = arith.constant 0 : i32
      %dma_start3A_101 = tpu.memref_slice %arg12[%add3A_66, %dma_start3A_100] : memref<10240x128xf32, #tpu.memory_space<vmem_shared>> -> memref<128x128xf32, #tpu.memory_space<vmem_shared>>
      tpu.enqueue_dma source(%arg9 : memref<128x128xf32, #tpu.memory_space<vmem>>) target(%dma_start3A_101 : memref<128x128xf32, #tpu.memory_space<vmem_shared>>) target_semaphore(%run_scoped3A : memref<!tpu.dma_semaphore, #tpu.memory_space<semaphore_mem>>)
      %dma_wait3A = arith.constant 0 : i32
      %dma_wait3A_102 = tpu.memref_slice %arg12[%add3A_66, %dma_wait3A] : memref<10240x128xf32, #tpu.memory_space<vmem_shared>> -> memref<128x128xf32, #tpu.memory_space<vmem_shared>>
      %dma_wait3A_103 = arith.constant 0 : i32
      %dma_wait3A_104 = tpu.memref_slice %arg12[%add3A_66, %dma_wait3A_103] : memref<10240x128xf32, #tpu.memory_space<vmem_shared>> -> memref<128x128xf32, #tpu.memory_space<vmem_shared>>
      tpu.wait_dma2 semaphore(%run_scoped3A : memref<!tpu.dma_semaphore, #tpu.memory_space<semaphore_mem>>) src(%arg9 : memref<128x128xf32, #tpu.memory_space<vmem>>) dst(%dma_wait3A_104 : memref<128x128xf32, #tpu.memory_space<vmem_shared>>)
      tpu.yield
    }) : () -> ()
    %add3A_67 = arith.constant 512 : i32
    %add3A_68 = arith.addi %mul3A_0, %add3A_67 : i32
    "tpu.region"() ({
      %run_scoped3A = tpu.sem_alloc : memref<!tpu.dma_semaphore, #tpu.memory_space<semaphore_mem>>
      %dma_start3A = arith.constant 0 : i32
      %dma_start3A_99 = tpu.memref_slice %arg12[%add3A_68, %dma_start3A] : memref<10240x128xf32, #tpu.memory_space<vmem_shared>> -> memref<128x128xf32, #tpu.memory_space<vmem_shared>>
      %dma_start3A_100 = arith.constant 0 : i32
      %dma_start3A_101 = tpu.memref_slice %arg12[%add3A_68, %dma_start3A_100] : memref<10240x128xf32, #tpu.memory_space<vmem_shared>> -> memref<128x128xf32, #tpu.memory_space<vmem_shared>>
      tpu.enqueue_dma source(%arg9 : memref<128x128xf32, #tpu.memory_space<vmem>>) target(%dma_start3A_101 : memref<128x128xf32, #tpu.memory_space<vmem_shared>>) target_semaphore(%run_scoped3A : memref<!tpu.dma_semaphore, #tpu.memory_space<semaphore_mem>>)
      %dma_wait3A = arith.constant 0 : i32
      %dma_wait3A_102 = tpu.memref_slice %arg12[%add3A_68, %dma_wait3A] : memref<10240x128xf32, #tpu.memory_space<vmem_shared>> -> memref<128x128xf32, #tpu.memory_space<vmem_shared>>
      %dma_wait3A_103 = arith.constant 0 : i32
      %dma_wait3A_104 = tpu.memref_slice %arg12[%add3A_68, %dma_wait3A_103] : memref<10240x128xf32, #tpu.memory_space<vmem_shared>> -> memref<128x128xf32, #tpu.memory_space<vmem_shared>>
      tpu.wait_dma2 semaphore(%run_scoped3A : memref<!tpu.dma_semaphore, #tpu.memory_space<semaphore_mem>>) src(%arg9 : memref<128x128xf32, #tpu.memory_space<vmem>>) dst(%dma_wait3A_104 : memref<128x128xf32, #tpu.memory_space<vmem_shared>>)
      tpu.yield
    }) : () -> ()
    "tpu.region"() ({
      %run_scoped3A = tpu.sem_alloc : memref<!tpu.dma_semaphore, #tpu.memory_space<semaphore_mem>>
      %dma_start3A = tpu.memref_slice %arg13[%mul3A_0] : memref<10240xf32, #tpu.memory_space<vmem_shared>> -> memref<640xf32, #tpu.memory_space<vmem_shared>>
      %dma_start3A_99 = tpu.memref_slice %arg13[%mul3A_0] : memref<10240xf32, #tpu.memory_space<vmem_shared>> -> memref<640xf32, #tpu.memory_space<vmem_shared>>
      tpu.enqueue_dma source(%arg11 : memref<640xf32, #tpu.memory_space<vmem>>) target(%dma_start3A_99 : memref<640xf32, #tpu.memory_space<vmem_shared>>) target_semaphore(%run_scoped3A : memref<!tpu.dma_semaphore, #tpu.memory_space<semaphore_mem>>)
      %dma_wait3A = tpu.memref_slice %arg13[%mul3A_0] : memref<10240xf32, #tpu.memory_space<vmem_shared>> -> memref<640xf32, #tpu.memory_space<vmem_shared>>
      %dma_wait3A_100 = tpu.memref_slice %arg13[%mul3A_0] : memref<10240xf32, #tpu.memory_space<vmem_shared>> -> memref<640xf32, #tpu.memory_space<vmem_shared>>
      tpu.wait_dma2 semaphore(%run_scoped3A : memref<!tpu.dma_semaphore, #tpu.memory_space<semaphore_mem>>) src(%arg11 : memref<640xf32, #tpu.memory_space<vmem>>) dst(%dma_wait3A_100 : memref<640xf32, #tpu.memory_space<vmem_shared>>)
      tpu.yield
    }) : () -> ()
    %barrier3A = arith.constant 0 : index
    tpu.barrier barrier_id(%barrier3A)
    %mul3A_69 = arith.constant 2 : i32
    %mul3A_70 = arith.muli %arg1, %mul3A_69 : i32
    %add3A_71 = arith.addi %mul3A_70, %arg0 : i32
    "tpu.region"() ({
      %run_scoped3A = tpu.sem_alloc : memref<!tpu.dma_semaphore, #tpu.memory_space<semaphore_mem>>
      %dma_start3A = arith.constant 0 : i32
      %dma_start3A_99 = arith.constant 0 : i32
      %dma_start3A_100 = tpu.memref_slice %arg3[%add3A_71, %dma_start3A, %dma_start3A_99] : memref<32x104x128xi32, #tpu.memory_space<hbm>> -> memref<1x104x128xi32, #tpu.memory_space<hbm>>
      %dma_start3A_101 = tpu.memref_squeeze %dma_start3A_100 : memref<1x104x128xi32, #tpu.memory_space<hbm>> -> memref<104x128xi32, #tpu.memory_space<hbm>>
      %dma_start3A_102 = arith.constant 0 : i32
      %dma_start3A_103 = arith.constant 0 : i32
      %dma_start3A_104 = tpu.memref_slice %arg3[%add3A_71, %dma_start3A_102, %dma_start3A_103] : memref<32x104x128xi32, #tpu.memory_space<hbm>> -> memref<1x104x128xi32, #tpu.memory_space<hbm>>
      %dma_start3A_105 = tpu.memref_squeeze %dma_start3A_104 : memref<1x104x128xi32, #tpu.memory_space<hbm>> -> memref<104x128xi32, #tpu.memory_space<hbm>>
      tpu.enqueue_dma source(%dma_start3A_105 : memref<104x128xi32, #tpu.memory_space<hbm>>) target(%arg7 : memref<104x128xi32, #tpu.memory_space<vmem>>) target_semaphore(%run_scoped3A : memref<!tpu.dma_semaphore, #tpu.memory_space<semaphore_mem>>)
      %dma_wait3A = arith.constant 0 : i32
      %dma_wait3A_106 = arith.constant 0 : i32
      %dma_wait3A_107 = tpu.memref_slice %arg3[%add3A_71, %dma_wait3A, %dma_wait3A_106] : memref<32x104x128xi32, #tpu.memory_space<hbm>> -> memref<1x104x128xi32, #tpu.memory_space<hbm>>
      %dma_wait3A_108 = tpu.memref_squeeze %dma_wait3A_107 : memref<1x104x128xi32, #tpu.memory_space<hbm>> -> memref<104x128xi32, #tpu.memory_space<hbm>>
      %dma_wait3A_109 = arith.constant 0 : i32
      %dma_wait3A_110 = arith.constant 0 : i32
      %dma_wait3A_111 = tpu.memref_slice %arg3[%add3A_71, %dma_wait3A_109, %dma_wait3A_110] : memref<32x104x128xi32, #tpu.memory_space<hbm>> -> memref<1x104x128xi32, #tpu.memory_space<hbm>>
      %dma_wait3A_112 = tpu.memref_squeeze %dma_wait3A_111 : memref<1x104x128xi32, #tpu.memory_space<hbm>> -> memref<104x128xi32, #tpu.memory_space<hbm>>
      tpu.wait_dma2 semaphore(%run_scoped3A : memref<!tpu.dma_semaphore, #tpu.memory_space<semaphore_mem>>) src(%dma_wait3A_112 : memref<104x128xi32, #tpu.memory_space<hbm>>) dst(%arg7 : memref<104x128xi32, #tpu.memory_space<vmem>>)
      tpu.yield
    }) : () -> ()
    "tpu.region"() ({
      %run_scoped3A = tpu.sem_alloc : memref<!tpu.dma_semaphore, #tpu.memory_space<semaphore_mem>>
      %dma_start3A = arith.constant 0 : i32
      %dma_start3A_99 = arith.constant 0 : i32
      %dma_start3A_100 = tpu.memref_slice %arg4[%add3A_71, %dma_start3A, %dma_start3A_99] : memref<32x104x128xi32, #tpu.memory_space<hbm>> -> memref<1x104x128xi32, #tpu.memory_space<hbm>>
      %dma_start3A_101 = tpu.memref_squeeze %dma_start3A_100 : memref<1x104x128xi32, #tpu.memory_space<hbm>> -> memref<104x128xi32, #tpu.memory_space<hbm>>
      %dma_start3A_102 = arith.constant 0 : i32
      %dma_start3A_103 = arith.constant 0 : i32
      %dma_start3A_104 = tpu.memref_slice %arg4[%add3A_71, %dma_start3A_102, %dma_start3A_103] : memref<32x104x128xi32, #tpu.memory_space<hbm>> -> memref<1x104x128xi32, #tpu.memory_space<hbm>>
      %dma_start3A_105 = tpu.memref_squeeze %dma_start3A_104 : memref<1x104x128xi32, #tpu.memory_space<hbm>> -> memref<104x128xi32, #tpu.memory_space<hbm>>
      tpu.enqueue_dma source(%dma_start3A_105 : memref<104x128xi32, #tpu.memory_space<hbm>>) target(%arg8 : memref<104x128xi32, #tpu.memory_space<vmem>>) target_semaphore(%run_scoped3A : memref<!tpu.dma_semaphore, #tpu.memory_space<semaphore_mem>>)
      %dma_wait3A = arith.constant 0 : i32
      %dma_wait3A_106 = arith.constant 0 : i32
      %dma_wait3A_107 = tpu.memref_slice %arg4[%add3A_71, %dma_wait3A, %dma_wait3A_106] : memref<32x104x128xi32, #tpu.memory_space<hbm>> -> memref<1x104x128xi32, #tpu.memory_space<hbm>>
      %dma_wait3A_108 = tpu.memref_squeeze %dma_wait3A_107 : memref<1x104x128xi32, #tpu.memory_space<hbm>> -> memref<104x128xi32, #tpu.memory_space<hbm>>
      %dma_wait3A_109 = arith.constant 0 : i32
      %dma_wait3A_110 = arith.constant 0 : i32
      %dma_wait3A_111 = tpu.memref_slice %arg4[%add3A_71, %dma_wait3A_109, %dma_wait3A_110] : memref<32x104x128xi32, #tpu.memory_space<hbm>> -> memref<1x104x128xi32, #tpu.memory_space<hbm>>
      %dma_wait3A_112 = tpu.memref_squeeze %dma_wait3A_111 : memref<1x104x128xi32, #tpu.memory_space<hbm>> -> memref<104x128xi32, #tpu.memory_space<hbm>>
      tpu.wait_dma2 semaphore(%run_scoped3A : memref<!tpu.dma_semaphore, #tpu.memory_space<semaphore_mem>>) src(%dma_wait3A_112 : memref<104x128xi32, #tpu.memory_space<hbm>>) dst(%arg8 : memref<104x128xi32, #tpu.memory_space<vmem>>)
      tpu.yield
    }) : () -> ()
    %eq3A = arith.constant 0 : i32
    %eq3A_72 = arith.cmpi eq, %arg0, %eq3A : i32
    %jit3A = arith.constant 54 : i32
    %jit3A_73 = arith.constant 104 : i32
    %select_n3A = arith.select %eq3A_72, %jit3A, %jit3A_73 : i32
    %while3A = arith.constant 0 : i32
    %while3A_74 = arith.constant 0 : i32
    %while3A_75 = arith.subi %select_n3A, %while3A : i32
    %while3A_76 = arith.addi %while3A, %while3A_75 : i32
    %while3A_77 = arith.constant 1 : i32
    %while3A_78 = arith.divsi %while3A_75, %while3A_77 : i32
    %while3A_79 = arith.muli %while3A_78, %while3A_77 : i32
    %while3A_80 = arith.addi %while3A, %while3A_79 : i32
    %while3A_81 = arith.constant 1 : i32
    %while3A_82 = scf.for %while3A_99 = %while3A to %while3A_80 step %while3A_81 iter_args(%while3A_100 = %while3A_74) -> (i32)  : i32 {
      %dma_start3A = arith.constant 0 : i32
      %dma_start3A_101 = tpu.memref_slice %arg7[%while3A_99, %dma_start3A] : memref<104x128xi32, #tpu.memory_space<vmem>> -> memref<1x128xi32, #tpu.memory_space<vmem>>
      %dma_start3A_102 = tpu.memref_squeeze %dma_start3A_101 : memref<1x128xi32, #tpu.memory_space<vmem>> -> memref<128xi32, #tpu.memory_space<vmem>>
      %dma_start3A_103 = arith.constant 0 : i32
      %dma_start3A_104 = arith.constant 0 : i32
      %dma_start3A_105 = tpu.memref_slice %arg2[%dma_start3A_103, %dma_start3A_104] : memref<10240x128xf32, #tpu.memory_space<hbm>> -> memref<10240x128xf32, #tpu.memory_space<hbm>>
      tpu.enqueue_indirect_dma source(%dma_start3A_105 : memref<10240x128xf32, #tpu.memory_space<hbm>>) target(%arg9 : memref<128x128xf32, #tpu.memory_space<vmem>>) offsets(%dma_start3A_102 : memref<128xi32, #tpu.memory_space<vmem>>) semaphore(%arg14 : memref<!tpu.dma_semaphore, #tpu.memory_space<semaphore_mem>>)
      %dma_wait3A = arith.constant 0 : i32
      %dma_wait3A_106 = tpu.memref_slice %arg7[%while3A_99, %dma_wait3A] : memref<104x128xi32, #tpu.memory_space<vmem>> -> memref<1x128xi32, #tpu.memory_space<vmem>>
      %dma_wait3A_107 = tpu.memref_squeeze %dma_wait3A_106 : memref<1x128xi32, #tpu.memory_space<vmem>> -> memref<128xi32, #tpu.memory_space<vmem>>
      %dma_wait3A_108 = arith.constant 0 : i32
      %dma_wait3A_109 = arith.constant 0 : i32
      %dma_wait3A_110 = tpu.memref_slice %arg2[%dma_wait3A_108, %dma_wait3A_109] : memref<10240x128xf32, #tpu.memory_space<hbm>> -> memref<10240x128xf32, #tpu.memory_space<hbm>>
      tpu.wait_indirect_dma semaphore(%arg14 : memref<!tpu.dma_semaphore, #tpu.memory_space<semaphore_mem>>) src(%dma_wait3A_110 : memref<10240x128xf32, #tpu.memory_space<hbm>>) dst(%arg9 : memref<128x128xf32, #tpu.memory_space<vmem>>)
      "tpu.region"() ({
        %run_scoped3A = tpu.sem_alloc : memref<!tpu.dma_semaphore, #tpu.memory_space<semaphore_mem>>
        %dma_start3A_112 = arith.constant 0 : i32
        %dma_start3A_113 = tpu.memref_slice %arg8[%while3A_99, %dma_start3A_112] : memref<104x128xi32, #tpu.memory_space<vmem>> -> memref<1x128xi32, #tpu.memory_space<vmem>>
        %dma_start3A_114 = tpu.memref_squeeze %dma_start3A_113 : memref<1x128xi32, #tpu.memory_space<vmem>> -> memref<128xi32, #tpu.memory_space<vmem>>
        %dma_start3A_115 = arith.constant 0 : i32
        %dma_start3A_116 = arith.constant 0 : i32
        %dma_start3A_117 = tpu.memref_slice %arg12[%dma_start3A_115, %dma_start3A_116] : memref<10240x128xf32, #tpu.memory_space<vmem_shared>> -> memref<10240x128xf32, #tpu.memory_space<vmem_shared>>
        tpu.enqueue_indirect_dma source(%arg9 : memref<128x128xf32, #tpu.memory_space<vmem>>) target(%dma_start3A_117 : memref<10240x128xf32, #tpu.memory_space<vmem_shared>>) offsets(%dma_start3A_114 : memref<128xi32, #tpu.memory_space<vmem>>) semaphore(%run_scoped3A : memref<!tpu.dma_semaphore, #tpu.memory_space<semaphore_mem>>) {add = true}
        %dma_wait3A_118 = arith.constant 0 : i32
        %dma_wait3A_119 = tpu.memref_slice %arg8[%while3A_99, %dma_wait3A_118] : memref<104x128xi32, #tpu.memory_space<vmem>> -> memref<1x128xi32, #tpu.memory_space<vmem>>
        %dma_wait3A_120 = tpu.memref_squeeze %dma_wait3A_119 : memref<1x128xi32, #tpu.memory_space<vmem>> -> memref<128xi32, #tpu.memory_space<vmem>>
        %dma_wait3A_121 = arith.constant 0 : i32
        %dma_wait3A_122 = arith.constant 0 : i32
        %dma_wait3A_123 = tpu.memref_slice %arg12[%dma_wait3A_121, %dma_wait3A_122] : memref<10240x128xf32, #tpu.memory_space<vmem_shared>> -> memref<10240x128xf32, #tpu.memory_space<vmem_shared>>
        tpu.wait_indirect_dma semaphore(%run_scoped3A : memref<!tpu.dma_semaphore, #tpu.memory_space<semaphore_mem>>) src(%arg9 : memref<128x128xf32, #tpu.memory_space<vmem>>) dst(%dma_wait3A_123 : memref<10240x128xf32, #tpu.memory_space<vmem_shared>>)
        tpu.yield
      }) : () -> ()
      "tpu.region"() ({
        %run_scoped3A = tpu.sem_alloc : memref<!tpu.dma_semaphore, #tpu.memory_space<semaphore_mem>>
        %dma_start3A_112 = arith.constant 0 : i32
        %dma_start3A_113 = tpu.memref_slice %arg8[%while3A_99, %dma_start3A_112] : memref<104x128xi32, #tpu.memory_space<vmem>> -> memref<1x128xi32, #tpu.memory_space<vmem>>
        %dma_start3A_114 = tpu.memref_squeeze %dma_start3A_113 : memref<1x128xi32, #tpu.memory_space<vmem>> -> memref<128xi32, #tpu.memory_space<vmem>>
        %dma_start3A_115 = arith.constant 0 : i32
        %dma_start3A_116 = tpu.memref_slice %arg13[%dma_start3A_115] : memref<10240xf32, #tpu.memory_space<vmem_shared>> -> memref<10240xf32, #tpu.memory_space<vmem_shared>>
        tpu.enqueue_indirect_dma source(%arg10 : memref<128xf32, #tpu.memory_space<vmem>>) target(%dma_start3A_116 : memref<10240xf32, #tpu.memory_space<vmem_shared>>) offsets(%dma_start3A_114 : memref<128xi32, #tpu.memory_space<vmem>>) semaphore(%run_scoped3A : memref<!tpu.dma_semaphore, #tpu.memory_space<semaphore_mem>>) {add = true}
        %dma_wait3A_117 = arith.constant 0 : i32
        %dma_wait3A_118 = tpu.memref_slice %arg8[%while3A_99, %dma_wait3A_117] : memref<104x128xi32, #tpu.memory_space<vmem>> -> memref<1x128xi32, #tpu.memory_space<vmem>>
        %dma_wait3A_119 = tpu.memref_squeeze %dma_wait3A_118 : memref<1x128xi32, #tpu.memory_space<vmem>> -> memref<128xi32, #tpu.memory_space<vmem>>
        %dma_wait3A_120 = arith.constant 0 : i32
        %dma_wait3A_121 = tpu.memref_slice %arg13[%dma_wait3A_120] : memref<10240xf32, #tpu.memory_space<vmem_shared>> -> memref<10240xf32, #tpu.memory_space<vmem_shared>>
        tpu.wait_indirect_dma semaphore(%run_scoped3A : memref<!tpu.dma_semaphore, #tpu.memory_space<semaphore_mem>>) src(%arg10 : memref<128xf32, #tpu.memory_space<vmem>>) dst(%dma_wait3A_121 : memref<10240xf32, #tpu.memory_space<vmem_shared>>)
        tpu.yield
      }) : () -> ()
      %while3A_111 = arith.constant 0 : i32
      scf.yield %while3A_111 : i32
    }
    %while3A_83 = arith.constant 1 : i32
    %while3A_84 = scf.for %while3A_99 = %while3A_80 to %while3A_76 step %while3A_83 iter_args(%while3A_100 = %while3A_82) -> (i32)  : i32 {
      %dma_start3A = arith.constant 0 : i32
      %dma_start3A_101 = tpu.memref_slice %arg7[%while3A_99, %dma_start3A] : memref<104x128xi32, #tpu.memory_space<vmem>> -> memref<1x128xi32, #tpu.memory_space<vmem>>
      %dma_start3A_102 = tpu.memref_squeeze %dma_start3A_101 : memref<1x128xi32, #tpu.memory_space<vmem>> -> memref<128xi32, #tpu.memory_space<vmem>>
      %dma_start3A_103 = arith.constant 0 : i32
      %dma_start3A_104 = arith.constant 0 : i32
      %dma_start3A_105 = tpu.memref_slice %arg2[%dma_start3A_103, %dma_start3A_104] : memref<10240x128xf32, #tpu.memory_space<hbm>> -> memref<10240x128xf32, #tpu.memory_space<hbm>>
      tpu.enqueue_indirect_dma source(%dma_start3A_105 : memref<10240x128xf32, #tpu.memory_space<hbm>>) target(%arg9 : memref<128x128xf32, #tpu.memory_space<vmem>>) offsets(%dma_start3A_102 : memref<128xi32, #tpu.memory_space<vmem>>) semaphore(%arg14 : memref<!tpu.dma_semaphore, #tpu.memory_space<semaphore_mem>>)
      %dma_wait3A = arith.constant 0 : i32
      %dma_wait3A_106 = tpu.memref_slice %arg7[%while3A_99, %dma_wait3A] : memref<104x128xi32, #tpu.memory_space<vmem>> -> memref<1x128xi32, #tpu.memory_space<vmem>>
      %dma_wait3A_107 = tpu.memref_squeeze %dma_wait3A_106 : memref<1x128xi32, #tpu.memory_space<vmem>> -> memref<128xi32, #tpu.memory_space<vmem>>
      %dma_wait3A_108 = arith.constant 0 : i32
      %dma_wait3A_109 = arith.constant 0 : i32
      %dma_wait3A_110 = tpu.memref_slice %arg2[%dma_wait3A_108, %dma_wait3A_109] : memref<10240x128xf32, #tpu.memory_space<hbm>> -> memref<10240x128xf32, #tpu.memory_space<hbm>>
      tpu.wait_indirect_dma semaphore(%arg14 : memref<!tpu.dma_semaphore, #tpu.memory_space<semaphore_mem>>) src(%dma_wait3A_110 : memref<10240x128xf32, #tpu.memory_space<hbm>>) dst(%arg9 : memref<128x128xf32, #tpu.memory_space<vmem>>)
      "tpu.region"() ({
        %run_scoped3A = tpu.sem_alloc : memref<!tpu.dma_semaphore, #tpu.memory_space<semaphore_mem>>
        %dma_start3A_112 = arith.constant 0 : i32
        %dma_start3A_113 = tpu.memref_slice %arg8[%while3A_99, %dma_start3A_112] : memref<104x128xi32, #tpu.memory_space<vmem>> -> memref<1x128xi32, #tpu.memory_space<vmem>>
        %dma_start3A_114 = tpu.memref_squeeze %dma_start3A_113 : memref<1x128xi32, #tpu.memory_space<vmem>> -> memref<128xi32, #tpu.memory_space<vmem>>
        %dma_start3A_115 = arith.constant 0 : i32
        %dma_start3A_116 = arith.constant 0 : i32
        %dma_start3A_117 = tpu.memref_slice %arg12[%dma_start3A_115, %dma_start3A_116] : memref<10240x128xf32, #tpu.memory_space<vmem_shared>> -> memref<10240x128xf32, #tpu.memory_space<vmem_shared>>
        tpu.enqueue_indirect_dma source(%arg9 : memref<128x128xf32, #tpu.memory_space<vmem>>) target(%dma_start3A_117 : memref<10240x128xf32, #tpu.memory_space<vmem_shared>>) offsets(%dma_start3A_114 : memref<128xi32, #tpu.memory_space<vmem>>) semaphore(%run_scoped3A : memref<!tpu.dma_semaphore, #tpu.memory_space<semaphore_mem>>) {add = true}
        %dma_wait3A_118 = arith.constant 0 : i32
        %dma_wait3A_119 = tpu.memref_slice %arg8[%while3A_99, %dma_wait3A_118] : memref<104x128xi32, #tpu.memory_space<vmem>> -> memref<1x128xi32, #tpu.memory_space<vmem>>
        %dma_wait3A_120 = tpu.memref_squeeze %dma_wait3A_119 : memref<1x128xi32, #tpu.memory_space<vmem>> -> memref<128xi32, #tpu.memory_space<vmem>>
        %dma_wait3A_121 = arith.constant 0 : i32
        %dma_wait3A_122 = arith.constant 0 : i32
        %dma_wait3A_123 = tpu.memref_slice %arg12[%dma_wait3A_121, %dma_wait3A_122] : memref<10240x128xf32, #tpu.memory_space<vmem_shared>> -> memref<10240x128xf32, #tpu.memory_space<vmem_shared>>
        tpu.wait_indirect_dma semaphore(%run_scoped3A : memref<!tpu.dma_semaphore, #tpu.memory_space<semaphore_mem>>) src(%arg9 : memref<128x128xf32, #tpu.memory_space<vmem>>) dst(%dma_wait3A_123 : memref<10240x128xf32, #tpu.memory_space<vmem_shared>>)
        tpu.yield
      }) : () -> ()
      "tpu.region"() ({
        %run_scoped3A = tpu.sem_alloc : memref<!tpu.dma_semaphore, #tpu.memory_space<semaphore_mem>>
        %dma_start3A_112 = arith.constant 0 : i32
        %dma_start3A_113 = tpu.memref_slice %arg8[%while3A_99, %dma_start3A_112] : memref<104x128xi32, #tpu.memory_space<vmem>> -> memref<1x128xi32, #tpu.memory_space<vmem>>
        %dma_start3A_114 = tpu.memref_squeeze %dma_start3A_113 : memref<1x128xi32, #tpu.memory_space<vmem>> -> memref<128xi32, #tpu.memory_space<vmem>>
        %dma_start3A_115 = arith.constant 0 : i32
        %dma_start3A_116 = tpu.memref_slice %arg13[%dma_start3A_115] : memref<10240xf32, #tpu.memory_space<vmem_shared>> -> memref<10240xf32, #tpu.memory_space<vmem_shared>>
        tpu.enqueue_indirect_dma source(%arg10 : memref<128xf32, #tpu.memory_space<vmem>>) target(%dma_start3A_116 : memref<10240xf32, #tpu.memory_space<vmem_shared>>) offsets(%dma_start3A_114 : memref<128xi32, #tpu.memory_space<vmem>>) semaphore(%run_scoped3A : memref<!tpu.dma_semaphore, #tpu.memory_space<semaphore_mem>>) {add = true}
        %dma_wait3A_117 = arith.constant 0 : i32
        %dma_wait3A_118 = tpu.memref_slice %arg8[%while3A_99, %dma_wait3A_117] : memref<104x128xi32, #tpu.memory_space<vmem>> -> memref<1x128xi32, #tpu.memory_space<vmem>>
        %dma_wait3A_119 = tpu.memref_squeeze %dma_wait3A_118 : memref<1x128xi32, #tpu.memory_space<vmem>> -> memref<128xi32, #tpu.memory_space<vmem>>
        %dma_wait3A_120 = arith.constant 0 : i32
        %dma_wait3A_121 = tpu.memref_slice %arg13[%dma_wait3A_120] : memref<10240xf32, #tpu.memory_space<vmem_shared>> -> memref<10240xf32, #tpu.memory_space<vmem_shared>>
        tpu.wait_indirect_dma semaphore(%run_scoped3A : memref<!tpu.dma_semaphore, #tpu.memory_space<semaphore_mem>>) src(%arg10 : memref<128xf32, #tpu.memory_space<vmem>>) dst(%dma_wait3A_121 : memref<10240xf32, #tpu.memory_space<vmem_shared>>)
        tpu.yield
      }) : () -> ()
      %while3A_111 = arith.constant 0 : i32
      scf.yield %while3A_111 : i32
    }
    %barrier3A_85 = arith.constant 0 : index
    tpu.barrier barrier_id(%barrier3A_85)
    %add3A_86 = arith.constant 0 : i32
    %add3A_87 = arith.addi %mul3A_0, %add3A_86 : i32
    "tpu.region"() ({
      %run_scoped3A = tpu.sem_alloc : memref<!tpu.dma_semaphore, #tpu.memory_space<semaphore_mem>>
      %dma_start3A = arith.constant 0 : i32
      %dma_start3A_99 = tpu.memref_slice %arg12[%add3A_87, %dma_start3A] : memref<10240x128xf32, #tpu.memory_space<vmem_shared>> -> memref<128x128xf32, #tpu.memory_space<vmem_shared>>
      %dma_start3A_100 = arith.constant 0 : i32
      %dma_start3A_101 = tpu.memref_slice %arg12[%add3A_87, %dma_start3A_100] : memref<10240x128xf32, #tpu.memory_space<vmem_shared>> -> memref<128x128xf32, #tpu.memory_space<vmem_shared>>
      tpu.enqueue_dma source(%dma_start3A_101 : memref<128x128xf32, #tpu.memory_space<vmem_shared>>) target(%arg9 : memref<128x128xf32, #tpu.memory_space<vmem>>) target_semaphore(%run_scoped3A : memref<!tpu.dma_semaphore, #tpu.memory_space<semaphore_mem>>)
      %dma_wait3A = arith.constant 0 : i32
      %dma_wait3A_102 = tpu.memref_slice %arg12[%add3A_87, %dma_wait3A] : memref<10240x128xf32, #tpu.memory_space<vmem_shared>> -> memref<128x128xf32, #tpu.memory_space<vmem_shared>>
      %dma_wait3A_103 = arith.constant 0 : i32
      %dma_wait3A_104 = tpu.memref_slice %arg12[%add3A_87, %dma_wait3A_103] : memref<10240x128xf32, #tpu.memory_space<vmem_shared>> -> memref<128x128xf32, #tpu.memory_space<vmem_shared>>
      tpu.wait_dma2 semaphore(%run_scoped3A : memref<!tpu.dma_semaphore, #tpu.memory_space<semaphore_mem>>) src(%dma_wait3A_104 : memref<128x128xf32, #tpu.memory_space<vmem_shared>>) dst(%arg9 : memref<128x128xf32, #tpu.memory_space<vmem>>)
      tpu.yield
    }) : () -> ()
    "tpu.region"() ({
      %run_scoped3A = tpu.sem_alloc : memref<!tpu.dma_semaphore, #tpu.memory_space<semaphore_mem>>
      %dma_start3A = arith.constant 0 : i32
      %dma_start3A_99 = arith.constant 0 : i32
      %dma_start3A_100 = tpu.memref_slice %arg5[%arg0, %dma_start3A, %dma_start3A_99] : memref<2x10240x128xf32, #tpu.memory_space<hbm>> -> memref<1x10240x128xf32, #tpu.memory_space<hbm>>
      %dma_start3A_101 = tpu.memref_squeeze %dma_start3A_100 : memref<1x10240x128xf32, #tpu.memory_space<hbm>> -> memref<10240x128xf32, #tpu.memory_space<hbm>>
      %dma_start3A_102 = arith.constant 0 : i32
      %dma_start3A_103 = tpu.memref_slice %dma_start3A_101[%add3A_87, %dma_start3A_102] : memref<10240x128xf32, #tpu.memory_space<hbm>> -> memref<128x128xf32, #tpu.memory_space<hbm>>
      %dma_start3A_104 = arith.constant 0 : i32
      %dma_start3A_105 = arith.constant 0 : i32
      %dma_start3A_106 = tpu.memref_slice %arg5[%arg0, %dma_start3A_104, %dma_start3A_105] : memref<2x10240x128xf32, #tpu.memory_space<hbm>> -> memref<1x10240x128xf32, #tpu.memory_space<hbm>>
      %dma_start3A_107 = tpu.memref_squeeze %dma_start3A_106 : memref<1x10240x128xf32, #tpu.memory_space<hbm>> -> memref<10240x128xf32, #tpu.memory_space<hbm>>
      %dma_start3A_108 = arith.constant 0 : i32
      %dma_start3A_109 = tpu.memref_slice %dma_start3A_107[%add3A_87, %dma_start3A_108] : memref<10240x128xf32, #tpu.memory_space<hbm>> -> memref<128x128xf32, #tpu.memory_space<hbm>>
      tpu.enqueue_dma source(%arg9 : memref<128x128xf32, #tpu.memory_space<vmem>>) target(%dma_start3A_109 : memref<128x128xf32, #tpu.memory_space<hbm>>) target_semaphore(%run_scoped3A : memref<!tpu.dma_semaphore, #tpu.memory_space<semaphore_mem>>)
      %dma_wait3A = arith.constant 0 : i32
      %dma_wait3A_110 = arith.constant 0 : i32
      %dma_wait3A_111 = tpu.memref_slice %arg5[%arg0, %dma_wait3A, %dma_wait3A_110] : memref<2x10240x128xf32, #tpu.memory_space<hbm>> -> memref<1x10240x128xf32, #tpu.memory_space<hbm>>
      %dma_wait3A_112 = tpu.memref_squeeze %dma_wait3A_111 : memref<1x10240x128xf32, #tpu.memory_space<hbm>> -> memref<10240x128xf32, #tpu.memory_space<hbm>>
      %dma_wait3A_113 = arith.constant 0 : i32
      %dma_wait3A_114 = tpu.memref_slice %dma_wait3A_112[%add3A_87, %dma_wait3A_113] : memref<10240x128xf32, #tpu.memory_space<hbm>> -> memref<128x128xf32, #tpu.memory_space<hbm>>
      %dma_wait3A_115 = arith.constant 0 : i32
      %dma_wait3A_116 = arith.constant 0 : i32
      %dma_wait3A_117 = tpu.memref_slice %arg5[%arg0, %dma_wait3A_115, %dma_wait3A_116] : memref<2x10240x128xf32, #tpu.memory_space<hbm>> -> memref<1x10240x128xf32, #tpu.memory_space<hbm>>
      %dma_wait3A_118 = tpu.memref_squeeze %dma_wait3A_117 : memref<1x10240x128xf32, #tpu.memory_space<hbm>> -> memref<10240x128xf32, #tpu.memory_space<hbm>>
      %dma_wait3A_119 = arith.constant 0 : i32
      %dma_wait3A_120 = tpu.memref_slice %dma_wait3A_118[%add3A_87, %dma_wait3A_119] : memref<10240x128xf32, #tpu.memory_space<hbm>> -> memref<128x128xf32, #tpu.memory_space<hbm>>
      tpu.wait_dma2 semaphore(%run_scoped3A : memref<!tpu.dma_semaphore, #tpu.memory_space<semaphore_mem>>) src(%arg9 : memref<128x128xf32, #tpu.memory_space<vmem>>) dst(%dma_wait3A_120 : memref<128x128xf32, #tpu.memory_space<hbm>>)
      tpu.yield
    }) : () -> ()
    %add3A_88 = arith.constant 128 : i32
    %add3A_89 = arith.addi %mul3A_0, %add3A_88 : i32
    "tpu.region"() ({
      %run_scoped3A = tpu.sem_alloc : memref<!tpu.dma_semaphore, #tpu.memory_space<semaphore_mem>>
      %dma_start3A = arith.constant 0 : i32
      %dma_start3A_99 = tpu.memref_slice %arg12[%add3A_89, %dma_start3A] : memref<10240x128xf32, #tpu.memory_space<vmem_shared>> -> memref<128x128xf32, #tpu.memory_space<vmem_shared>>
      %dma_start3A_100 = arith.constant 0 : i32
      %dma_start3A_101 = tpu.memref_slice %arg12[%add3A_89, %dma_start3A_100] : memref<10240x128xf32, #tpu.memory_space<vmem_shared>> -> memref<128x128xf32, #tpu.memory_space<vmem_shared>>
      tpu.enqueue_dma source(%dma_start3A_101 : memref<128x128xf32, #tpu.memory_space<vmem_shared>>) target(%arg9 : memref<128x128xf32, #tpu.memory_space<vmem>>) target_semaphore(%run_scoped3A : memref<!tpu.dma_semaphore, #tpu.memory_space<semaphore_mem>>)
      %dma_wait3A = arith.constant 0 : i32
      %dma_wait3A_102 = tpu.memref_slice %arg12[%add3A_89, %dma_wait3A] : memref<10240x128xf32, #tpu.memory_space<vmem_shared>> -> memref<128x128xf32, #tpu.memory_space<vmem_shared>>
      %dma_wait3A_103 = arith.constant 0 : i32
      %dma_wait3A_104 = tpu.memref_slice %arg12[%add3A_89, %dma_wait3A_103] : memref<10240x128xf32, #tpu.memory_space<vmem_shared>> -> memref<128x128xf32, #tpu.memory_space<vmem_shared>>
      tpu.wait_dma2 semaphore(%run_scoped3A : memref<!tpu.dma_semaphore, #tpu.memory_space<semaphore_mem>>) src(%dma_wait3A_104 : memref<128x128xf32, #tpu.memory_space<vmem_shared>>) dst(%arg9 : memref<128x128xf32, #tpu.memory_space<vmem>>)
      tpu.yield
    }) : () -> ()
    "tpu.region"() ({
      %run_scoped3A = tpu.sem_alloc : memref<!tpu.dma_semaphore, #tpu.memory_space<semaphore_mem>>
      %dma_start3A = arith.constant 0 : i32
      %dma_start3A_99 = arith.constant 0 : i32
      %dma_start3A_100 = tpu.memref_slice %arg5[%arg0, %dma_start3A, %dma_start3A_99] : memref<2x10240x128xf32, #tpu.memory_space<hbm>> -> memref<1x10240x128xf32, #tpu.memory_space<hbm>>
      %dma_start3A_101 = tpu.memref_squeeze %dma_start3A_100 : memref<1x10240x128xf32, #tpu.memory_space<hbm>> -> memref<10240x128xf32, #tpu.memory_space<hbm>>
      %dma_start3A_102 = arith.constant 0 : i32
      %dma_start3A_103 = tpu.memref_slice %dma_start3A_101[%add3A_89, %dma_start3A_102] : memref<10240x128xf32, #tpu.memory_space<hbm>> -> memref<128x128xf32, #tpu.memory_space<hbm>>
      %dma_start3A_104 = arith.constant 0 : i32
      %dma_start3A_105 = arith.constant 0 : i32
      %dma_start3A_106 = tpu.memref_slice %arg5[%arg0, %dma_start3A_104, %dma_start3A_105] : memref<2x10240x128xf32, #tpu.memory_space<hbm>> -> memref<1x10240x128xf32, #tpu.memory_space<hbm>>
      %dma_start3A_107 = tpu.memref_squeeze %dma_start3A_106 : memref<1x10240x128xf32, #tpu.memory_space<hbm>> -> memref<10240x128xf32, #tpu.memory_space<hbm>>
      %dma_start3A_108 = arith.constant 0 : i32
      %dma_start3A_109 = tpu.memref_slice %dma_start3A_107[%add3A_89, %dma_start3A_108] : memref<10240x128xf32, #tpu.memory_space<hbm>> -> memref<128x128xf32, #tpu.memory_space<hbm>>
      tpu.enqueue_dma source(%arg9 : memref<128x128xf32, #tpu.memory_space<vmem>>) target(%dma_start3A_109 : memref<128x128xf32, #tpu.memory_space<hbm>>) target_semaphore(%run_scoped3A : memref<!tpu.dma_semaphore, #tpu.memory_space<semaphore_mem>>)
      %dma_wait3A = arith.constant 0 : i32
      %dma_wait3A_110 = arith.constant 0 : i32
      %dma_wait3A_111 = tpu.memref_slice %arg5[%arg0, %dma_wait3A, %dma_wait3A_110] : memref<2x10240x128xf32, #tpu.memory_space<hbm>> -> memref<1x10240x128xf32, #tpu.memory_space<hbm>>
      %dma_wait3A_112 = tpu.memref_squeeze %dma_wait3A_111 : memref<1x10240x128xf32, #tpu.memory_space<hbm>> -> memref<10240x128xf32, #tpu.memory_space<hbm>>
      %dma_wait3A_113 = arith.constant 0 : i32
      %dma_wait3A_114 = tpu.memref_slice %dma_wait3A_112[%add3A_89, %dma_wait3A_113] : memref<10240x128xf32, #tpu.memory_space<hbm>> -> memref<128x128xf32, #tpu.memory_space<hbm>>
      %dma_wait3A_115 = arith.constant 0 : i32
      %dma_wait3A_116 = arith.constant 0 : i32
      %dma_wait3A_117 = tpu.memref_slice %arg5[%arg0, %dma_wait3A_115, %dma_wait3A_116] : memref<2x10240x128xf32, #tpu.memory_space<hbm>> -> memref<1x10240x128xf32, #tpu.memory_space<hbm>>
      %dma_wait3A_118 = tpu.memref_squeeze %dma_wait3A_117 : memref<1x10240x128xf32, #tpu.memory_space<hbm>> -> memref<10240x128xf32, #tpu.memory_space<hbm>>
      %dma_wait3A_119 = arith.constant 0 : i32
      %dma_wait3A_120 = tpu.memref_slice %dma_wait3A_118[%add3A_89, %dma_wait3A_119] : memref<10240x128xf32, #tpu.memory_space<hbm>> -> memref<128x128xf32, #tpu.memory_space<hbm>>
      tpu.wait_dma2 semaphore(%run_scoped3A : memref<!tpu.dma_semaphore, #tpu.memory_space<semaphore_mem>>) src(%arg9 : memref<128x128xf32, #tpu.memory_space<vmem>>) dst(%dma_wait3A_120 : memref<128x128xf32, #tpu.memory_space<hbm>>)
      tpu.yield
    }) : () -> ()
    %add3A_90 = arith.constant 256 : i32
    %add3A_91 = arith.addi %mul3A_0, %add3A_90 : i32
    "tpu.region"() ({
      %run_scoped3A = tpu.sem_alloc : memref<!tpu.dma_semaphore, #tpu.memory_space<semaphore_mem>>
      %dma_start3A = arith.constant 0 : i32
      %dma_start3A_99 = tpu.memref_slice %arg12[%add3A_91, %dma_start3A] : memref<10240x128xf32, #tpu.memory_space<vmem_shared>> -> memref<128x128xf32, #tpu.memory_space<vmem_shared>>
      %dma_start3A_100 = arith.constant 0 : i32
      %dma_start3A_101 = tpu.memref_slice %arg12[%add3A_91, %dma_start3A_100] : memref<10240x128xf32, #tpu.memory_space<vmem_shared>> -> memref<128x128xf32, #tpu.memory_space<vmem_shared>>
      tpu.enqueue_dma source(%dma_start3A_101 : memref<128x128xf32, #tpu.memory_space<vmem_shared>>) target(%arg9 : memref<128x128xf32, #tpu.memory_space<vmem>>) target_semaphore(%run_scoped3A : memref<!tpu.dma_semaphore, #tpu.memory_space<semaphore_mem>>)
      %dma_wait3A = arith.constant 0 : i32
      %dma_wait3A_102 = tpu.memref_slice %arg12[%add3A_91, %dma_wait3A] : memref<10240x128xf32, #tpu.memory_space<vmem_shared>> -> memref<128x128xf32, #tpu.memory_space<vmem_shared>>
      %dma_wait3A_103 = arith.constant 0 : i32
      %dma_wait3A_104 = tpu.memref_slice %arg12[%add3A_91, %dma_wait3A_103] : memref<10240x128xf32, #tpu.memory_space<vmem_shared>> -> memref<128x128xf32, #tpu.memory_space<vmem_shared>>
      tpu.wait_dma2 semaphore(%run_scoped3A : memref<!tpu.dma_semaphore, #tpu.memory_space<semaphore_mem>>) src(%dma_wait3A_104 : memref<128x128xf32, #tpu.memory_space<vmem_shared>>) dst(%arg9 : memref<128x128xf32, #tpu.memory_space<vmem>>)
      tpu.yield
    }) : () -> ()
    "tpu.region"() ({
      %run_scoped3A = tpu.sem_alloc : memref<!tpu.dma_semaphore, #tpu.memory_space<semaphore_mem>>
      %dma_start3A = arith.constant 0 : i32
      %dma_start3A_99 = arith.constant 0 : i32
      %dma_start3A_100 = tpu.memref_slice %arg5[%arg0, %dma_start3A, %dma_start3A_99] : memref<2x10240x128xf32, #tpu.memory_space<hbm>> -> memref<1x10240x128xf32, #tpu.memory_space<hbm>>
      %dma_start3A_101 = tpu.memref_squeeze %dma_start3A_100 : memref<1x10240x128xf32, #tpu.memory_space<hbm>> -> memref<10240x128xf32, #tpu.memory_space<hbm>>
      %dma_start3A_102 = arith.constant 0 : i32
      %dma_start3A_103 = tpu.memref_slice %dma_start3A_101[%add3A_91, %dma_start3A_102] : memref<10240x128xf32, #tpu.memory_space<hbm>> -> memref<128x128xf32, #tpu.memory_space<hbm>>
      %dma_start3A_104 = arith.constant 0 : i32
      %dma_start3A_105 = arith.constant 0 : i32
      %dma_start3A_106 = tpu.memref_slice %arg5[%arg0, %dma_start3A_104, %dma_start3A_105] : memref<2x10240x128xf32, #tpu.memory_space<hbm>> -> memref<1x10240x128xf32, #tpu.memory_space<hbm>>
      %dma_start3A_107 = tpu.memref_squeeze %dma_start3A_106 : memref<1x10240x128xf32, #tpu.memory_space<hbm>> -> memref<10240x128xf32, #tpu.memory_space<hbm>>
      %dma_start3A_108 = arith.constant 0 : i32
      %dma_start3A_109 = tpu.memref_slice %dma_start3A_107[%add3A_91, %dma_start3A_108] : memref<10240x128xf32, #tpu.memory_space<hbm>> -> memref<128x128xf32, #tpu.memory_space<hbm>>
      tpu.enqueue_dma source(%arg9 : memref<128x128xf32, #tpu.memory_space<vmem>>) target(%dma_start3A_109 : memref<128x128xf32, #tpu.memory_space<hbm>>) target_semaphore(%run_scoped3A : memref<!tpu.dma_semaphore, #tpu.memory_space<semaphore_mem>>)
      %dma_wait3A = arith.constant 0 : i32
      %dma_wait3A_110 = arith.constant 0 : i32
      %dma_wait3A_111 = tpu.memref_slice %arg5[%arg0, %dma_wait3A, %dma_wait3A_110] : memref<2x10240x128xf32, #tpu.memory_space<hbm>> -> memref<1x10240x128xf32, #tpu.memory_space<hbm>>
      %dma_wait3A_112 = tpu.memref_squeeze %dma_wait3A_111 : memref<1x10240x128xf32, #tpu.memory_space<hbm>> -> memref<10240x128xf32, #tpu.memory_space<hbm>>
      %dma_wait3A_113 = arith.constant 0 : i32
      %dma_wait3A_114 = tpu.memref_slice %dma_wait3A_112[%add3A_91, %dma_wait3A_113] : memref<10240x128xf32, #tpu.memory_space<hbm>> -> memref<128x128xf32, #tpu.memory_space<hbm>>
      %dma_wait3A_115 = arith.constant 0 : i32
      %dma_wait3A_116 = arith.constant 0 : i32
      %dma_wait3A_117 = tpu.memref_slice %arg5[%arg0, %dma_wait3A_115, %dma_wait3A_116] : memref<2x10240x128xf32, #tpu.memory_space<hbm>> -> memref<1x10240x128xf32, #tpu.memory_space<hbm>>
      %dma_wait3A_118 = tpu.memref_squeeze %dma_wait3A_117 : memref<1x10240x128xf32, #tpu.memory_space<hbm>> -> memref<10240x128xf32, #tpu.memory_space<hbm>>
      %dma_wait3A_119 = arith.constant 0 : i32
      %dma_wait3A_120 = tpu.memref_slice %dma_wait3A_118[%add3A_91, %dma_wait3A_119] : memref<10240x128xf32, #tpu.memory_space<hbm>> -> memref<128x128xf32, #tpu.memory_space<hbm>>
      tpu.wait_dma2 semaphore(%run_scoped3A : memref<!tpu.dma_semaphore, #tpu.memory_space<semaphore_mem>>) src(%arg9 : memref<128x128xf32, #tpu.memory_space<vmem>>) dst(%dma_wait3A_120 : memref<128x128xf32, #tpu.memory_space<hbm>>)
      tpu.yield
    }) : () -> ()
    %add3A_92 = arith.constant 384 : i32
    %add3A_93 = arith.addi %mul3A_0, %add3A_92 : i32
    "tpu.region"() ({
      %run_scoped3A = tpu.sem_alloc : memref<!tpu.dma_semaphore, #tpu.memory_space<semaphore_mem>>
      %dma_start3A = arith.constant 0 : i32
      %dma_start3A_99 = tpu.memref_slice %arg12[%add3A_93, %dma_start3A] : memref<10240x128xf32, #tpu.memory_space<vmem_shared>> -> memref<128x128xf32, #tpu.memory_space<vmem_shared>>
      %dma_start3A_100 = arith.constant 0 : i32
      %dma_start3A_101 = tpu.memref_slice %arg12[%add3A_93, %dma_start3A_100] : memref<10240x128xf32, #tpu.memory_space<vmem_shared>> -> memref<128x128xf32, #tpu.memory_space<vmem_shared>>
      tpu.enqueue_dma source(%dma_start3A_101 : memref<128x128xf32, #tpu.memory_space<vmem_shared>>) target(%arg9 : memref<128x128xf32, #tpu.memory_space<vmem>>) target_semaphore(%run_scoped3A : memref<!tpu.dma_semaphore, #tpu.memory_space<semaphore_mem>>)
      %dma_wait3A = arith.constant 0 : i32
      %dma_wait3A_102 = tpu.memref_slice %arg12[%add3A_93, %dma_wait3A] : memref<10240x128xf32, #tpu.memory_space<vmem_shared>> -> memref<128x128xf32, #tpu.memory_space<vmem_shared>>
      %dma_wait3A_103 = arith.constant 0 : i32
      %dma_wait3A_104 = tpu.memref_slice %arg12[%add3A_93, %dma_wait3A_103] : memref<10240x128xf32, #tpu.memory_space<vmem_shared>> -> memref<128x128xf32, #tpu.memory_space<vmem_shared>>
      tpu.wait_dma2 semaphore(%run_scoped3A : memref<!tpu.dma_semaphore, #tpu.memory_space<semaphore_mem>>) src(%dma_wait3A_104 : memref<128x128xf32, #tpu.memory_space<vmem_shared>>) dst(%arg9 : memref<128x128xf32, #tpu.memory_space<vmem>>)
      tpu.yield
    }) : () -> ()
    "tpu.region"() ({
      %run_scoped3A = tpu.sem_alloc : memref<!tpu.dma_semaphore, #tpu.memory_space<semaphore_mem>>
      %dma_start3A = arith.constant 0 : i32
      %dma_start3A_99 = arith.constant 0 : i32
      %dma_start3A_100 = tpu.memref_slice %arg5[%arg0, %dma_start3A, %dma_start3A_99] : memref<2x10240x128xf32, #tpu.memory_space<hbm>> -> memref<1x10240x128xf32, #tpu.memory_space<hbm>>
      %dma_start3A_101 = tpu.memref_squeeze %dma_start3A_100 : memref<1x10240x128xf32, #tpu.memory_space<hbm>> -> memref<10240x128xf32, #tpu.memory_space<hbm>>
      %dma_start3A_102 = arith.constant 0 : i32
      %dma_start3A_103 = tpu.memref_slice %dma_start3A_101[%add3A_93, %dma_start3A_102] : memref<10240x128xf32, #tpu.memory_space<hbm>> -> memref<128x128xf32, #tpu.memory_space<hbm>>
      %dma_start3A_104 = arith.constant 0 : i32
      %dma_start3A_105 = arith.constant 0 : i32
      %dma_start3A_106 = tpu.memref_slice %arg5[%arg0, %dma_start3A_104, %dma_start3A_105] : memref<2x10240x128xf32, #tpu.memory_space<hbm>> -> memref<1x10240x128xf32, #tpu.memory_space<hbm>>
      %dma_start3A_107 = tpu.memref_squeeze %dma_start3A_106 : memref<1x10240x128xf32, #tpu.memory_space<hbm>> -> memref<10240x128xf32, #tpu.memory_space<hbm>>
      %dma_start3A_108 = arith.constant 0 : i32
      %dma_start3A_109 = tpu.memref_slice %dma_start3A_107[%add3A_93, %dma_start3A_108] : memref<10240x128xf32, #tpu.memory_space<hbm>> -> memref<128x128xf32, #tpu.memory_space<hbm>>
      tpu.enqueue_dma source(%arg9 : memref<128x128xf32, #tpu.memory_space<vmem>>) target(%dma_start3A_109 : memref<128x128xf32, #tpu.memory_space<hbm>>) target_semaphore(%run_scoped3A : memref<!tpu.dma_semaphore, #tpu.memory_space<semaphore_mem>>)
      %dma_wait3A = arith.constant 0 : i32
      %dma_wait3A_110 = arith.constant 0 : i32
      %dma_wait3A_111 = tpu.memref_slice %arg5[%arg0, %dma_wait3A, %dma_wait3A_110] : memref<2x10240x128xf32, #tpu.memory_space<hbm>> -> memref<1x10240x128xf32, #tpu.memory_space<hbm>>
      %dma_wait3A_112 = tpu.memref_squeeze %dma_wait3A_111 : memref<1x10240x128xf32, #tpu.memory_space<hbm>> -> memref<10240x128xf32, #tpu.memory_space<hbm>>
      %dma_wait3A_113 = arith.constant 0 : i32
      %dma_wait3A_114 = tpu.memref_slice %dma_wait3A_112[%add3A_93, %dma_wait3A_113] : memref<10240x128xf32, #tpu.memory_space<hbm>> -> memref<128x128xf32, #tpu.memory_space<hbm>>
      %dma_wait3A_115 = arith.constant 0 : i32
      %dma_wait3A_116 = arith.constant 0 : i32
      %dma_wait3A_117 = tpu.memref_slice %arg5[%arg0, %dma_wait3A_115, %dma_wait3A_116] : memref<2x10240x128xf32, #tpu.memory_space<hbm>> -> memref<1x10240x128xf32, #tpu.memory_space<hbm>>
      %dma_wait3A_118 = tpu.memref_squeeze %dma_wait3A_117 : memref<1x10240x128xf32, #tpu.memory_space<hbm>> -> memref<10240x128xf32, #tpu.memory_space<hbm>>
      %dma_wait3A_119 = arith.constant 0 : i32
      %dma_wait3A_120 = tpu.memref_slice %dma_wait3A_118[%add3A_93, %dma_wait3A_119] : memref<10240x128xf32, #tpu.memory_space<hbm>> -> memref<128x128xf32, #tpu.memory_space<hbm>>
      tpu.wait_dma2 semaphore(%run_scoped3A : memref<!tpu.dma_semaphore, #tpu.memory_space<semaphore_mem>>) src(%arg9 : memref<128x128xf32, #tpu.memory_space<vmem>>) dst(%dma_wait3A_120 : memref<128x128xf32, #tpu.memory_space<hbm>>)
      tpu.yield
    }) : () -> ()
    %add3A_94 = arith.constant 512 : i32
    %add3A_95 = arith.addi %mul3A_0, %add3A_94 : i32
    "tpu.region"() ({
      %run_scoped3A = tpu.sem_alloc : memref<!tpu.dma_semaphore, #tpu.memory_space<semaphore_mem>>
      %dma_start3A = arith.constant 0 : i32
      %dma_start3A_99 = tpu.memref_slice %arg12[%add3A_95, %dma_start3A] : memref<10240x128xf32, #tpu.memory_space<vmem_shared>> -> memref<128x128xf32, #tpu.memory_space<vmem_shared>>
      %dma_start3A_100 = arith.constant 0 : i32
      %dma_start3A_101 = tpu.memref_slice %arg12[%add3A_95, %dma_start3A_100] : memref<10240x128xf32, #tpu.memory_space<vmem_shared>> -> memref<128x128xf32, #tpu.memory_space<vmem_shared>>
      tpu.enqueue_dma source(%dma_start3A_101 : memref<128x128xf32, #tpu.memory_space<vmem_shared>>) target(%arg9 : memref<128x128xf32, #tpu.memory_space<vmem>>) target_semaphore(%run_scoped3A : memref<!tpu.dma_semaphore, #tpu.memory_space<semaphore_mem>>)
      %dma_wait3A = arith.constant 0 : i32
      %dma_wait3A_102 = tpu.memref_slice %arg12[%add3A_95, %dma_wait3A] : memref<10240x128xf32, #tpu.memory_space<vmem_shared>> -> memref<128x128xf32, #tpu.memory_space<vmem_shared>>
      %dma_wait3A_103 = arith.constant 0 : i32
      %dma_wait3A_104 = tpu.memref_slice %arg12[%add3A_95, %dma_wait3A_103] : memref<10240x128xf32, #tpu.memory_space<vmem_shared>> -> memref<128x128xf32, #tpu.memory_space<vmem_shared>>
      tpu.wait_dma2 semaphore(%run_scoped3A : memref<!tpu.dma_semaphore, #tpu.memory_space<semaphore_mem>>) src(%dma_wait3A_104 : memref<128x128xf32, #tpu.memory_space<vmem_shared>>) dst(%arg9 : memref<128x128xf32, #tpu.memory_space<vmem>>)
      tpu.yield
    }) : () -> ()
    "tpu.region"() ({
      %run_scoped3A = tpu.sem_alloc : memref<!tpu.dma_semaphore, #tpu.memory_space<semaphore_mem>>
      %dma_start3A = arith.constant 0 : i32
      %dma_start3A_99 = arith.constant 0 : i32
      %dma_start3A_100 = tpu.memref_slice %arg5[%arg0, %dma_start3A, %dma_start3A_99] : memref<2x10240x128xf32, #tpu.memory_space<hbm>> -> memref<1x10240x128xf32, #tpu.memory_space<hbm>>
      %dma_start3A_101 = tpu.memref_squeeze %dma_start3A_100 : memref<1x10240x128xf32, #tpu.memory_space<hbm>> -> memref<10240x128xf32, #tpu.memory_space<hbm>>
      %dma_start3A_102 = arith.constant 0 : i32
      %dma_start3A_103 = tpu.memref_slice %dma_start3A_101[%add3A_95, %dma_start3A_102] : memref<10240x128xf32, #tpu.memory_space<hbm>> -> memref<128x128xf32, #tpu.memory_space<hbm>>
      %dma_start3A_104 = arith.constant 0 : i32
      %dma_start3A_105 = arith.constant 0 : i32
      %dma_start3A_106 = tpu.memref_slice %arg5[%arg0, %dma_start3A_104, %dma_start3A_105] : memref<2x10240x128xf32, #tpu.memory_space<hbm>> -> memref<1x10240x128xf32, #tpu.memory_space<hbm>>
      %dma_start3A_107 = tpu.memref_squeeze %dma_start3A_106 : memref<1x10240x128xf32, #tpu.memory_space<hbm>> -> memref<10240x128xf32, #tpu.memory_space<hbm>>
      %dma_start3A_108 = arith.constant 0 : i32
      %dma_start3A_109 = tpu.memref_slice %dma_start3A_107[%add3A_95, %dma_start3A_108] : memref<10240x128xf32, #tpu.memory_space<hbm>> -> memref<128x128xf32, #tpu.memory_space<hbm>>
      tpu.enqueue_dma source(%arg9 : memref<128x128xf32, #tpu.memory_space<vmem>>) target(%dma_start3A_109 : memref<128x128xf32, #tpu.memory_space<hbm>>) target_semaphore(%run_scoped3A : memref<!tpu.dma_semaphore, #tpu.memory_space<semaphore_mem>>)
      %dma_wait3A = arith.constant 0 : i32
      %dma_wait3A_110 = arith.constant 0 : i32
      %dma_wait3A_111 = tpu.memref_slice %arg5[%arg0, %dma_wait3A, %dma_wait3A_110] : memref<2x10240x128xf32, #tpu.memory_space<hbm>> -> memref<1x10240x128xf32, #tpu.memory_space<hbm>>
      %dma_wait3A_112 = tpu.memref_squeeze %dma_wait3A_111 : memref<1x10240x128xf32, #tpu.memory_space<hbm>> -> memref<10240x128xf32, #tpu.memory_space<hbm>>
      %dma_wait3A_113 = arith.constant 0 : i32
      %dma_wait3A_114 = tpu.memref_slice %dma_wait3A_112[%add3A_95, %dma_wait3A_113] : memref<10240x128xf32, #tpu.memory_space<hbm>> -> memref<128x128xf32, #tpu.memory_space<hbm>>
      %dma_wait3A_115 = arith.constant 0 : i32
      %dma_wait3A_116 = arith.constant 0 : i32
      %dma_wait3A_117 = tpu.memref_slice %arg5[%arg0, %dma_wait3A_115, %dma_wait3A_116] : memref<2x10240x128xf32, #tpu.memory_space<hbm>> -> memref<1x10240x128xf32, #tpu.memory_space<hbm>>
      %dma_wait3A_118 = tpu.memref_squeeze %dma_wait3A_117 : memref<1x10240x128xf32, #tpu.memory_space<hbm>> -> memref<10240x128xf32, #tpu.memory_space<hbm>>
      %dma_wait3A_119 = arith.constant 0 : i32
      %dma_wait3A_120 = tpu.memref_slice %dma_wait3A_118[%add3A_95, %dma_wait3A_119] : memref<10240x128xf32, #tpu.memory_space<hbm>> -> memref<128x128xf32, #tpu.memory_space<hbm>>
      tpu.wait_dma2 semaphore(%run_scoped3A : memref<!tpu.dma_semaphore, #tpu.memory_space<semaphore_mem>>) src(%arg9 : memref<128x128xf32, #tpu.memory_space<vmem>>) dst(%dma_wait3A_120 : memref<128x128xf32, #tpu.memory_space<hbm>>)
      tpu.yield
    }) : () -> ()
    "tpu.region"() ({
      %run_scoped3A = tpu.sem_alloc : memref<!tpu.dma_semaphore, #tpu.memory_space<semaphore_mem>>
      %dma_start3A = tpu.memref_slice %arg13[%mul3A_0] : memref<10240xf32, #tpu.memory_space<vmem_shared>> -> memref<640xf32, #tpu.memory_space<vmem_shared>>
      %dma_start3A_99 = tpu.memref_slice %arg13[%mul3A_0] : memref<10240xf32, #tpu.memory_space<vmem_shared>> -> memref<640xf32, #tpu.memory_space<vmem_shared>>
      tpu.enqueue_dma source(%dma_start3A_99 : memref<640xf32, #tpu.memory_space<vmem_shared>>) target(%arg11 : memref<640xf32, #tpu.memory_space<vmem>>) target_semaphore(%run_scoped3A : memref<!tpu.dma_semaphore, #tpu.memory_space<semaphore_mem>>)
      %dma_wait3A = tpu.memref_slice %arg13[%mul3A_0] : memref<10240xf32, #tpu.memory_space<vmem_shared>> -> memref<640xf32, #tpu.memory_space<vmem_shared>>
      %dma_wait3A_100 = tpu.memref_slice %arg13[%mul3A_0] : memref<10240xf32, #tpu.memory_space<vmem_shared>> -> memref<640xf32, #tpu.memory_space<vmem_shared>>
      tpu.wait_dma2 semaphore(%run_scoped3A : memref<!tpu.dma_semaphore, #tpu.memory_space<semaphore_mem>>) src(%dma_wait3A_100 : memref<640xf32, #tpu.memory_space<vmem_shared>>) dst(%arg11 : memref<640xf32, #tpu.memory_space<vmem>>)
      tpu.yield
    }) : () -> ()
    %mul3A_96 = arith.constant 10240 : i32
    %mul3A_97 = arith.muli %arg0, %mul3A_96 : i32
    %add3A_98 = arith.addi %mul3A_97, %mul3A_0 : i32
    "tpu.region"() ({
      %run_scoped3A = tpu.sem_alloc : memref<!tpu.dma_semaphore, #tpu.memory_space<semaphore_mem>>
      %dma_start3A = tpu.memref_slice %arg6[%add3A_98] : memref<20480xf32, #tpu.memory_space<hbm>> -> memref<640xf32, #tpu.memory_space<hbm>>
      %dma_start3A_99 = tpu.memref_slice %arg6[%add3A_98] : memref<20480xf32, #tpu.memory_space<hbm>> -> memref<640xf32, #tpu.memory_space<hbm>>
      tpu.enqueue_dma source(%arg11 : memref<640xf32, #tpu.memory_space<vmem>>) target(%dma_start3A_99 : memref<640xf32, #tpu.memory_space<hbm>>) target_semaphore(%run_scoped3A : memref<!tpu.dma_semaphore, #tpu.memory_space<semaphore_mem>>)
      %dma_wait3A = tpu.memref_slice %arg6[%add3A_98] : memref<20480xf32, #tpu.memory_space<hbm>> -> memref<640xf32, #tpu.memory_space<hbm>>
      %dma_wait3A_100 = tpu.memref_slice %arg6[%add3A_98] : memref<20480xf32, #tpu.memory_space<hbm>> -> memref<640xf32, #tpu.memory_space<hbm>>
      tpu.wait_dma2 semaphore(%run_scoped3A : memref<!tpu.dma_semaphore, #tpu.memory_space<semaphore_mem>>) src(%arg11 : memref<640xf32, #tpu.memory_space<vmem>>) dst(%dma_wait3A_100 : memref<640xf32, #tpu.memory_space<hbm>>)
      tpu.yield
    }) : () -> ()
    return
  }
}

#map = affine_map<(d0, d1) -> (0, 0)>
#map1 = affine_map<(d0, d1) -> (0, 0, 0)>
#map2 = affine_map<(d0, d1) -> (0)>
module attributes {stable_mosaic.version = 14 : i64} {
  func.func @_sage_agg_body(%arg0: i32, %arg1: i32, %arg2: memref<10240x128xf32, #tpu.memory_space<hbm>>, %arg3: memref<32x104x128xi32, #tpu.memory_space<hbm>>, %arg4: memref<32x104x128xi32, #tpu.memory_space<hbm>>, %arg5: memref<2x10240x128xf32, #tpu.memory_space<hbm>>, %arg6: memref<20480xf32, #tpu.memory_space<hbm>>, %arg7: memref<104x128xi32, #tpu.memory_space<vmem>>, %arg8: memref<104x128xi32, #tpu.memory_space<vmem>>, %arg9: memref<128x128xf32, #tpu.memory_space<vmem>>, %arg10: memref<128xf32, #tpu.memory_space<vmem>>, %arg11: memref<640xf32, #tpu.memory_space<vmem>>, %arg12: memref<10240x128xf32, #tpu.memory_space<vmem_shared>>, %arg13: memref<10240xf32, #tpu.memory_space<vmem_shared>>, %arg14: memref<!tpu.dma_semaphore, #tpu.memory_space<semaphore_mem>>) attributes {dimension_semantics = [#tpu.dimension_semantics<core_parallel>, #tpu.dimension_semantics<subcore_parallel>], iteration_bounds = array<i64: 2, 16>, scalar_prefetch = 0 : i64, scratch_operands = 8 : i64, tpu.core_type = #tpu.core_type<sc_vector_subcore>, window_params = [{transform_indices = #map}, {transform_indices = #map1}, {transform_indices = #map1}, {transform_indices = #map1}, {transform_indices = #map2}]} {
    %mul3A = arith.constant 640 : i32
    %mul3A_0 = arith.muli %arg1, %mul3A : i32
    %scan3A = arith.constant 0 : i32
    %scan3A_1 = arith.constant 0 : i32
    %scan3A_2 = arith.constant 1024 : i32
    %scan3A_3 = arith.addi %scan3A_1, %scan3A_2 : i32
    %scan3A_4 = arith.constant 1 : i32
    %scan3A_5 = scf.for %scan3A_99 = %scan3A_1 to %scan3A_3 step %scan3A_4 iter_args(%scan3A_100 = %scan3A) -> (i32)  : i32 {
      %broadcast_in_dim3A_101 = arith.constant 0.000000e+00 : f32
      %broadcast_in_dim3A_102 = vector.broadcast %broadcast_in_dim3A_101 : f32 to vector<16xf32>
      %jit3A_103 = arith.constant 8 : i32
      %div3A = arith.divsi %scan3A_99, %jit3A_103 : i32
      %sign3A = arith.constant 0 : i32
      %sign3A_104 = arith.cmpi sgt, %scan3A_99, %sign3A : i32
      %sign3A_105 = arith.extui %sign3A_104 : i1 to i32
      %sign3A_106 = arith.constant 0 : i32
      %sign3A_107 = arith.cmpi slt, %scan3A_99, %sign3A_106 : i32
      %sign3A_108 = arith.extui %sign3A_107 : i1 to i32
      %sign3A_109 = arith.subi %sign3A_105, %sign3A_108 : i32
      %sign3A_110 = arith.constant 0 : i32
      %sign3A_111 = arith.cmpi sgt, %jit3A_103, %sign3A_110 : i32
      %sign3A_112 = arith.extui %sign3A_111 : i1 to i32
      %sign3A_113 = arith.constant 0 : i32
      %sign3A_114 = arith.cmpi slt, %jit3A_103, %sign3A_113 : i32
      %sign3A_115 = arith.extui %sign3A_114 : i1 to i32
      %sign3A_116 = arith.subi %sign3A_112, %sign3A_115 : i32
      %ne3A = arith.cmpi ne, %sign3A_109, %sign3A_116 : i32
      %rem3A = arith.remsi %scan3A_99, %jit3A_103 : i32
      %ne3A_117 = arith.constant 0 : i32
      %ne3A_118 = arith.cmpi ne, %rem3A, %ne3A_117 : i32
      %and3A = arith.andi %ne3A, %ne3A_118 : i1
      %sub3A = arith.constant 1 : i32
      %sub3A_119 = arith.subi %div3A, %sub3A : i32
      %select_n3A_120 = arith.select %and3A, %sub3A_119, %div3A : i32
      %jit3A_121 = arith.constant 8 : i32
      %eq3A_122 = arith.constant 0 : i32
      %eq3A_123 = arith.cmpi eq, %jit3A_121, %eq3A_122 : i32
      %jit3A_124 = arith.constant 1 : i32
      %select_n3A_125 = arith.select %eq3A_123, %jit3A_124, %jit3A_121 : i32
      %rem3A_126 = arith.remsi %scan3A_99, %select_n3A_125 : i32
      %ne3A_127 = arith.constant 0 : i32
      %ne3A_128 = arith.cmpi ne, %rem3A_126, %ne3A_127 : i32
      %lt3A = arith.constant 0 : i32
      %lt3A_129 = arith.cmpi slt, %rem3A_126, %lt3A : i32
      %lt3A_130 = arith.constant 0 : i32
      %lt3A_131 = arith.cmpi slt, %select_n3A_125, %lt3A_130 : i32
      %ne3A_132 = arith.xori %lt3A_129, %lt3A_131 : i1
      %and3A_133 = arith.andi %ne3A_132, %ne3A_128 : i1
      %add3A_134 = arith.addi %rem3A_126, %select_n3A_125 : i32
      %select_n3A_135 = arith.select %and3A_133, %add3A_134, %rem3A_126 : i32
      %mul3A_136 = arith.constant 16 : i32
      %mul3A_137 = arith.muli %select_n3A_135, %mul3A_136 : i32
      %swap3A_138 = arith.index_cast %select_n3A_120 : i32 to index
      %swap3A_139 = arith.index_cast %mul3A_137 : i32 to index
      %swap3A_140 = tpu.vector_load %arg9[%swap3A_138, %swap3A_139] {strides = array<i32>} : memref<128x128xf32, #tpu.memory_space<vmem>>, vector<1x16xf32>,
      %swap3A_141 = vector.shape_cast %swap3A_140 : vector<1x16xf32> to vector<16xf32>
      %swap3A_142 = vector.shape_cast %broadcast_in_dim3A_102 : vector<16xf32> to vector<1x16xf32>
      tpu.vector_store %arg9[%swap3A_138, %swap3A_139], %swap3A_142 {strides = array<i32>} : memref<128x128xf32, #tpu.memory_space<vmem>>, vector<1x16xf32>,
      %scan3A_143 = arith.constant 0 : i32
      scf.yield %scan3A_143 : i32
    }
    %scan3A_6 = arith.constant 1024 : i32
    %scan3A_7 = arith.constant 0 : i32
    %scan3A_8 = arith.constant 0 : i32
    %scan3A_9 = arith.constant 40 : i32
    %scan3A_10 = arith.addi %scan3A_8, %scan3A_9 : i32
    %scan3A_11 = arith.constant 1 : i32
    %scan3A_12 = scf.for %scan3A_99 = %scan3A_8 to %scan3A_10 step %scan3A_11 iter_args(%scan3A_100 = %scan3A_7) -> (i32)  : i32 {
      %broadcast_in_dim3A_101 = arith.constant 0.000000e+00 : f32
      %broadcast_in_dim3A_102 = vector.broadcast %broadcast_in_dim3A_101 : f32 to vector<16xf32>
      %mul3A_103 = arith.constant 16 : i32
      %mul3A_104 = arith.muli %scan3A_99, %mul3A_103 : i32
      %swap3A_105 = arith.index_cast %mul3A_104 : i32 to index
      %swap3A_106 = tpu.vector_load %arg11[%swap3A_105] {strides = array<i32>} : memref<640xf32, #tpu.memory_space<vmem>>, vector<16xf32>,
      %swap3A_107 = vector.shape_cast %swap3A_106 : vector<16xf32> to vector<16xf32>
      %swap3A_108 = vector.shape_cast %broadcast_in_dim3A_102 : vector<16xf32> to vector<16xf32>
      tpu.vector_store %arg11[%swap3A_105], %swap3A_108 {strides = array<i32>} : memref<640xf32, #tpu.memory_space<vmem>>, vector<16xf32>,
      %scan3A_109 = arith.constant 0 : i32
      scf.yield %scan3A_109 : i32
    }
    %scan3A_13 = arith.constant 40 : i32
    %broadcast_in_dim3A = arith.constant 1.000000e+00 : f32
    %broadcast_in_dim3A_14 = vector.broadcast %broadcast_in_dim3A : f32 to vector<16xf32>
    %swap3A = arith.constant 0 : index
    %swap3A_15 = tpu.vector_load %arg10[%swap3A] {strides = array<i32>} : memref<128xf32, #tpu.memory_space<vmem>>, vector<16xf32>,
    %swap3A_16 = vector.shape_cast %swap3A_15 : vector<16xf32> to vector<16xf32>
    %swap3A_17 = vector.shape_cast %broadcast_in_dim3A_14 : vector<16xf32> to vector<16xf32>
    tpu.vector_store %arg10[%swap3A], %swap3A_17 {strides = array<i32>} : memref<128xf32, #tpu.memory_space<vmem>>, vector<16xf32>,
    %broadcast_in_dim3A_18 = arith.constant 1.000000e+00 : f32
    %broadcast_in_dim3A_19 = vector.broadcast %broadcast_in_dim3A_18 : f32 to vector<16xf32>
    %swap3A_20 = arith.constant 16 : index
    %swap3A_21 = tpu.vector_load %arg10[%swap3A_20] {strides = array<i32>} : memref<128xf32, #tpu.memory_space<vmem>>, vector<16xf32>,
    %swap3A_22 = vector.shape_cast %swap3A_21 : vector<16xf32> to vector<16xf32>
    %swap3A_23 = vector.shape_cast %broadcast_in_dim3A_19 : vector<16xf32> to vector<16xf32>
    tpu.vector_store %arg10[%swap3A_20], %swap3A_23 {strides = array<i32>} : memref<128xf32, #tpu.memory_space<vmem>>, vector<16xf32>,
    %broadcast_in_dim3A_24 = arith.constant 1.000000e+00 : f32
    %broadcast_in_dim3A_25 = vector.broadcast %broadcast_in_dim3A_24 : f32 to vector<16xf32>
    %swap3A_26 = arith.constant 32 : index
    %swap3A_27 = tpu.vector_load %arg10[%swap3A_26] {strides = array<i32>} : memref<128xf32, #tpu.memory_space<vmem>>, vector<16xf32>,
    %swap3A_28 = vector.shape_cast %swap3A_27 : vector<16xf32> to vector<16xf32>
    %swap3A_29 = vector.shape_cast %broadcast_in_dim3A_25 : vector<16xf32> to vector<16xf32>
    tpu.vector_store %arg10[%swap3A_26], %swap3A_29 {strides = array<i32>} : memref<128xf32, #tpu.memory_space<vmem>>, vector<16xf32>,
    %broadcast_in_dim3A_30 = arith.constant 1.000000e+00 : f32
    %broadcast_in_dim3A_31 = vector.broadcast %broadcast_in_dim3A_30 : f32 to vector<16xf32>
    %swap3A_32 = arith.constant 48 : index
    %swap3A_33 = tpu.vector_load %arg10[%swap3A_32] {strides = array<i32>} : memref<128xf32, #tpu.memory_space<vmem>>, vector<16xf32>,
    %swap3A_34 = vector.shape_cast %swap3A_33 : vector<16xf32> to vector<16xf32>
    %swap3A_35 = vector.shape_cast %broadcast_in_dim3A_31 : vector<16xf32> to vector<16xf32>
    tpu.vector_store %arg10[%swap3A_32], %swap3A_35 {strides = array<i32>} : memref<128xf32, #tpu.memory_space<vmem>>, vector<16xf32>,
    %broadcast_in_dim3A_36 = arith.constant 1.000000e+00 : f32
    %broadcast_in_dim3A_37 = vector.broadcast %broadcast_in_dim3A_36 : f32 to vector<16xf32>
    %swap3A_38 = arith.constant 64 : index
    %swap3A_39 = tpu.vector_load %arg10[%swap3A_38] {strides = array<i32>} : memref<128xf32, #tpu.memory_space<vmem>>, vector<16xf32>,
    %swap3A_40 = vector.shape_cast %swap3A_39 : vector<16xf32> to vector<16xf32>
    %swap3A_41 = vector.shape_cast %broadcast_in_dim3A_37 : vector<16xf32> to vector<16xf32>
    tpu.vector_store %arg10[%swap3A_38], %swap3A_41 {strides = array<i32>} : memref<128xf32, #tpu.memory_space<vmem>>, vector<16xf32>,
    %broadcast_in_dim3A_42 = arith.constant 1.000000e+00 : f32
    %broadcast_in_dim3A_43 = vector.broadcast %broadcast_in_dim3A_42 : f32 to vector<16xf32>
    %swap3A_44 = arith.constant 80 : index
    %swap3A_45 = tpu.vector_load %arg10[%swap3A_44] {strides = array<i32>} : memref<128xf32, #tpu.memory_space<vmem>>, vector<16xf32>,
    %swap3A_46 = vector.shape_cast %swap3A_45 : vector<16xf32> to vector<16xf32>
    %swap3A_47 = vector.shape_cast %broadcast_in_dim3A_43 : vector<16xf32> to vector<16xf32>
    tpu.vector_store %arg10[%swap3A_44], %swap3A_47 {strides = array<i32>} : memref<128xf32, #tpu.memory_space<vmem>>, vector<16xf32>,
    %broadcast_in_dim3A_48 = arith.constant 1.000000e+00 : f32
    %broadcast_in_dim3A_49 = vector.broadcast %broadcast_in_dim3A_48 : f32 to vector<16xf32>
    %swap3A_50 = arith.constant 96 : index
    %swap3A_51 = tpu.vector_load %arg10[%swap3A_50] {strides = array<i32>} : memref<128xf32, #tpu.memory_space<vmem>>, vector<16xf32>,
    %swap3A_52 = vector.shape_cast %swap3A_51 : vector<16xf32> to vector<16xf32>
    %swap3A_53 = vector.shape_cast %broadcast_in_dim3A_49 : vector<16xf32> to vector<16xf32>
    tpu.vector_store %arg10[%swap3A_50], %swap3A_53 {strides = array<i32>} : memref<128xf32, #tpu.memory_space<vmem>>, vector<16xf32>,
    %broadcast_in_dim3A_54 = arith.constant 1.000000e+00 : f32
    %broadcast_in_dim3A_55 = vector.broadcast %broadcast_in_dim3A_54 : f32 to vector<16xf32>
    %swap3A_56 = arith.constant 112 : index
    %swap3A_57 = tpu.vector_load %arg10[%swap3A_56] {strides = array<i32>} : memref<128xf32, #tpu.memory_space<vmem>>, vector<16xf32>,
    %swap3A_58 = vector.shape_cast %swap3A_57 : vector<16xf32> to vector<16xf32>
    %swap3A_59 = vector.shape_cast %broadcast_in_dim3A_55 : vector<16xf32> to vector<16xf32>
    tpu.vector_store %arg10[%swap3A_56], %swap3A_59 {strides = array<i32>} : memref<128xf32, #tpu.memory_space<vmem>>, vector<16xf32>,
    %add3A = arith.constant 0 : i32
    %add3A_60 = arith.addi %mul3A_0, %add3A : i32
    "tpu.region"() ({
      %run_scoped3A = tpu.sem_alloc : memref<!tpu.dma_semaphore, #tpu.memory_space<semaphore_mem>>
      %dma_start3A = arith.constant 0 : i32
      %dma_start3A_99 = tpu.memref_slice %arg12[%add3A_60, %dma_start3A] : memref<10240x128xf32, #tpu.memory_space<vmem_shared>> -> memref<128x128xf32, #tpu.memory_space<vmem_shared>>
      %dma_start3A_100 = arith.constant 0 : i32
      %dma_start3A_101 = tpu.memref_slice %arg12[%add3A_60, %dma_start3A_100] : memref<10240x128xf32, #tpu.memory_space<vmem_shared>> -> memref<128x128xf32, #tpu.memory_space<vmem_shared>>
      tpu.enqueue_dma source(%arg9 : memref<128x128xf32, #tpu.memory_space<vmem>>) target(%dma_start3A_101 : memref<128x128xf32, #tpu.memory_space<vmem_shared>>) target_semaphore(%run_scoped3A : memref<!tpu.dma_semaphore, #tpu.memory_space<semaphore_mem>>)
      %dma_wait3A = arith.constant 0 : i32
      %dma_wait3A_102 = tpu.memref_slice %arg12[%add3A_60, %dma_wait3A] : memref<10240x128xf32, #tpu.memory_space<vmem_shared>> -> memref<128x128xf32, #tpu.memory_space<vmem_shared>>
      %dma_wait3A_103 = arith.constant 0 : i32
      %dma_wait3A_104 = tpu.memref_slice %arg12[%add3A_60, %dma_wait3A_103] : memref<10240x128xf32, #tpu.memory_space<vmem_shared>> -> memref<128x128xf32, #tpu.memory_space<vmem_shared>>
      tpu.wait_dma2 semaphore(%run_scoped3A : memref<!tpu.dma_semaphore, #tpu.memory_space<semaphore_mem>>) src(%arg9 : memref<128x128xf32, #tpu.memory_space<vmem>>) dst(%dma_wait3A_104 : memref<128x128xf32, #tpu.memory_space<vmem_shared>>)
      tpu.yield
    }) : () -> ()
    %add3A_61 = arith.constant 128 : i32
    %add3A_62 = arith.addi %mul3A_0, %add3A_61 : i32
    "tpu.region"() ({
      %run_scoped3A = tpu.sem_alloc : memref<!tpu.dma_semaphore, #tpu.memory_space<semaphore_mem>>
      %dma_start3A = arith.constant 0 : i32
      %dma_start3A_99 = tpu.memref_slice %arg12[%add3A_62, %dma_start3A] : memref<10240x128xf32, #tpu.memory_space<vmem_shared>> -> memref<128x128xf32, #tpu.memory_space<vmem_shared>>
      %dma_start3A_100 = arith.constant 0 : i32
      %dma_start3A_101 = tpu.memref_slice %arg12[%add3A_62, %dma_start3A_100] : memref<10240x128xf32, #tpu.memory_space<vmem_shared>> -> memref<128x128xf32, #tpu.memory_space<vmem_shared>>
      tpu.enqueue_dma source(%arg9 : memref<128x128xf32, #tpu.memory_space<vmem>>) target(%dma_start3A_101 : memref<128x128xf32, #tpu.memory_space<vmem_shared>>) target_semaphore(%run_scoped3A : memref<!tpu.dma_semaphore, #tpu.memory_space<semaphore_mem>>)
      %dma_wait3A = arith.constant 0 : i32
      %dma_wait3A_102 = tpu.memref_slice %arg12[%add3A_62, %dma_wait3A] : memref<10240x128xf32, #tpu.memory_space<vmem_shared>> -> memref<128x128xf32, #tpu.memory_space<vmem_shared>>
      %dma_wait3A_103 = arith.constant 0 : i32
      %dma_wait3A_104 = tpu.memref_slice %arg12[%add3A_62, %dma_wait3A_103] : memref<10240x128xf32, #tpu.memory_space<vmem_shared>> -> memref<128x128xf32, #tpu.memory_space<vmem_shared>>
      tpu.wait_dma2 semaphore(%run_scoped3A : memref<!tpu.dma_semaphore, #tpu.memory_space<semaphore_mem>>) src(%arg9 : memref<128x128xf32, #tpu.memory_space<vmem>>) dst(%dma_wait3A_104 : memref<128x128xf32, #tpu.memory_space<vmem_shared>>)
      tpu.yield
    }) : () -> ()
    %add3A_63 = arith.constant 256 : i32
    %add3A_64 = arith.addi %mul3A_0, %add3A_63 : i32
    "tpu.region"() ({
      %run_scoped3A = tpu.sem_alloc : memref<!tpu.dma_semaphore, #tpu.memory_space<semaphore_mem>>
      %dma_start3A = arith.constant 0 : i32
      %dma_start3A_99 = tpu.memref_slice %arg12[%add3A_64, %dma_start3A] : memref<10240x128xf32, #tpu.memory_space<vmem_shared>> -> memref<128x128xf32, #tpu.memory_space<vmem_shared>>
      %dma_start3A_100 = arith.constant 0 : i32
      %dma_start3A_101 = tpu.memref_slice %arg12[%add3A_64, %dma_start3A_100] : memref<10240x128xf32, #tpu.memory_space<vmem_shared>> -> memref<128x128xf32, #tpu.memory_space<vmem_shared>>
      tpu.enqueue_dma source(%arg9 : memref<128x128xf32, #tpu.memory_space<vmem>>) target(%dma_start3A_101 : memref<128x128xf32, #tpu.memory_space<vmem_shared>>) target_semaphore(%run_scoped3A : memref<!tpu.dma_semaphore, #tpu.memory_space<semaphore_mem>>)
      %dma_wait3A = arith.constant 0 : i32
      %dma_wait3A_102 = tpu.memref_slice %arg12[%add3A_64, %dma_wait3A] : memref<10240x128xf32, #tpu.memory_space<vmem_shared>> -> memref<128x128xf32, #tpu.memory_space<vmem_shared>>
      %dma_wait3A_103 = arith.constant 0 : i32
      %dma_wait3A_104 = tpu.memref_slice %arg12[%add3A_64, %dma_wait3A_103] : memref<10240x128xf32, #tpu.memory_space<vmem_shared>> -> memref<128x128xf32, #tpu.memory_space<vmem_shared>>
      tpu.wait_dma2 semaphore(%run_scoped3A : memref<!tpu.dma_semaphore, #tpu.memory_space<semaphore_mem>>) src(%arg9 : memref<128x128xf32, #tpu.memory_space<vmem>>) dst(%dma_wait3A_104 : memref<128x128xf32, #tpu.memory_space<vmem_shared>>)
      tpu.yield
    }) : () -> ()
    %add3A_65 = arith.constant 384 : i32
    %add3A_66 = arith.addi %mul3A_0, %add3A_65 : i32
    "tpu.region"() ({
      %run_scoped3A = tpu.sem_alloc : memref<!tpu.dma_semaphore, #tpu.memory_space<semaphore_mem>>
      %dma_start3A = arith.constant 0 : i32
      %dma_start3A_99 = tpu.memref_slice %arg12[%add3A_66, %dma_start3A] : memref<10240x128xf32, #tpu.memory_space<vmem_shared>> -> memref<128x128xf32, #tpu.memory_space<vmem_shared>>
      %dma_start3A_100 = arith.constant 0 : i32
      %dma_start3A_101 = tpu.memref_slice %arg12[%add3A_66, %dma_start3A_100] : memref<10240x128xf32, #tpu.memory_space<vmem_shared>> -> memref<128x128xf32, #tpu.memory_space<vmem_shared>>
      tpu.enqueue_dma source(%arg9 : memref<128x128xf32, #tpu.memory_space<vmem>>) target(%dma_start3A_101 : memref<128x128xf32, #tpu.memory_space<vmem_shared>>) target_semaphore(%run_scoped3A : memref<!tpu.dma_semaphore, #tpu.memory_space<semaphore_mem>>)
      %dma_wait3A = arith.constant 0 : i32
      %dma_wait3A_102 = tpu.memref_slice %arg12[%add3A_66, %dma_wait3A] : memref<10240x128xf32, #tpu.memory_space<vmem_shared>> -> memref<128x128xf32, #tpu.memory_space<vmem_shared>>
      %dma_wait3A_103 = arith.constant 0 : i32
      %dma_wait3A_104 = tpu.memref_slice %arg12[%add3A_66, %dma_wait3A_103] : memref<10240x128xf32, #tpu.memory_space<vmem_shared>> -> memref<128x128xf32, #tpu.memory_space<vmem_shared>>
      tpu.wait_dma2 semaphore(%run_scoped3A : memref<!tpu.dma_semaphore, #tpu.memory_space<semaphore_mem>>) src(%arg9 : memref<128x128xf32, #tpu.memory_space<vmem>>) dst(%dma_wait3A_104 : memref<128x128xf32, #tpu.memory_space<vmem_shared>>)
      tpu.yield
    }) : () -> ()
    %add3A_67 = arith.constant 512 : i32
    %add3A_68 = arith.addi %mul3A_0, %add3A_67 : i32
    "tpu.region"() ({
      %run_scoped3A = tpu.sem_alloc : memref<!tpu.dma_semaphore, #tpu.memory_space<semaphore_mem>>
      %dma_start3A = arith.constant 0 : i32
      %dma_start3A_99 = tpu.memref_slice %arg12[%add3A_68, %dma_start3A] : memref<10240x128xf32, #tpu.memory_space<vmem_shared>> -> memref<128x128xf32, #tpu.memory_space<vmem_shared>>
      %dma_start3A_100 = arith.constant 0 : i32
      %dma_start3A_101 = tpu.memref_slice %arg12[%add3A_68, %dma_start3A_100] : memref<10240x128xf32, #tpu.memory_space<vmem_shared>> -> memref<128x128xf32, #tpu.memory_space<vmem_shared>>
      tpu.enqueue_dma source(%arg9 : memref<128x128xf32, #tpu.memory_space<vmem>>) target(%dma_start3A_101 : memref<128x128xf32, #tpu.memory_space<vmem_shared>>) target_semaphore(%run_scoped3A : memref<!tpu.dma_semaphore, #tpu.memory_space<semaphore_mem>>)
      %dma_wait3A = arith.constant 0 : i32
      %dma_wait3A_102 = tpu.memref_slice %arg12[%add3A_68, %dma_wait3A] : memref<10240x128xf32, #tpu.memory_space<vmem_shared>> -> memref<128x128xf32, #tpu.memory_space<vmem_shared>>
      %dma_wait3A_103 = arith.constant 0 : i32
      %dma_wait3A_104 = tpu.memref_slice %arg12[%add3A_68, %dma_wait3A_103] : memref<10240x128xf32, #tpu.memory_space<vmem_shared>> -> memref<128x128xf32, #tpu.memory_space<vmem_shared>>
      tpu.wait_dma2 semaphore(%run_scoped3A : memref<!tpu.dma_semaphore, #tpu.memory_space<semaphore_mem>>) src(%arg9 : memref<128x128xf32, #tpu.memory_space<vmem>>) dst(%dma_wait3A_104 : memref<128x128xf32, #tpu.memory_space<vmem_shared>>)
      tpu.yield
    }) : () -> ()
    "tpu.region"() ({
      %run_scoped3A = tpu.sem_alloc : memref<!tpu.dma_semaphore, #tpu.memory_space<semaphore_mem>>
      %dma_start3A = tpu.memref_slice %arg13[%mul3A_0] : memref<10240xf32, #tpu.memory_space<vmem_shared>> -> memref<640xf32, #tpu.memory_space<vmem_shared>>
      %dma_start3A_99 = tpu.memref_slice %arg13[%mul3A_0] : memref<10240xf32, #tpu.memory_space<vmem_shared>> -> memref<640xf32, #tpu.memory_space<vmem_shared>>
      tpu.enqueue_dma source(%arg11 : memref<640xf32, #tpu.memory_space<vmem>>) target(%dma_start3A_99 : memref<640xf32, #tpu.memory_space<vmem_shared>>) target_semaphore(%run_scoped3A : memref<!tpu.dma_semaphore, #tpu.memory_space<semaphore_mem>>)
      %dma_wait3A = tpu.memref_slice %arg13[%mul3A_0] : memref<10240xf32, #tpu.memory_space<vmem_shared>> -> memref<640xf32, #tpu.memory_space<vmem_shared>>
      %dma_wait3A_100 = tpu.memref_slice %arg13[%mul3A_0] : memref<10240xf32, #tpu.memory_space<vmem_shared>> -> memref<640xf32, #tpu.memory_space<vmem_shared>>
      tpu.wait_dma2 semaphore(%run_scoped3A : memref<!tpu.dma_semaphore, #tpu.memory_space<semaphore_mem>>) src(%arg11 : memref<640xf32, #tpu.memory_space<vmem>>) dst(%dma_wait3A_100 : memref<640xf32, #tpu.memory_space<vmem_shared>>)
      tpu.yield
    }) : () -> ()
    %barrier3A = arith.constant 0 : index
    tpu.barrier barrier_id(%barrier3A)
    %mul3A_69 = arith.constant 2 : i32
    %mul3A_70 = arith.muli %arg1, %mul3A_69 : i32
    %add3A_71 = arith.addi %mul3A_70, %arg0 : i32
    "tpu.region"() ({
      %run_scoped3A = tpu.sem_alloc : memref<!tpu.dma_semaphore, #tpu.memory_space<semaphore_mem>>
      %dma_start3A = arith.constant 0 : i32
      %dma_start3A_99 = arith.constant 0 : i32
      %dma_start3A_100 = tpu.memref_slice %arg3[%add3A_71, %dma_start3A, %dma_start3A_99] : memref<32x104x128xi32, #tpu.memory_space<hbm>> -> memref<1x104x128xi32, #tpu.memory_space<hbm>>
      %dma_start3A_101 = tpu.memref_squeeze %dma_start3A_100 : memref<1x104x128xi32, #tpu.memory_space<hbm>> -> memref<104x128xi32, #tpu.memory_space<hbm>>
      %dma_start3A_102 = arith.constant 0 : i32
      %dma_start3A_103 = arith.constant 0 : i32
      %dma_start3A_104 = tpu.memref_slice %arg3[%add3A_71, %dma_start3A_102, %dma_start3A_103] : memref<32x104x128xi32, #tpu.memory_space<hbm>> -> memref<1x104x128xi32, #tpu.memory_space<hbm>>
      %dma_start3A_105 = tpu.memref_squeeze %dma_start3A_104 : memref<1x104x128xi32, #tpu.memory_space<hbm>> -> memref<104x128xi32, #tpu.memory_space<hbm>>
      tpu.enqueue_dma source(%dma_start3A_105 : memref<104x128xi32, #tpu.memory_space<hbm>>) target(%arg7 : memref<104x128xi32, #tpu.memory_space<vmem>>) target_semaphore(%run_scoped3A : memref<!tpu.dma_semaphore, #tpu.memory_space<semaphore_mem>>)
      %dma_wait3A = arith.constant 0 : i32
      %dma_wait3A_106 = arith.constant 0 : i32
      %dma_wait3A_107 = tpu.memref_slice %arg3[%add3A_71, %dma_wait3A, %dma_wait3A_106] : memref<32x104x128xi32, #tpu.memory_space<hbm>> -> memref<1x104x128xi32, #tpu.memory_space<hbm>>
      %dma_wait3A_108 = tpu.memref_squeeze %dma_wait3A_107 : memref<1x104x128xi32, #tpu.memory_space<hbm>> -> memref<104x128xi32, #tpu.memory_space<hbm>>
      %dma_wait3A_109 = arith.constant 0 : i32
      %dma_wait3A_110 = arith.constant 0 : i32
      %dma_wait3A_111 = tpu.memref_slice %arg3[%add3A_71, %dma_wait3A_109, %dma_wait3A_110] : memref<32x104x128xi32, #tpu.memory_space<hbm>> -> memref<1x104x128xi32, #tpu.memory_space<hbm>>
      %dma_wait3A_112 = tpu.memref_squeeze %dma_wait3A_111 : memref<1x104x128xi32, #tpu.memory_space<hbm>> -> memref<104x128xi32, #tpu.memory_space<hbm>>
      tpu.wait_dma2 semaphore(%run_scoped3A : memref<!tpu.dma_semaphore, #tpu.memory_space<semaphore_mem>>) src(%dma_wait3A_112 : memref<104x128xi32, #tpu.memory_space<hbm>>) dst(%arg7 : memref<104x128xi32, #tpu.memory_space<vmem>>)
      tpu.yield
    }) : () -> ()
    "tpu.region"() ({
      %run_scoped3A = tpu.sem_alloc : memref<!tpu.dma_semaphore, #tpu.memory_space<semaphore_mem>>
      %dma_start3A = arith.constant 0 : i32
      %dma_start3A_99 = arith.constant 0 : i32
      %dma_start3A_100 = tpu.memref_slice %arg4[%add3A_71, %dma_start3A, %dma_start3A_99] : memref<32x104x128xi32, #tpu.memory_space<hbm>> -> memref<1x104x128xi32, #tpu.memory_space<hbm>>
      %dma_start3A_101 = tpu.memref_squeeze %dma_start3A_100 : memref<1x104x128xi32, #tpu.memory_space<hbm>> -> memref<104x128xi32, #tpu.memory_space<hbm>>
      %dma_start3A_102 = arith.constant 0 : i32
      %dma_start3A_103 = arith.constant 0 : i32
      %dma_start3A_104 = tpu.memref_slice %arg4[%add3A_71, %dma_start3A_102, %dma_start3A_103] : memref<32x104x128xi32, #tpu.memory_space<hbm>> -> memref<1x104x128xi32, #tpu.memory_space<hbm>>
      %dma_start3A_105 = tpu.memref_squeeze %dma_start3A_104 : memref<1x104x128xi32, #tpu.memory_space<hbm>> -> memref<104x128xi32, #tpu.memory_space<hbm>>
      tpu.enqueue_dma source(%dma_start3A_105 : memref<104x128xi32, #tpu.memory_space<hbm>>) target(%arg8 : memref<104x128xi32, #tpu.memory_space<vmem>>) target_semaphore(%run_scoped3A : memref<!tpu.dma_semaphore, #tpu.memory_space<semaphore_mem>>)
      %dma_wait3A = arith.constant 0 : i32
      %dma_wait3A_106 = arith.constant 0 : i32
      %dma_wait3A_107 = tpu.memref_slice %arg4[%add3A_71, %dma_wait3A, %dma_wait3A_106] : memref<32x104x128xi32, #tpu.memory_space<hbm>> -> memref<1x104x128xi32, #tpu.memory_space<hbm>>
      %dma_wait3A_108 = tpu.memref_squeeze %dma_wait3A_107 : memref<1x104x128xi32, #tpu.memory_space<hbm>> -> memref<104x128xi32, #tpu.memory_space<hbm>>
      %dma_wait3A_109 = arith.constant 0 : i32
      %dma_wait3A_110 = arith.constant 0 : i32
      %dma_wait3A_111 = tpu.memref_slice %arg4[%add3A_71, %dma_wait3A_109, %dma_wait3A_110] : memref<32x104x128xi32, #tpu.memory_space<hbm>> -> memref<1x104x128xi32, #tpu.memory_space<hbm>>
      %dma_wait3A_112 = tpu.memref_squeeze %dma_wait3A_111 : memref<1x104x128xi32, #tpu.memory_space<hbm>> -> memref<104x128xi32, #tpu.memory_space<hbm>>
      tpu.wait_dma2 semaphore(%run_scoped3A : memref<!tpu.dma_semaphore, #tpu.memory_space<semaphore_mem>>) src(%dma_wait3A_112 : memref<104x128xi32, #tpu.memory_space<hbm>>) dst(%arg8 : memref<104x128xi32, #tpu.memory_space<vmem>>)
      tpu.yield
    }) : () -> ()
    %eq3A = arith.constant 0 : i32
    %eq3A_72 = arith.cmpi eq, %arg0, %eq3A : i32
    %jit3A = arith.constant 54 : i32
    %jit3A_73 = arith.constant 104 : i32
    %select_n3A = arith.select %eq3A_72, %jit3A, %jit3A_73 : i32
    %while3A = arith.constant 0 : i32
    %while3A_74 = arith.constant 0 : i32
    %while3A_75 = arith.subi %select_n3A, %while3A : i32
    %while3A_76 = arith.addi %while3A, %while3A_75 : i32
    %while3A_77 = arith.constant 1 : i32
    %while3A_78 = arith.divsi %while3A_75, %while3A_77 : i32
    %while3A_79 = arith.muli %while3A_78, %while3A_77 : i32
    %while3A_80 = arith.addi %while3A, %while3A_79 : i32
    %while3A_81 = arith.constant 1 : i32
    %while3A_82 = scf.for %while3A_99 = %while3A to %while3A_80 step %while3A_81 iter_args(%while3A_100 = %while3A_74) -> (i32)  : i32 {
      %dma_start3A = arith.constant 0 : i32
      %dma_start3A_101 = tpu.memref_slice %arg7[%while3A_99, %dma_start3A] : memref<104x128xi32, #tpu.memory_space<vmem>> -> memref<1x128xi32, #tpu.memory_space<vmem>>
      %dma_start3A_102 = tpu.memref_squeeze %dma_start3A_101 : memref<1x128xi32, #tpu.memory_space<vmem>> -> memref<128xi32, #tpu.memory_space<vmem>>
      %dma_start3A_103 = arith.constant 0 : i32
      %dma_start3A_104 = arith.constant 0 : i32
      %dma_start3A_105 = tpu.memref_slice %arg2[%dma_start3A_103, %dma_start3A_104] : memref<10240x128xf32, #tpu.memory_space<hbm>> -> memref<10240x128xf32, #tpu.memory_space<hbm>>
      tpu.enqueue_indirect_dma source(%dma_start3A_105 : memref<10240x128xf32, #tpu.memory_space<hbm>>) target(%arg9 : memref<128x128xf32, #tpu.memory_space<vmem>>) offsets(%dma_start3A_102 : memref<128xi32, #tpu.memory_space<vmem>>) semaphore(%arg14 : memref<!tpu.dma_semaphore, #tpu.memory_space<semaphore_mem>>)
      %dma_wait3A = arith.constant 0 : i32
      %dma_wait3A_106 = tpu.memref_slice %arg7[%while3A_99, %dma_wait3A] : memref<104x128xi32, #tpu.memory_space<vmem>> -> memref<1x128xi32, #tpu.memory_space<vmem>>
      %dma_wait3A_107 = tpu.memref_squeeze %dma_wait3A_106 : memref<1x128xi32, #tpu.memory_space<vmem>> -> memref<128xi32, #tpu.memory_space<vmem>>
      %dma_wait3A_108 = arith.constant 0 : i32
      %dma_wait3A_109 = arith.constant 0 : i32
      %dma_wait3A_110 = tpu.memref_slice %arg2[%dma_wait3A_108, %dma_wait3A_109] : memref<10240x128xf32, #tpu.memory_space<hbm>> -> memref<10240x128xf32, #tpu.memory_space<hbm>>
      tpu.wait_indirect_dma semaphore(%arg14 : memref<!tpu.dma_semaphore, #tpu.memory_space<semaphore_mem>>) src(%dma_wait3A_110 : memref<10240x128xf32, #tpu.memory_space<hbm>>) dst(%arg9 : memref<128x128xf32, #tpu.memory_space<vmem>>)
      "tpu.region"() ({
        %run_scoped3A = tpu.sem_alloc : memref<!tpu.dma_semaphore, #tpu.memory_space<semaphore_mem>>
        %dma_start3A_112 = arith.constant 0 : i32
        %dma_start3A_113 = tpu.memref_slice %arg8[%while3A_99, %dma_start3A_112] : memref<104x128xi32, #tpu.memory_space<vmem>> -> memref<1x128xi32, #tpu.memory_space<vmem>>
        %dma_start3A_114 = tpu.memref_squeeze %dma_start3A_113 : memref<1x128xi32, #tpu.memory_space<vmem>> -> memref<128xi32, #tpu.memory_space<vmem>>
        %dma_start3A_115 = arith.constant 0 : i32
        %dma_start3A_116 = arith.constant 0 : i32
        %dma_start3A_117 = tpu.memref_slice %arg12[%dma_start3A_115, %dma_start3A_116] : memref<10240x128xf32, #tpu.memory_space<vmem_shared>> -> memref<10240x128xf32, #tpu.memory_space<vmem_shared>>
        tpu.enqueue_indirect_dma source(%arg9 : memref<128x128xf32, #tpu.memory_space<vmem>>) target(%dma_start3A_117 : memref<10240x128xf32, #tpu.memory_space<vmem_shared>>) offsets(%dma_start3A_114 : memref<128xi32, #tpu.memory_space<vmem>>) semaphore(%run_scoped3A : memref<!tpu.dma_semaphore, #tpu.memory_space<semaphore_mem>>) {add = true}
        %dma_wait3A_118 = arith.constant 0 : i32
        %dma_wait3A_119 = tpu.memref_slice %arg8[%while3A_99, %dma_wait3A_118] : memref<104x128xi32, #tpu.memory_space<vmem>> -> memref<1x128xi32, #tpu.memory_space<vmem>>
        %dma_wait3A_120 = tpu.memref_squeeze %dma_wait3A_119 : memref<1x128xi32, #tpu.memory_space<vmem>> -> memref<128xi32, #tpu.memory_space<vmem>>
        %dma_wait3A_121 = arith.constant 0 : i32
        %dma_wait3A_122 = arith.constant 0 : i32
        %dma_wait3A_123 = tpu.memref_slice %arg12[%dma_wait3A_121, %dma_wait3A_122] : memref<10240x128xf32, #tpu.memory_space<vmem_shared>> -> memref<10240x128xf32, #tpu.memory_space<vmem_shared>>
        tpu.wait_indirect_dma semaphore(%run_scoped3A : memref<!tpu.dma_semaphore, #tpu.memory_space<semaphore_mem>>) src(%arg9 : memref<128x128xf32, #tpu.memory_space<vmem>>) dst(%dma_wait3A_123 : memref<10240x128xf32, #tpu.memory_space<vmem_shared>>)
        tpu.yield
      }) : () -> ()
      "tpu.region"() ({
        %run_scoped3A = tpu.sem_alloc : memref<!tpu.dma_semaphore, #tpu.memory_space<semaphore_mem>>
        %dma_start3A_112 = arith.constant 0 : i32
        %dma_start3A_113 = tpu.memref_slice %arg8[%while3A_99, %dma_start3A_112] : memref<104x128xi32, #tpu.memory_space<vmem>> -> memref<1x128xi32, #tpu.memory_space<vmem>>
        %dma_start3A_114 = tpu.memref_squeeze %dma_start3A_113 : memref<1x128xi32, #tpu.memory_space<vmem>> -> memref<128xi32, #tpu.memory_space<vmem>>
        %dma_start3A_115 = arith.constant 0 : i32
        %dma_start3A_116 = tpu.memref_slice %arg13[%dma_start3A_115] : memref<10240xf32, #tpu.memory_space<vmem_shared>> -> memref<10240xf32, #tpu.memory_space<vmem_shared>>
        tpu.enqueue_indirect_dma source(%arg10 : memref<128xf32, #tpu.memory_space<vmem>>) target(%dma_start3A_116 : memref<10240xf32, #tpu.memory_space<vmem_shared>>) offsets(%dma_start3A_114 : memref<128xi32, #tpu.memory_space<vmem>>) semaphore(%run_scoped3A : memref<!tpu.dma_semaphore, #tpu.memory_space<semaphore_mem>>) {add = true}
        %dma_wait3A_117 = arith.constant 0 : i32
        %dma_wait3A_118 = tpu.memref_slice %arg8[%while3A_99, %dma_wait3A_117] : memref<104x128xi32, #tpu.memory_space<vmem>> -> memref<1x128xi32, #tpu.memory_space<vmem>>
        %dma_wait3A_119 = tpu.memref_squeeze %dma_wait3A_118 : memref<1x128xi32, #tpu.memory_space<vmem>> -> memref<128xi32, #tpu.memory_space<vmem>>
        %dma_wait3A_120 = arith.constant 0 : i32
        %dma_wait3A_121 = tpu.memref_slice %arg13[%dma_wait3A_120] : memref<10240xf32, #tpu.memory_space<vmem_shared>> -> memref<10240xf32, #tpu.memory_space<vmem_shared>>
        tpu.wait_indirect_dma semaphore(%run_scoped3A : memref<!tpu.dma_semaphore, #tpu.memory_space<semaphore_mem>>) src(%arg10 : memref<128xf32, #tpu.memory_space<vmem>>) dst(%dma_wait3A_121 : memref<10240xf32, #tpu.memory_space<vmem_shared>>)
        tpu.yield
      }) : () -> ()
      %while3A_111 = arith.constant 0 : i32
      scf.yield %while3A_111 : i32
    }
    %while3A_83 = arith.constant 1 : i32
    %while3A_84 = scf.for %while3A_99 = %while3A_80 to %while3A_76 step %while3A_83 iter_args(%while3A_100 = %while3A_82) -> (i32)  : i32 {
      %dma_start3A = arith.constant 0 : i32
      %dma_start3A_101 = tpu.memref_slice %arg7[%while3A_99, %dma_start3A] : memref<104x128xi32, #tpu.memory_space<vmem>> -> memref<1x128xi32, #tpu.memory_space<vmem>>
      %dma_start3A_102 = tpu.memref_squeeze %dma_start3A_101 : memref<1x128xi32, #tpu.memory_space<vmem>> -> memref<128xi32, #tpu.memory_space<vmem>>
      %dma_start3A_103 = arith.constant 0 : i32
      %dma_start3A_104 = arith.constant 0 : i32
      %dma_start3A_105 = tpu.memref_slice %arg2[%dma_start3A_103, %dma_start3A_104] : memref<10240x128xf32, #tpu.memory_space<hbm>> -> memref<10240x128xf32, #tpu.memory_space<hbm>>
      tpu.enqueue_indirect_dma source(%dma_start3A_105 : memref<10240x128xf32, #tpu.memory_space<hbm>>) target(%arg9 : memref<128x128xf32, #tpu.memory_space<vmem>>) offsets(%dma_start3A_102 : memref<128xi32, #tpu.memory_space<vmem>>) semaphore(%arg14 : memref<!tpu.dma_semaphore, #tpu.memory_space<semaphore_mem>>)
      %dma_wait3A = arith.constant 0 : i32
      %dma_wait3A_106 = tpu.memref_slice %arg7[%while3A_99, %dma_wait3A] : memref<104x128xi32, #tpu.memory_space<vmem>> -> memref<1x128xi32, #tpu.memory_space<vmem>>
      %dma_wait3A_107 = tpu.memref_squeeze %dma_wait3A_106 : memref<1x128xi32, #tpu.memory_space<vmem>> -> memref<128xi32, #tpu.memory_space<vmem>>
      %dma_wait3A_108 = arith.constant 0 : i32
      %dma_wait3A_109 = arith.constant 0 : i32
      %dma_wait3A_110 = tpu.memref_slice %arg2[%dma_wait3A_108, %dma_wait3A_109] : memref<10240x128xf32, #tpu.memory_space<hbm>> -> memref<10240x128xf32, #tpu.memory_space<hbm>>
      tpu.wait_indirect_dma semaphore(%arg14 : memref<!tpu.dma_semaphore, #tpu.memory_space<semaphore_mem>>) src(%dma_wait3A_110 : memref<10240x128xf32, #tpu.memory_space<hbm>>) dst(%arg9 : memref<128x128xf32, #tpu.memory_space<vmem>>)
      "tpu.region"() ({
        %run_scoped3A = tpu.sem_alloc : memref<!tpu.dma_semaphore, #tpu.memory_space<semaphore_mem>>
        %dma_start3A_112 = arith.constant 0 : i32
        %dma_start3A_113 = tpu.memref_slice %arg8[%while3A_99, %dma_start3A_112] : memref<104x128xi32, #tpu.memory_space<vmem>> -> memref<1x128xi32, #tpu.memory_space<vmem>>
        %dma_start3A_114 = tpu.memref_squeeze %dma_start3A_113 : memref<1x128xi32, #tpu.memory_space<vmem>> -> memref<128xi32, #tpu.memory_space<vmem>>
        %dma_start3A_115 = arith.constant 0 : i32
        %dma_start3A_116 = arith.constant 0 : i32
        %dma_start3A_117 = tpu.memref_slice %arg12[%dma_start3A_115, %dma_start3A_116] : memref<10240x128xf32, #tpu.memory_space<vmem_shared>> -> memref<10240x128xf32, #tpu.memory_space<vmem_shared>>
        tpu.enqueue_indirect_dma source(%arg9 : memref<128x128xf32, #tpu.memory_space<vmem>>) target(%dma_start3A_117 : memref<10240x128xf32, #tpu.memory_space<vmem_shared>>) offsets(%dma_start3A_114 : memref<128xi32, #tpu.memory_space<vmem>>) semaphore(%run_scoped3A : memref<!tpu.dma_semaphore, #tpu.memory_space<semaphore_mem>>) {add = true}
        %dma_wait3A_118 = arith.constant 0 : i32
        %dma_wait3A_119 = tpu.memref_slice %arg8[%while3A_99, %dma_wait3A_118] : memref<104x128xi32, #tpu.memory_space<vmem>> -> memref<1x128xi32, #tpu.memory_space<vmem>>
        %dma_wait3A_120 = tpu.memref_squeeze %dma_wait3A_119 : memref<1x128xi32, #tpu.memory_space<vmem>> -> memref<128xi32, #tpu.memory_space<vmem>>
        %dma_wait3A_121 = arith.constant 0 : i32
        %dma_wait3A_122 = arith.constant 0 : i32
        %dma_wait3A_123 = tpu.memref_slice %arg12[%dma_wait3A_121, %dma_wait3A_122] : memref<10240x128xf32, #tpu.memory_space<vmem_shared>> -> memref<10240x128xf32, #tpu.memory_space<vmem_shared>>
        tpu.wait_indirect_dma semaphore(%run_scoped3A : memref<!tpu.dma_semaphore, #tpu.memory_space<semaphore_mem>>) src(%arg9 : memref<128x128xf32, #tpu.memory_space<vmem>>) dst(%dma_wait3A_123 : memref<10240x128xf32, #tpu.memory_space<vmem_shared>>)
        tpu.yield
      }) : () -> ()
      "tpu.region"() ({
        %run_scoped3A = tpu.sem_alloc : memref<!tpu.dma_semaphore, #tpu.memory_space<semaphore_mem>>
        %dma_start3A_112 = arith.constant 0 : i32
        %dma_start3A_113 = tpu.memref_slice %arg8[%while3A_99, %dma_start3A_112] : memref<104x128xi32, #tpu.memory_space<vmem>> -> memref<1x128xi32, #tpu.memory_space<vmem>>
        %dma_start3A_114 = tpu.memref_squeeze %dma_start3A_113 : memref<1x128xi32, #tpu.memory_space<vmem>> -> memref<128xi32, #tpu.memory_space<vmem>>
        %dma_start3A_115 = arith.constant 0 : i32
        %dma_start3A_116 = tpu.memref_slice %arg13[%dma_start3A_115] : memref<10240xf32, #tpu.memory_space<vmem_shared>> -> memref<10240xf32, #tpu.memory_space<vmem_shared>>
        tpu.enqueue_indirect_dma source(%arg10 : memref<128xf32, #tpu.memory_space<vmem>>) target(%dma_start3A_116 : memref<10240xf32, #tpu.memory_space<vmem_shared>>) offsets(%dma_start3A_114 : memref<128xi32, #tpu.memory_space<vmem>>) semaphore(%run_scoped3A : memref<!tpu.dma_semaphore, #tpu.memory_space<semaphore_mem>>) {add = true}
        %dma_wait3A_117 = arith.constant 0 : i32
        %dma_wait3A_118 = tpu.memref_slice %arg8[%while3A_99, %dma_wait3A_117] : memref<104x128xi32, #tpu.memory_space<vmem>> -> memref<1x128xi32, #tpu.memory_space<vmem>>
        %dma_wait3A_119 = tpu.memref_squeeze %dma_wait3A_118 : memref<1x128xi32, #tpu.memory_space<vmem>> -> memref<128xi32, #tpu.memory_space<vmem>>
        %dma_wait3A_120 = arith.constant 0 : i32
        %dma_wait3A_121 = tpu.memref_slice %arg13[%dma_wait3A_120] : memref<10240xf32, #tpu.memory_space<vmem_shared>> -> memref<10240xf32, #tpu.memory_space<vmem_shared>>
        tpu.wait_indirect_dma semaphore(%run_scoped3A : memref<!tpu.dma_semaphore, #tpu.memory_space<semaphore_mem>>) src(%arg10 : memref<128xf32, #tpu.memory_space<vmem>>) dst(%dma_wait3A_121 : memref<10240xf32, #tpu.memory_space<vmem_shared>>)
        tpu.yield
      }) : () -> ()
      %while3A_111 = arith.constant 0 : i32
      scf.yield %while3A_111 : i32
    }
    %barrier3A_85 = arith.constant 0 : index
    tpu.barrier barrier_id(%barrier3A_85)
    %add3A_86 = arith.constant 0 : i32
    %add3A_87 = arith.addi %mul3A_0, %add3A_86 : i32
    "tpu.region"() ({
      %run_scoped3A = tpu.sem_alloc : memref<!tpu.dma_semaphore, #tpu.memory_space<semaphore_mem>>
      %dma_start3A = arith.constant 0 : i32
      %dma_start3A_99 = tpu.memref_slice %arg12[%add3A_87, %dma_start3A] : memref<10240x128xf32, #tpu.memory_space<vmem_shared>> -> memref<128x128xf32, #tpu.memory_space<vmem_shared>>
      %dma_start3A_100 = arith.constant 0 : i32
      %dma_start3A_101 = tpu.memref_slice %arg12[%add3A_87, %dma_start3A_100] : memref<10240x128xf32, #tpu.memory_space<vmem_shared>> -> memref<128x128xf32, #tpu.memory_space<vmem_shared>>
      tpu.enqueue_dma source(%dma_start3A_101 : memref<128x128xf32, #tpu.memory_space<vmem_shared>>) target(%arg9 : memref<128x128xf32, #tpu.memory_space<vmem>>) target_semaphore(%run_scoped3A : memref<!tpu.dma_semaphore, #tpu.memory_space<semaphore_mem>>)
      %dma_wait3A = arith.constant 0 : i32
      %dma_wait3A_102 = tpu.memref_slice %arg12[%add3A_87, %dma_wait3A] : memref<10240x128xf32, #tpu.memory_space<vmem_shared>> -> memref<128x128xf32, #tpu.memory_space<vmem_shared>>
      %dma_wait3A_103 = arith.constant 0 : i32
      %dma_wait3A_104 = tpu.memref_slice %arg12[%add3A_87, %dma_wait3A_103] : memref<10240x128xf32, #tpu.memory_space<vmem_shared>> -> memref<128x128xf32, #tpu.memory_space<vmem_shared>>
      tpu.wait_dma2 semaphore(%run_scoped3A : memref<!tpu.dma_semaphore, #tpu.memory_space<semaphore_mem>>) src(%dma_wait3A_104 : memref<128x128xf32, #tpu.memory_space<vmem_shared>>) dst(%arg9 : memref<128x128xf32, #tpu.memory_space<vmem>>)
      tpu.yield
    }) : () -> ()
    "tpu.region"() ({
      %run_scoped3A = tpu.sem_alloc : memref<!tpu.dma_semaphore, #tpu.memory_space<semaphore_mem>>
      %dma_start3A = arith.constant 0 : i32
      %dma_start3A_99 = arith.constant 0 : i32
      %dma_start3A_100 = tpu.memref_slice %arg5[%arg0, %dma_start3A, %dma_start3A_99] : memref<2x10240x128xf32, #tpu.memory_space<hbm>> -> memref<1x10240x128xf32, #tpu.memory_space<hbm>>
      %dma_start3A_101 = tpu.memref_squeeze %dma_start3A_100 : memref<1x10240x128xf32, #tpu.memory_space<hbm>> -> memref<10240x128xf32, #tpu.memory_space<hbm>>
      %dma_start3A_102 = arith.constant 0 : i32
      %dma_start3A_103 = tpu.memref_slice %dma_start3A_101[%add3A_87, %dma_start3A_102] : memref<10240x128xf32, #tpu.memory_space<hbm>> -> memref<128x128xf32, #tpu.memory_space<hbm>>
      %dma_start3A_104 = arith.constant 0 : i32
      %dma_start3A_105 = arith.constant 0 : i32
      %dma_start3A_106 = tpu.memref_slice %arg5[%arg0, %dma_start3A_104, %dma_start3A_105] : memref<2x10240x128xf32, #tpu.memory_space<hbm>> -> memref<1x10240x128xf32, #tpu.memory_space<hbm>>
      %dma_start3A_107 = tpu.memref_squeeze %dma_start3A_106 : memref<1x10240x128xf32, #tpu.memory_space<hbm>> -> memref<10240x128xf32, #tpu.memory_space<hbm>>
      %dma_start3A_108 = arith.constant 0 : i32
      %dma_start3A_109 = tpu.memref_slice %dma_start3A_107[%add3A_87, %dma_start3A_108] : memref<10240x128xf32, #tpu.memory_space<hbm>> -> memref<128x128xf32, #tpu.memory_space<hbm>>
      tpu.enqueue_dma source(%arg9 : memref<128x128xf32, #tpu.memory_space<vmem>>) target(%dma_start3A_109 : memref<128x128xf32, #tpu.memory_space<hbm>>) target_semaphore(%run_scoped3A : memref<!tpu.dma_semaphore, #tpu.memory_space<semaphore_mem>>)
      %dma_wait3A = arith.constant 0 : i32
      %dma_wait3A_110 = arith.constant 0 : i32
      %dma_wait3A_111 = tpu.memref_slice %arg5[%arg0, %dma_wait3A, %dma_wait3A_110] : memref<2x10240x128xf32, #tpu.memory_space<hbm>> -> memref<1x10240x128xf32, #tpu.memory_space<hbm>>
      %dma_wait3A_112 = tpu.memref_squeeze %dma_wait3A_111 : memref<1x10240x128xf32, #tpu.memory_space<hbm>> -> memref<10240x128xf32, #tpu.memory_space<hbm>>
      %dma_wait3A_113 = arith.constant 0 : i32
      %dma_wait3A_114 = tpu.memref_slice %dma_wait3A_112[%add3A_87, %dma_wait3A_113] : memref<10240x128xf32, #tpu.memory_space<hbm>> -> memref<128x128xf32, #tpu.memory_space<hbm>>
      %dma_wait3A_115 = arith.constant 0 : i32
      %dma_wait3A_116 = arith.constant 0 : i32
      %dma_wait3A_117 = tpu.memref_slice %arg5[%arg0, %dma_wait3A_115, %dma_wait3A_116] : memref<2x10240x128xf32, #tpu.memory_space<hbm>> -> memref<1x10240x128xf32, #tpu.memory_space<hbm>>
      %dma_wait3A_118 = tpu.memref_squeeze %dma_wait3A_117 : memref<1x10240x128xf32, #tpu.memory_space<hbm>> -> memref<10240x128xf32, #tpu.memory_space<hbm>>
      %dma_wait3A_119 = arith.constant 0 : i32
      %dma_wait3A_120 = tpu.memref_slice %dma_wait3A_118[%add3A_87, %dma_wait3A_119] : memref<10240x128xf32, #tpu.memory_space<hbm>> -> memref<128x128xf32, #tpu.memory_space<hbm>>
      tpu.wait_dma2 semaphore(%run_scoped3A : memref<!tpu.dma_semaphore, #tpu.memory_space<semaphore_mem>>) src(%arg9 : memref<128x128xf32, #tpu.memory_space<vmem>>) dst(%dma_wait3A_120 : memref<128x128xf32, #tpu.memory_space<hbm>>)
      tpu.yield
    }) : () -> ()
    %add3A_88 = arith.constant 128 : i32
    %add3A_89 = arith.addi %mul3A_0, %add3A_88 : i32
    "tpu.region"() ({
      %run_scoped3A = tpu.sem_alloc : memref<!tpu.dma_semaphore, #tpu.memory_space<semaphore_mem>>
      %dma_start3A = arith.constant 0 : i32
      %dma_start3A_99 = tpu.memref_slice %arg12[%add3A_89, %dma_start3A] : memref<10240x128xf32, #tpu.memory_space<vmem_shared>> -> memref<128x128xf32, #tpu.memory_space<vmem_shared>>
      %dma_start3A_100 = arith.constant 0 : i32
      %dma_start3A_101 = tpu.memref_slice %arg12[%add3A_89, %dma_start3A_100] : memref<10240x128xf32, #tpu.memory_space<vmem_shared>> -> memref<128x128xf32, #tpu.memory_space<vmem_shared>>
      tpu.enqueue_dma source(%dma_start3A_101 : memref<128x128xf32, #tpu.memory_space<vmem_shared>>) target(%arg9 : memref<128x128xf32, #tpu.memory_space<vmem>>) target_semaphore(%run_scoped3A : memref<!tpu.dma_semaphore, #tpu.memory_space<semaphore_mem>>)
      %dma_wait3A = arith.constant 0 : i32
      %dma_wait3A_102 = tpu.memref_slice %arg12[%add3A_89, %dma_wait3A] : memref<10240x128xf32, #tpu.memory_space<vmem_shared>> -> memref<128x128xf32, #tpu.memory_space<vmem_shared>>
      %dma_wait3A_103 = arith.constant 0 : i32
      %dma_wait3A_104 = tpu.memref_slice %arg12[%add3A_89, %dma_wait3A_103] : memref<10240x128xf32, #tpu.memory_space<vmem_shared>> -> memref<128x128xf32, #tpu.memory_space<vmem_shared>>
      tpu.wait_dma2 semaphore(%run_scoped3A : memref<!tpu.dma_semaphore, #tpu.memory_space<semaphore_mem>>) src(%dma_wait3A_104 : memref<128x128xf32, #tpu.memory_space<vmem_shared>>) dst(%arg9 : memref<128x128xf32, #tpu.memory_space<vmem>>)
      tpu.yield
    }) : () -> ()
    "tpu.region"() ({
      %run_scoped3A = tpu.sem_alloc : memref<!tpu.dma_semaphore, #tpu.memory_space<semaphore_mem>>
      %dma_start3A = arith.constant 0 : i32
      %dma_start3A_99 = arith.constant 0 : i32
      %dma_start3A_100 = tpu.memref_slice %arg5[%arg0, %dma_start3A, %dma_start3A_99] : memref<2x10240x128xf32, #tpu.memory_space<hbm>> -> memref<1x10240x128xf32, #tpu.memory_space<hbm>>
      %dma_start3A_101 = tpu.memref_squeeze %dma_start3A_100 : memref<1x10240x128xf32, #tpu.memory_space<hbm>> -> memref<10240x128xf32, #tpu.memory_space<hbm>>
      %dma_start3A_102 = arith.constant 0 : i32
      %dma_start3A_103 = tpu.memref_slice %dma_start3A_101[%add3A_89, %dma_start3A_102] : memref<10240x128xf32, #tpu.memory_space<hbm>> -> memref<128x128xf32, #tpu.memory_space<hbm>>
      %dma_start3A_104 = arith.constant 0 : i32
      %dma_start3A_105 = arith.constant 0 : i32
      %dma_start3A_106 = tpu.memref_slice %arg5[%arg0, %dma_start3A_104, %dma_start3A_105] : memref<2x10240x128xf32, #tpu.memory_space<hbm>> -> memref<1x10240x128xf32, #tpu.memory_space<hbm>>
      %dma_start3A_107 = tpu.memref_squeeze %dma_start3A_106 : memref<1x10240x128xf32, #tpu.memory_space<hbm>> -> memref<10240x128xf32, #tpu.memory_space<hbm>>
      %dma_start3A_108 = arith.constant 0 : i32
      %dma_start3A_109 = tpu.memref_slice %dma_start3A_107[%add3A_89, %dma_start3A_108] : memref<10240x128xf32, #tpu.memory_space<hbm>> -> memref<128x128xf32, #tpu.memory_space<hbm>>
      tpu.enqueue_dma source(%arg9 : memref<128x128xf32, #tpu.memory_space<vmem>>) target(%dma_start3A_109 : memref<128x128xf32, #tpu.memory_space<hbm>>) target_semaphore(%run_scoped3A : memref<!tpu.dma_semaphore, #tpu.memory_space<semaphore_mem>>)
      %dma_wait3A = arith.constant 0 : i32
      %dma_wait3A_110 = arith.constant 0 : i32
      %dma_wait3A_111 = tpu.memref_slice %arg5[%arg0, %dma_wait3A, %dma_wait3A_110] : memref<2x10240x128xf32, #tpu.memory_space<hbm>> -> memref<1x10240x128xf32, #tpu.memory_space<hbm>>
      %dma_wait3A_112 = tpu.memref_squeeze %dma_wait3A_111 : memref<1x10240x128xf32, #tpu.memory_space<hbm>> -> memref<10240x128xf32, #tpu.memory_space<hbm>>
      %dma_wait3A_113 = arith.constant 0 : i32
      %dma_wait3A_114 = tpu.memref_slice %dma_wait3A_112[%add3A_89, %dma_wait3A_113] : memref<10240x128xf32, #tpu.memory_space<hbm>> -> memref<128x128xf32, #tpu.memory_space<hbm>>
      %dma_wait3A_115 = arith.constant 0 : i32
      %dma_wait3A_116 = arith.constant 0 : i32
      %dma_wait3A_117 = tpu.memref_slice %arg5[%arg0, %dma_wait3A_115, %dma_wait3A_116] : memref<2x10240x128xf32, #tpu.memory_space<hbm>> -> memref<1x10240x128xf32, #tpu.memory_space<hbm>>
      %dma_wait3A_118 = tpu.memref_squeeze %dma_wait3A_117 : memref<1x10240x128xf32, #tpu.memory_space<hbm>> -> memref<10240x128xf32, #tpu.memory_space<hbm>>
      %dma_wait3A_119 = arith.constant 0 : i32
      %dma_wait3A_120 = tpu.memref_slice %dma_wait3A_118[%add3A_89, %dma_wait3A_119] : memref<10240x128xf32, #tpu.memory_space<hbm>> -> memref<128x128xf32, #tpu.memory_space<hbm>>
      tpu.wait_dma2 semaphore(%run_scoped3A : memref<!tpu.dma_semaphore, #tpu.memory_space<semaphore_mem>>) src(%arg9 : memref<128x128xf32, #tpu.memory_space<vmem>>) dst(%dma_wait3A_120 : memref<128x128xf32, #tpu.memory_space<hbm>>)
      tpu.yield
    }) : () -> ()
    %add3A_90 = arith.constant 256 : i32
    %add3A_91 = arith.addi %mul3A_0, %add3A_90 : i32
    "tpu.region"() ({
      %run_scoped3A = tpu.sem_alloc : memref<!tpu.dma_semaphore, #tpu.memory_space<semaphore_mem>>
      %dma_start3A = arith.constant 0 : i32
      %dma_start3A_99 = tpu.memref_slice %arg12[%add3A_91, %dma_start3A] : memref<10240x128xf32, #tpu.memory_space<vmem_shared>> -> memref<128x128xf32, #tpu.memory_space<vmem_shared>>
      %dma_start3A_100 = arith.constant 0 : i32
      %dma_start3A_101 = tpu.memref_slice %arg12[%add3A_91, %dma_start3A_100] : memref<10240x128xf32, #tpu.memory_space<vmem_shared>> -> memref<128x128xf32, #tpu.memory_space<vmem_shared>>
      tpu.enqueue_dma source(%dma_start3A_101 : memref<128x128xf32, #tpu.memory_space<vmem_shared>>) target(%arg9 : memref<128x128xf32, #tpu.memory_space<vmem>>) target_semaphore(%run_scoped3A : memref<!tpu.dma_semaphore, #tpu.memory_space<semaphore_mem>>)
      %dma_wait3A = arith.constant 0 : i32
      %dma_wait3A_102 = tpu.memref_slice %arg12[%add3A_91, %dma_wait3A] : memref<10240x128xf32, #tpu.memory_space<vmem_shared>> -> memref<128x128xf32, #tpu.memory_space<vmem_shared>>
      %dma_wait3A_103 = arith.constant 0 : i32
      %dma_wait3A_104 = tpu.memref_slice %arg12[%add3A_91, %dma_wait3A_103] : memref<10240x128xf32, #tpu.memory_space<vmem_shared>> -> memref<128x128xf32, #tpu.memory_space<vmem_shared>>
      tpu.wait_dma2 semaphore(%run_scoped3A : memref<!tpu.dma_semaphore, #tpu.memory_space<semaphore_mem>>) src(%dma_wait3A_104 : memref<128x128xf32, #tpu.memory_space<vmem_shared>>) dst(%arg9 : memref<128x128xf32, #tpu.memory_space<vmem>>)
      tpu.yield
    }) : () -> ()
    "tpu.region"() ({
      %run_scoped3A = tpu.sem_alloc : memref<!tpu.dma_semaphore, #tpu.memory_space<semaphore_mem>>
      %dma_start3A = arith.constant 0 : i32
      %dma_start3A_99 = arith.constant 0 : i32
      %dma_start3A_100 = tpu.memref_slice %arg5[%arg0, %dma_start3A, %dma_start3A_99] : memref<2x10240x128xf32, #tpu.memory_space<hbm>> -> memref<1x10240x128xf32, #tpu.memory_space<hbm>>
      %dma_start3A_101 = tpu.memref_squeeze %dma_start3A_100 : memref<1x10240x128xf32, #tpu.memory_space<hbm>> -> memref<10240x128xf32, #tpu.memory_space<hbm>>
      %dma_start3A_102 = arith.constant 0 : i32
      %dma_start3A_103 = tpu.memref_slice %dma_start3A_101[%add3A_91, %dma_start3A_102] : memref<10240x128xf32, #tpu.memory_space<hbm>> -> memref<128x128xf32, #tpu.memory_space<hbm>>
      %dma_start3A_104 = arith.constant 0 : i32
      %dma_start3A_105 = arith.constant 0 : i32
      %dma_start3A_106 = tpu.memref_slice %arg5[%arg0, %dma_start3A_104, %dma_start3A_105] : memref<2x10240x128xf32, #tpu.memory_space<hbm>> -> memref<1x10240x128xf32, #tpu.memory_space<hbm>>
      %dma_start3A_107 = tpu.memref_squeeze %dma_start3A_106 : memref<1x10240x128xf32, #tpu.memory_space<hbm>> -> memref<10240x128xf32, #tpu.memory_space<hbm>>
      %dma_start3A_108 = arith.constant 0 : i32
      %dma_start3A_109 = tpu.memref_slice %dma_start3A_107[%add3A_91, %dma_start3A_108] : memref<10240x128xf32, #tpu.memory_space<hbm>> -> memref<128x128xf32, #tpu.memory_space<hbm>>
      tpu.enqueue_dma source(%arg9 : memref<128x128xf32, #tpu.memory_space<vmem>>) target(%dma_start3A_109 : memref<128x128xf32, #tpu.memory_space<hbm>>) target_semaphore(%run_scoped3A : memref<!tpu.dma_semaphore, #tpu.memory_space<semaphore_mem>>)
      %dma_wait3A = arith.constant 0 : i32
      %dma_wait3A_110 = arith.constant 0 : i32
      %dma_wait3A_111 = tpu.memref_slice %arg5[%arg0, %dma_wait3A, %dma_wait3A_110] : memref<2x10240x128xf32, #tpu.memory_space<hbm>> -> memref<1x10240x128xf32, #tpu.memory_space<hbm>>
      %dma_wait3A_112 = tpu.memref_squeeze %dma_wait3A_111 : memref<1x10240x128xf32, #tpu.memory_space<hbm>> -> memref<10240x128xf32, #tpu.memory_space<hbm>>
      %dma_wait3A_113 = arith.constant 0 : i32
      %dma_wait3A_114 = tpu.memref_slice %dma_wait3A_112[%add3A_91, %dma_wait3A_113] : memref<10240x128xf32, #tpu.memory_space<hbm>> -> memref<128x128xf32, #tpu.memory_space<hbm>>
      %dma_wait3A_115 = arith.constant 0 : i32
      %dma_wait3A_116 = arith.constant 0 : i32
      %dma_wait3A_117 = tpu.memref_slice %arg5[%arg0, %dma_wait3A_115, %dma_wait3A_116] : memref<2x10240x128xf32, #tpu.memory_space<hbm>> -> memref<1x10240x128xf32, #tpu.memory_space<hbm>>
      %dma_wait3A_118 = tpu.memref_squeeze %dma_wait3A_117 : memref<1x10240x128xf32, #tpu.memory_space<hbm>> -> memref<10240x128xf32, #tpu.memory_space<hbm>>
      %dma_wait3A_119 = arith.constant 0 : i32
      %dma_wait3A_120 = tpu.memref_slice %dma_wait3A_118[%add3A_91, %dma_wait3A_119] : memref<10240x128xf32, #tpu.memory_space<hbm>> -> memref<128x128xf32, #tpu.memory_space<hbm>>
      tpu.wait_dma2 semaphore(%run_scoped3A : memref<!tpu.dma_semaphore, #tpu.memory_space<semaphore_mem>>) src(%arg9 : memref<128x128xf32, #tpu.memory_space<vmem>>) dst(%dma_wait3A_120 : memref<128x128xf32, #tpu.memory_space<hbm>>)
      tpu.yield
    }) : () -> ()
    %add3A_92 = arith.constant 384 : i32
    %add3A_93 = arith.addi %mul3A_0, %add3A_92 : i32
    "tpu.region"() ({
      %run_scoped3A = tpu.sem_alloc : memref<!tpu.dma_semaphore, #tpu.memory_space<semaphore_mem>>
      %dma_start3A = arith.constant 0 : i32
      %dma_start3A_99 = tpu.memref_slice %arg12[%add3A_93, %dma_start3A] : memref<10240x128xf32, #tpu.memory_space<vmem_shared>> -> memref<128x128xf32, #tpu.memory_space<vmem_shared>>
      %dma_start3A_100 = arith.constant 0 : i32
      %dma_start3A_101 = tpu.memref_slice %arg12[%add3A_93, %dma_start3A_100] : memref<10240x128xf32, #tpu.memory_space<vmem_shared>> -> memref<128x128xf32, #tpu.memory_space<vmem_shared>>
      tpu.enqueue_dma source(%dma_start3A_101 : memref<128x128xf32, #tpu.memory_space<vmem_shared>>) target(%arg9 : memref<128x128xf32, #tpu.memory_space<vmem>>) target_semaphore(%run_scoped3A : memref<!tpu.dma_semaphore, #tpu.memory_space<semaphore_mem>>)
      %dma_wait3A = arith.constant 0 : i32
      %dma_wait3A_102 = tpu.memref_slice %arg12[%add3A_93, %dma_wait3A] : memref<10240x128xf32, #tpu.memory_space<vmem_shared>> -> memref<128x128xf32, #tpu.memory_space<vmem_shared>>
      %dma_wait3A_103 = arith.constant 0 : i32
      %dma_wait3A_104 = tpu.memref_slice %arg12[%add3A_93, %dma_wait3A_103] : memref<10240x128xf32, #tpu.memory_space<vmem_shared>> -> memref<128x128xf32, #tpu.memory_space<vmem_shared>>
      tpu.wait_dma2 semaphore(%run_scoped3A : memref<!tpu.dma_semaphore, #tpu.memory_space<semaphore_mem>>) src(%dma_wait3A_104 : memref<128x128xf32, #tpu.memory_space<vmem_shared>>) dst(%arg9 : memref<128x128xf32, #tpu.memory_space<vmem>>)
      tpu.yield
    }) : () -> ()
    "tpu.region"() ({
      %run_scoped3A = tpu.sem_alloc : memref<!tpu.dma_semaphore, #tpu.memory_space<semaphore_mem>>
      %dma_start3A = arith.constant 0 : i32
      %dma_start3A_99 = arith.constant 0 : i32
      %dma_start3A_100 = tpu.memref_slice %arg5[%arg0, %dma_start3A, %dma_start3A_99] : memref<2x10240x128xf32, #tpu.memory_space<hbm>> -> memref<1x10240x128xf32, #tpu.memory_space<hbm>>
      %dma_start3A_101 = tpu.memref_squeeze %dma_start3A_100 : memref<1x10240x128xf32, #tpu.memory_space<hbm>> -> memref<10240x128xf32, #tpu.memory_space<hbm>>
      %dma_start3A_102 = arith.constant 0 : i32
      %dma_start3A_103 = tpu.memref_slice %dma_start3A_101[%add3A_93, %dma_start3A_102] : memref<10240x128xf32, #tpu.memory_space<hbm>> -> memref<128x128xf32, #tpu.memory_space<hbm>>
      %dma_start3A_104 = arith.constant 0 : i32
      %dma_start3A_105 = arith.constant 0 : i32
      %dma_start3A_106 = tpu.memref_slice %arg5[%arg0, %dma_start3A_104, %dma_start3A_105] : memref<2x10240x128xf32, #tpu.memory_space<hbm>> -> memref<1x10240x128xf32, #tpu.memory_space<hbm>>
      %dma_start3A_107 = tpu.memref_squeeze %dma_start3A_106 : memref<1x10240x128xf32, #tpu.memory_space<hbm>> -> memref<10240x128xf32, #tpu.memory_space<hbm>>
      %dma_start3A_108 = arith.constant 0 : i32
      %dma_start3A_109 = tpu.memref_slice %dma_start3A_107[%add3A_93, %dma_start3A_108] : memref<10240x128xf32, #tpu.memory_space<hbm>> -> memref<128x128xf32, #tpu.memory_space<hbm>>
      tpu.enqueue_dma source(%arg9 : memref<128x128xf32, #tpu.memory_space<vmem>>) target(%dma_start3A_109 : memref<128x128xf32, #tpu.memory_space<hbm>>) target_semaphore(%run_scoped3A : memref<!tpu.dma_semaphore, #tpu.memory_space<semaphore_mem>>)
      %dma_wait3A = arith.constant 0 : i32
      %dma_wait3A_110 = arith.constant 0 : i32
      %dma_wait3A_111 = tpu.memref_slice %arg5[%arg0, %dma_wait3A, %dma_wait3A_110] : memref<2x10240x128xf32, #tpu.memory_space<hbm>> -> memref<1x10240x128xf32, #tpu.memory_space<hbm>>
      %dma_wait3A_112 = tpu.memref_squeeze %dma_wait3A_111 : memref<1x10240x128xf32, #tpu.memory_space<hbm>> -> memref<10240x128xf32, #tpu.memory_space<hbm>>
      %dma_wait3A_113 = arith.constant 0 : i32
      %dma_wait3A_114 = tpu.memref_slice %dma_wait3A_112[%add3A_93, %dma_wait3A_113] : memref<10240x128xf32, #tpu.memory_space<hbm>> -> memref<128x128xf32, #tpu.memory_space<hbm>>
      %dma_wait3A_115 = arith.constant 0 : i32
      %dma_wait3A_116 = arith.constant 0 : i32
      %dma_wait3A_117 = tpu.memref_slice %arg5[%arg0, %dma_wait3A_115, %dma_wait3A_116] : memref<2x10240x128xf32, #tpu.memory_space<hbm>> -> memref<1x10240x128xf32, #tpu.memory_space<hbm>>
      %dma_wait3A_118 = tpu.memref_squeeze %dma_wait3A_117 : memref<1x10240x128xf32, #tpu.memory_space<hbm>> -> memref<10240x128xf32, #tpu.memory_space<hbm>>
      %dma_wait3A_119 = arith.constant 0 : i32
      %dma_wait3A_120 = tpu.memref_slice %dma_wait3A_118[%add3A_93, %dma_wait3A_119] : memref<10240x128xf32, #tpu.memory_space<hbm>> -> memref<128x128xf32, #tpu.memory_space<hbm>>
      tpu.wait_dma2 semaphore(%run_scoped3A : memref<!tpu.dma_semaphore, #tpu.memory_space<semaphore_mem>>) src(%arg9 : memref<128x128xf32, #tpu.memory_space<vmem>>) dst(%dma_wait3A_120 : memref<128x128xf32, #tpu.memory_space<hbm>>)
      tpu.yield
    }) : () -> ()
    %add3A_94 = arith.constant 512 : i32
    %add3A_95 = arith.addi %mul3A_0, %add3A_94 : i32
    "tpu.region"() ({
      %run_scoped3A = tpu.sem_alloc : memref<!tpu.dma_semaphore, #tpu.memory_space<semaphore_mem>>
      %dma_start3A = arith.constant 0 : i32
      %dma_start3A_99 = tpu.memref_slice %arg12[%add3A_95, %dma_start3A] : memref<10240x128xf32, #tpu.memory_space<vmem_shared>> -> memref<128x128xf32, #tpu.memory_space<vmem_shared>>
      %dma_start3A_100 = arith.constant 0 : i32
      %dma_start3A_101 = tpu.memref_slice %arg12[%add3A_95, %dma_start3A_100] : memref<10240x128xf32, #tpu.memory_space<vmem_shared>> -> memref<128x128xf32, #tpu.memory_space<vmem_shared>>
      tpu.enqueue_dma source(%dma_start3A_101 : memref<128x128xf32, #tpu.memory_space<vmem_shared>>) target(%arg9 : memref<128x128xf32, #tpu.memory_space<vmem>>) target_semaphore(%run_scoped3A : memref<!tpu.dma_semaphore, #tpu.memory_space<semaphore_mem>>)
      %dma_wait3A = arith.constant 0 : i32
      %dma_wait3A_102 = tpu.memref_slice %arg12[%add3A_95, %dma_wait3A] : memref<10240x128xf32, #tpu.memory_space<vmem_shared>> -> memref<128x128xf32, #tpu.memory_space<vmem_shared>>
      %dma_wait3A_103 = arith.constant 0 : i32
      %dma_wait3A_104 = tpu.memref_slice %arg12[%add3A_95, %dma_wait3A_103] : memref<10240x128xf32, #tpu.memory_space<vmem_shared>> -> memref<128x128xf32, #tpu.memory_space<vmem_shared>>
      tpu.wait_dma2 semaphore(%run_scoped3A : memref<!tpu.dma_semaphore, #tpu.memory_space<semaphore_mem>>) src(%dma_wait3A_104 : memref<128x128xf32, #tpu.memory_space<vmem_shared>>) dst(%arg9 : memref<128x128xf32, #tpu.memory_space<vmem>>)
      tpu.yield
    }) : () -> ()
    "tpu.region"() ({
      %run_scoped3A = tpu.sem_alloc : memref<!tpu.dma_semaphore, #tpu.memory_space<semaphore_mem>>
      %dma_start3A = arith.constant 0 : i32
      %dma_start3A_99 = arith.constant 0 : i32
      %dma_start3A_100 = tpu.memref_slice %arg5[%arg0, %dma_start3A, %dma_start3A_99] : memref<2x10240x128xf32, #tpu.memory_space<hbm>> -> memref<1x10240x128xf32, #tpu.memory_space<hbm>>
      %dma_start3A_101 = tpu.memref_squeeze %dma_start3A_100 : memref<1x10240x128xf32, #tpu.memory_space<hbm>> -> memref<10240x128xf32, #tpu.memory_space<hbm>>
      %dma_start3A_102 = arith.constant 0 : i32
      %dma_start3A_103 = tpu.memref_slice %dma_start3A_101[%add3A_95, %dma_start3A_102] : memref<10240x128xf32, #tpu.memory_space<hbm>> -> memref<128x128xf32, #tpu.memory_space<hbm>>
      %dma_start3A_104 = arith.constant 0 : i32
      %dma_start3A_105 = arith.constant 0 : i32
      %dma_start3A_106 = tpu.memref_slice %arg5[%arg0, %dma_start3A_104, %dma_start3A_105] : memref<2x10240x128xf32, #tpu.memory_space<hbm>> -> memref<1x10240x128xf32, #tpu.memory_space<hbm>>
      %dma_start3A_107 = tpu.memref_squeeze %dma_start3A_106 : memref<1x10240x128xf32, #tpu.memory_space<hbm>> -> memref<10240x128xf32, #tpu.memory_space<hbm>>
      %dma_start3A_108 = arith.constant 0 : i32
      %dma_start3A_109 = tpu.memref_slice %dma_start3A_107[%add3A_95, %dma_start3A_108] : memref<10240x128xf32, #tpu.memory_space<hbm>> -> memref<128x128xf32, #tpu.memory_space<hbm>>
      tpu.enqueue_dma source(%arg9 : memref<128x128xf32, #tpu.memory_space<vmem>>) target(%dma_start3A_109 : memref<128x128xf32, #tpu.memory_space<hbm>>) target_semaphore(%run_scoped3A : memref<!tpu.dma_semaphore, #tpu.memory_space<semaphore_mem>>)
      %dma_wait3A = arith.constant 0 : i32
      %dma_wait3A_110 = arith.constant 0 : i32
      %dma_wait3A_111 = tpu.memref_slice %arg5[%arg0, %dma_wait3A, %dma_wait3A_110] : memref<2x10240x128xf32, #tpu.memory_space<hbm>> -> memref<1x10240x128xf32, #tpu.memory_space<hbm>>
      %dma_wait3A_112 = tpu.memref_squeeze %dma_wait3A_111 : memref<1x10240x128xf32, #tpu.memory_space<hbm>> -> memref<10240x128xf32, #tpu.memory_space<hbm>>
      %dma_wait3A_113 = arith.constant 0 : i32
      %dma_wait3A_114 = tpu.memref_slice %dma_wait3A_112[%add3A_95, %dma_wait3A_113] : memref<10240x128xf32, #tpu.memory_space<hbm>> -> memref<128x128xf32, #tpu.memory_space<hbm>>
      %dma_wait3A_115 = arith.constant 0 : i32
      %dma_wait3A_116 = arith.constant 0 : i32
      %dma_wait3A_117 = tpu.memref_slice %arg5[%arg0, %dma_wait3A_115, %dma_wait3A_116] : memref<2x10240x128xf32, #tpu.memory_space<hbm>> -> memref<1x10240x128xf32, #tpu.memory_space<hbm>>
      %dma_wait3A_118 = tpu.memref_squeeze %dma_wait3A_117 : memref<1x10240x128xf32, #tpu.memory_space<hbm>> -> memref<10240x128xf32, #tpu.memory_space<hbm>>
      %dma_wait3A_119 = arith.constant 0 : i32
      %dma_wait3A_120 = tpu.memref_slice %dma_wait3A_118[%add3A_95, %dma_wait3A_119] : memref<10240x128xf32, #tpu.memory_space<hbm>> -> memref<128x128xf32, #tpu.memory_space<hbm>>
      tpu.wait_dma2 semaphore(%run_scoped3A : memref<!tpu.dma_semaphore, #tpu.memory_space<semaphore_mem>>) src(%arg9 : memref<128x128xf32, #tpu.memory_space<vmem>>) dst(%dma_wait3A_120 : memref<128x128xf32, #tpu.memory_space<hbm>>)
      tpu.yield
    }) : () -> ()
    "tpu.region"() ({
      %run_scoped3A = tpu.sem_alloc : memref<!tpu.dma_semaphore, #tpu.memory_space<semaphore_mem>>
      %dma_start3A = tpu.memref_slice %arg13[%mul3A_0] : memref<10240xf32, #tpu.memory_space<vmem_shared>> -> memref<640xf32, #tpu.memory_space<vmem_shared>>
      %dma_start3A_99 = tpu.memref_slice %arg13[%mul3A_0] : memref<10240xf32, #tpu.memory_space<vmem_shared>> -> memref<640xf32, #tpu.memory_space<vmem_shared>>
      tpu.enqueue_dma source(%dma_start3A_99 : memref<640xf32, #tpu.memory_space<vmem_shared>>) target(%arg11 : memref<640xf32, #tpu.memory_space<vmem>>) target_semaphore(%run_scoped3A : memref<!tpu.dma_semaphore, #tpu.memory_space<semaphore_mem>>)
      %dma_wait3A = tpu.memref_slice %arg13[%mul3A_0] : memref<10240xf32, #tpu.memory_space<vmem_shared>> -> memref<640xf32, #tpu.memory_space<vmem_shared>>
      %dma_wait3A_100 = tpu.memref_slice %arg13[%mul3A_0] : memref<10240xf32, #tpu.memory_space<vmem_shared>> -> memref<640xf32, #tpu.memory_space<vmem_shared>>
      tpu.wait_dma2 semaphore(%run_scoped3A : memref<!tpu.dma_semaphore, #tpu.memory_space<semaphore_mem>>) src(%dma_wait3A_100 : memref<640xf32, #tpu.memory_space<vmem_shared>>) dst(%arg11 : memref<640xf32, #tpu.memory_space<vmem>>)
      tpu.yield
    }) : () -> ()
    %mul3A_96 = arith.constant 10240 : i32
    %mul3A_97 = arith.muli %arg0, %mul3A_96 : i32
    %add3A_98 = arith.addi %mul3A_97, %mul3A_0 : i32
    "tpu.region"() ({
      %run_scoped3A = tpu.sem_alloc : memref<!tpu.dma_semaphore, #tpu.memory_space<semaphore_mem>>
      %dma_start3A = tpu.memref_slice %arg6[%add3A_98] : memref<20480xf32, #tpu.memory_space<hbm>> -> memref<640xf32, #tpu.memory_space<hbm>>
      %dma_start3A_99 = tpu.memref_slice %arg6[%add3A_98] : memref<20480xf32, #tpu.memory_space<hbm>> -> memref<640xf32, #tpu.memory_space<hbm>>
      tpu.enqueue_dma source(%arg11 : memref<640xf32, #tpu.memory_space<vmem>>) target(%dma_start3A_99 : memref<640xf32, #tpu.memory_space<hbm>>) target_semaphore(%run_scoped3A : memref<!tpu.dma_semaphore, #tpu.memory_space<semaphore_mem>>)
      %dma_wait3A = tpu.memref_slice %arg6[%add3A_98] : memref<20480xf32, #tpu.memory_space<hbm>> -> memref<640xf32, #tpu.memory_space<hbm>>
      %dma_wait3A_100 = tpu.memref_slice %arg6[%add3A_98] : memref<20480xf32, #tpu.memory_space<hbm>> -> memref<640xf32, #tpu.memory_space<hbm>>
      tpu.wait_dma2 semaphore(%run_scoped3A : memref<!tpu.dma_semaphore, #tpu.memory_space<semaphore_mem>>) src(%arg11 : memref<640xf32, #tpu.memory_space<vmem>>) dst(%dma_wait3A_100 : memref<640xf32, #tpu.memory_space<hbm>>)
      tpu.yield
    }) : () -> ()
    return
  }
}

module attributes {stable_mosaic.version = 14 : i64} {
  func.func @_layer_tc_body(%arg0: i32, %arg1: memref<256x128xf32, #tpu.memory_space<vmem>>, %arg2: memref<1x256x128xf32, #tpu.memory_space<vmem>>, %arg3: memref<1x256x128xf32, #tpu.memory_space<vmem>>, %arg4: memref<256xf32, #tpu.memory_space<vmem>>, %arg5: memref<256xf32, #tpu.memory_space<vmem>>, %arg6: memref<128x128xf32, #tpu.memory_space<vmem>>, %arg7: memref<128x128xf32, #tpu.memory_space<vmem>>, %arg8: memref<1x128xf32, #tpu.memory_space<vmem>>, %arg9: memref<256x128xf32, #tpu.memory_space<vmem>>) attributes {dimension_semantics = [#tpu.dimension_semantics<arbitrary>], iteration_bounds = array<i64: 40>, scalar_prefetch = 0 : i64, scratch_operands = 0 : i64, tpu.core_type = #tpu.core_type<tc>, window_params = [{transform_indices = @transform_0, window_bounds = array<i64: 256, 128>}, {transform_indices = @transform_1, window_bounds = array<i64: 1, 256, 128>}, {transform_indices = @transform_2, window_bounds = array<i64: 1, 256, 128>}, {transform_indices = @transform_3, window_bounds = array<i64: 256>}, {transform_indices = @transform_4, window_bounds = array<i64: 256>}, {pipeline_mode = #tpu.pipeline_mode<synchronous>, transform_indices = @transform_5, window_bounds = array<i64: 128, 128>}, {pipeline_mode = #tpu.pipeline_mode<synchronous>, transform_indices = @transform_6, window_bounds = array<i64: 128, 128>}, {pipeline_mode = #tpu.pipeline_mode<synchronous>, transform_indices = @transform_7, window_bounds = array<i64: 1, 128>}, {transform_indices = @transform_8, window_bounds = array<i64: 256, 128>}]} {
    %get3A = arith.constant 0 : index
    %get3A_0 = vector.load %arg4[%get3A] : memref<256xf32, #tpu.memory_space<vmem>>, vector<256xf32>
    %get3A_1 = arith.constant 0 : index
    %get3A_2 = vector.load %arg5[%get3A_1] : memref<256xf32, #tpu.memory_space<vmem>>, vector<256xf32>
    %add3A = arith.addf %get3A_0, %get3A_2 : vector<256xf32>
    %max3A = arith.constant 1.000000e+00 : f32
    %max3A_3 = vector.broadcast %max3A : f32 to vector<256xf32>
    %max3A_4 = arith.maximumf %add3A, %max3A_3 : vector<256xf32>
    %div3A = arith.constant 1.000000e+00 : f32
    %div3A_5 = vector.broadcast %div3A : f32 to vector<256xf32>
    %div3A_6 = arith.divf %div3A_5, %max3A_4 : vector<256xf32>
    %reshape3A = vector.shape_cast %div3A_6 : vector<256xf32> to vector<1x256xf32>
    %broadcast_in_dim3A = arith.constant 1.000000e+00 : f32
    %broadcast_in_dim3A_7 = vector.broadcast %broadcast_in_dim3A : f32 to vector<1x128xf32>
    %dot_general3A = arith.constant dense<0.000000e+00> : vector<256x128xf32>
    %dot_general3A_8 = tpu.matmul %reshape3A, %broadcast_in_dim3A_7, %dot_general3A {dimension_numbers = #tpu.dot_dimension_numbers<[0], [0], [1], [1], [0, 1, 1, 1], [], []>, transpose_lhs_hint = false} : vector<1x256xf32>, vector<1x128xf32>, vector<256x128xf32> -> vector<256x128xf32>
    %get3A_9 = arith.constant 0 : index
    %get3A_10 = arith.constant 0 : index
    %get3A_11 = arith.constant 0 : index
    %get3A_12 = vector.load %arg2[%get3A_9, %get3A_10, %get3A_11] : memref<1x256x128xf32, #tpu.memory_space<vmem>>, vector<1x256x128xf32>
    %get3A_13 = vector.shape_cast %get3A_12 : vector<1x256x128xf32> to vector<256x128xf32>
    %get3A_14 = arith.constant 0 : index
    %get3A_15 = arith.constant 0 : index
    %get3A_16 = arith.constant 0 : index
    %get3A_17 = vector.load %arg3[%get3A_14, %get3A_15, %get3A_16] : memref<1x256x128xf32, #tpu.memory_space<vmem>>, vector<1x256x128xf32>
    %get3A_18 = vector.shape_cast %get3A_17 : vector<1x256x128xf32> to vector<256x128xf32>
    %add3A_19 = arith.addf %get3A_13, %get3A_18 : vector<256x128xf32>
    %mul3A = arith.mulf %add3A_19, %dot_general3A_8 : vector<256x128xf32>
    %get3A_20 = arith.constant 0 : index
    %get3A_21 = arith.constant 0 : index
    %get3A_22 = vector.load %arg1[%get3A_20, %get3A_21] : memref<256x128xf32, #tpu.memory_space<vmem>>, vector<256x128xf32>
    %get3A_23 = arith.constant 0 : index
    %get3A_24 = arith.constant 0 : index
    %get3A_25 = vector.load %arg6[%get3A_23, %get3A_24] : memref<128x128xf32, #tpu.memory_space<vmem>>, vector<128x128xf32>
    %dot_general3A_26 = arith.constant dense<0.000000e+00> : vector<256x128xf32>
    %dot_general3A_27 = tpu.matmul %get3A_22, %get3A_25, %dot_general3A_26 {dimension_numbers = #tpu.dot_dimension_numbers<[1], [0], [0], [1], [0, 0, 1, 1], [], []>, transpose_lhs_hint = false} : vector<256x128xf32>, vector<128x128xf32>, vector<256x128xf32> -> vector<256x128xf32>
    %get3A_28 = arith.constant 0 : index
    %get3A_29 = arith.constant 0 : index
    %get3A_30 = vector.load %arg7[%get3A_28, %get3A_29] : memref<128x128xf32, #tpu.memory_space<vmem>>, vector<128x128xf32>
    %dot_general3A_31 = arith.constant dense<0.000000e+00> : vector<256x128xf32>
    %dot_general3A_32 = tpu.matmul %mul3A, %get3A_30, %dot_general3A_31 {dimension_numbers = #tpu.dot_dimension_numbers<[1], [0], [0], [1], [0, 0, 1, 1], [], []>, transpose_lhs_hint = false} : vector<256x128xf32>, vector<128x128xf32>, vector<256x128xf32> -> vector<256x128xf32>
    %add3A_33 = arith.addf %dot_general3A_27, %dot_general3A_32 : vector<256x128xf32>
    %get3A_34 = arith.constant 0 : index
    %get3A_35 = arith.constant 0 : index
    %get3A_36 = vector.load %arg8[%get3A_34, %get3A_35] : memref<1x128xf32, #tpu.memory_space<vmem>>, vector<1x128xf32>
    %add3A_37 = vector.broadcast %get3A_36 : vector<1x128xf32> to vector<256x128xf32>
    %add3A_38 = arith.addf %add3A_33, %add3A_37 : vector<256x128xf32>
    %max3A_39 = arith.constant 0.000000e+00 : f32
    %max3A_40 = vector.broadcast %max3A_39 : f32 to vector<256x128xf32>
    %max3A_41 = arith.maximumf %add3A_38, %max3A_40 : vector<256x128xf32>
    %swap3A = arith.constant 0 : index
    %swap3A_42 = arith.constant 0 : index
    %swap3A_43 = vector.load %arg9[%swap3A, %swap3A_42] : memref<256x128xf32, #tpu.memory_space<vmem>>, vector<256x128xf32>
    tpu.vector_store %arg9[%swap3A, %swap3A_42], %max3A_41 {strides = array<i32>} : memref<256x128xf32, #tpu.memory_space<vmem>>, vector<256x128xf32>,
    return
  }
  func.func @transform_0(%arg0: i32) -> (i32, i32) {
    %c0_i32 = arith.constant 0 : i32
    %c0_i32_0 = arith.constant 0 : i32
    return %arg0, %c0_i32 : i32, i32
  }
  func.func @transform_1(%arg0: i32) -> (i32, i32, i32) {
    %c0_i32 = arith.constant 0 : i32
    %c0_i32_0 = arith.constant 0 : i32
    %c0_i32_1 = arith.constant 0 : i32
    return %c0_i32, %arg0, %c0_i32_0 : i32, i32, i32
  }
  func.func @transform_2(%arg0: i32) -> (i32, i32, i32) {
    %c1_i32 = arith.constant 1 : i32
    %c0_i32 = arith.constant 0 : i32
    %c0_i32_0 = arith.constant 0 : i32
    return %c1_i32, %arg0, %c0_i32 : i32, i32, i32
  }
  func.func @transform_3(%arg0: i32) -> i32 {
    %c0_i32 = arith.constant 0 : i32
    return %arg0 : i32
  }
  func.func @transform_4(%arg0: i32) -> i32 {
    %add3A = arith.constant 40 : i32
    %add3A_0 = arith.addi %arg0, %add3A : i32
    %c0_i32 = arith.constant 0 : i32
    return %add3A_0 : i32
  }
  func.func @transform_5(%arg0: i32) -> (i32, i32) {
    %c0_i32 = arith.constant 0 : i32
    %c0_i32_0 = arith.constant 0 : i32
    %c0_i32_1 = arith.constant 0 : i32
    return %c0_i32, %c0_i32_0 : i32, i32
  }
  func.func @transform_6(%arg0: i32) -> (i32, i32) {
    %c0_i32 = arith.constant 0 : i32
    %c0_i32_0 = arith.constant 0 : i32
    %c0_i32_1 = arith.constant 0 : i32
    return %c0_i32, %c0_i32_0 : i32, i32
  }
  func.func @transform_7(%arg0: i32) -> (i32, i32) {
    %c0_i32 = arith.constant 0 : i32
    %c0_i32_0 = arith.constant 0 : i32
    %c0_i32_1 = arith.constant 0 : i32
    return %c0_i32, %c0_i32_0 : i32, i32
  }
  func.func @transform_8(%arg0: i32) -> (i32, i32) {
    %c0_i32 = arith.constant 0 : i32
    %c0_i32_0 = arith.constant 0 : i32
    return %arg0, %c0_i32 : i32, i32
  }
}

module attributes {stable_mosaic.version = 14 : i64} {
  func.func @_layer_tc_body(%arg0: i32, %arg1: memref<256x128xf32, #tpu.memory_space<vmem>>, %arg2: memref<1x256x128xf32, #tpu.memory_space<vmem>>, %arg3: memref<1x256x128xf32, #tpu.memory_space<vmem>>, %arg4: memref<256xf32, #tpu.memory_space<vmem>>, %arg5: memref<256xf32, #tpu.memory_space<vmem>>, %arg6: memref<128x128xf32, #tpu.memory_space<vmem>>, %arg7: memref<128x128xf32, #tpu.memory_space<vmem>>, %arg8: memref<1x128xf32, #tpu.memory_space<vmem>>, %arg9: memref<256x128xf32, #tpu.memory_space<vmem>>) attributes {dimension_semantics = [#tpu.dimension_semantics<arbitrary>], iteration_bounds = array<i64: 40>, scalar_prefetch = 0 : i64, scratch_operands = 0 : i64, tpu.core_type = #tpu.core_type<tc>, window_params = [{transform_indices = @transform_0, window_bounds = array<i64: 256, 128>}, {transform_indices = @transform_1, window_bounds = array<i64: 1, 256, 128>}, {transform_indices = @transform_2, window_bounds = array<i64: 1, 256, 128>}, {transform_indices = @transform_3, window_bounds = array<i64: 256>}, {transform_indices = @transform_4, window_bounds = array<i64: 256>}, {pipeline_mode = #tpu.pipeline_mode<synchronous>, transform_indices = @transform_5, window_bounds = array<i64: 128, 128>}, {pipeline_mode = #tpu.pipeline_mode<synchronous>, transform_indices = @transform_6, window_bounds = array<i64: 128, 128>}, {pipeline_mode = #tpu.pipeline_mode<synchronous>, transform_indices = @transform_7, window_bounds = array<i64: 1, 128>}, {transform_indices = @transform_8, window_bounds = array<i64: 256, 128>}]} {
    %get3A = arith.constant 0 : index
    %get3A_0 = vector.load %arg4[%get3A] : memref<256xf32, #tpu.memory_space<vmem>>, vector<256xf32>
    %get3A_1 = arith.constant 0 : index
    %get3A_2 = vector.load %arg5[%get3A_1] : memref<256xf32, #tpu.memory_space<vmem>>, vector<256xf32>
    %add3A = arith.addf %get3A_0, %get3A_2 : vector<256xf32>
    %max3A = arith.constant 1.000000e+00 : f32
    %max3A_3 = vector.broadcast %max3A : f32 to vector<256xf32>
    %max3A_4 = arith.maximumf %add3A, %max3A_3 : vector<256xf32>
    %div3A = arith.constant 1.000000e+00 : f32
    %div3A_5 = vector.broadcast %div3A : f32 to vector<256xf32>
    %div3A_6 = arith.divf %div3A_5, %max3A_4 : vector<256xf32>
    %reshape3A = vector.shape_cast %div3A_6 : vector<256xf32> to vector<1x256xf32>
    %broadcast_in_dim3A = arith.constant 1.000000e+00 : f32
    %broadcast_in_dim3A_7 = vector.broadcast %broadcast_in_dim3A : f32 to vector<1x128xf32>
    %dot_general3A = arith.constant dense<0.000000e+00> : vector<256x128xf32>
    %dot_general3A_8 = tpu.matmul %reshape3A, %broadcast_in_dim3A_7, %dot_general3A {dimension_numbers = #tpu.dot_dimension_numbers<[0], [0], [1], [1], [0, 1, 1, 1], [], []>, transpose_lhs_hint = false} : vector<1x256xf32>, vector<1x128xf32>, vector<256x128xf32> -> vector<256x128xf32>
    %get3A_9 = arith.constant 0 : index
    %get3A_10 = arith.constant 0 : index
    %get3A_11 = arith.constant 0 : index
    %get3A_12 = vector.load %arg2[%get3A_9, %get3A_10, %get3A_11] : memref<1x256x128xf32, #tpu.memory_space<vmem>>, vector<1x256x128xf32>
    %get3A_13 = vector.shape_cast %get3A_12 : vector<1x256x128xf32> to vector<256x128xf32>
    %get3A_14 = arith.constant 0 : index
    %get3A_15 = arith.constant 0 : index
    %get3A_16 = arith.constant 0 : index
    %get3A_17 = vector.load %arg3[%get3A_14, %get3A_15, %get3A_16] : memref<1x256x128xf32, #tpu.memory_space<vmem>>, vector<1x256x128xf32>
    %get3A_18 = vector.shape_cast %get3A_17 : vector<1x256x128xf32> to vector<256x128xf32>
    %add3A_19 = arith.addf %get3A_13, %get3A_18 : vector<256x128xf32>
    %mul3A = arith.mulf %add3A_19, %dot_general3A_8 : vector<256x128xf32>
    %get3A_20 = arith.constant 0 : index
    %get3A_21 = arith.constant 0 : index
    %get3A_22 = vector.load %arg1[%get3A_20, %get3A_21] : memref<256x128xf32, #tpu.memory_space<vmem>>, vector<256x128xf32>
    %get3A_23 = arith.constant 0 : index
    %get3A_24 = arith.constant 0 : index
    %get3A_25 = vector.load %arg6[%get3A_23, %get3A_24] : memref<128x128xf32, #tpu.memory_space<vmem>>, vector<128x128xf32>
    %dot_general3A_26 = arith.constant dense<0.000000e+00> : vector<256x128xf32>
    %dot_general3A_27 = tpu.matmul %get3A_22, %get3A_25, %dot_general3A_26 {dimension_numbers = #tpu.dot_dimension_numbers<[1], [0], [0], [1], [0, 0, 1, 1], [], []>, transpose_lhs_hint = false} : vector<256x128xf32>, vector<128x128xf32>, vector<256x128xf32> -> vector<256x128xf32>
    %get3A_28 = arith.constant 0 : index
    %get3A_29 = arith.constant 0 : index
    %get3A_30 = vector.load %arg7[%get3A_28, %get3A_29] : memref<128x128xf32, #tpu.memory_space<vmem>>, vector<128x128xf32>
    %dot_general3A_31 = arith.constant dense<0.000000e+00> : vector<256x128xf32>
    %dot_general3A_32 = tpu.matmul %mul3A, %get3A_30, %dot_general3A_31 {dimension_numbers = #tpu.dot_dimension_numbers<[1], [0], [0], [1], [0, 0, 1, 1], [], []>, transpose_lhs_hint = false} : vector<256x128xf32>, vector<128x128xf32>, vector<256x128xf32> -> vector<256x128xf32>
    %add3A_33 = arith.addf %dot_general3A_27, %dot_general3A_32 : vector<256x128xf32>
    %get3A_34 = arith.constant 0 : index
    %get3A_35 = arith.constant 0 : index
    %get3A_36 = vector.load %arg8[%get3A_34, %get3A_35] : memref<1x128xf32, #tpu.memory_space<vmem>>, vector<1x128xf32>
    %add3A_37 = vector.broadcast %get3A_36 : vector<1x128xf32> to vector<256x128xf32>
    %add3A_38 = arith.addf %add3A_33, %add3A_37 : vector<256x128xf32>
    %swap3A = arith.constant 0 : index
    %swap3A_39 = arith.constant 0 : index
    %swap3A_40 = vector.load %arg9[%swap3A, %swap3A_39] : memref<256x128xf32, #tpu.memory_space<vmem>>, vector<256x128xf32>
    tpu.vector_store %arg9[%swap3A, %swap3A_39], %add3A_38 {strides = array<i32>} : memref<256x128xf32, #tpu.memory_space<vmem>>, vector<256x128xf32>,
    return
  }
  func.func @transform_0(%arg0: i32) -> (i32, i32) {
    %c0_i32 = arith.constant 0 : i32
    %c0_i32_0 = arith.constant 0 : i32
    return %arg0, %c0_i32 : i32, i32
  }
  func.func @transform_1(%arg0: i32) -> (i32, i32, i32) {
    %c0_i32 = arith.constant 0 : i32
    %c0_i32_0 = arith.constant 0 : i32
    %c0_i32_1 = arith.constant 0 : i32
    return %c0_i32, %arg0, %c0_i32_0 : i32, i32, i32
  }
  func.func @transform_2(%arg0: i32) -> (i32, i32, i32) {
    %c1_i32 = arith.constant 1 : i32
    %c0_i32 = arith.constant 0 : i32
    %c0_i32_0 = arith.constant 0 : i32
    return %c1_i32, %arg0, %c0_i32 : i32, i32, i32
  }
  func.func @transform_3(%arg0: i32) -> i32 {
    %c0_i32 = arith.constant 0 : i32
    return %arg0 : i32
  }
  func.func @transform_4(%arg0: i32) -> i32 {
    %add3A = arith.constant 40 : i32
    %add3A_0 = arith.addi %arg0, %add3A : i32
    %c0_i32 = arith.constant 0 : i32
    return %add3A_0 : i32
  }
  func.func @transform_5(%arg0: i32) -> (i32, i32) {
    %c0_i32 = arith.constant 0 : i32
    %c0_i32_0 = arith.constant 0 : i32
    %c0_i32_1 = arith.constant 0 : i32
    return %c0_i32, %c0_i32_0 : i32, i32
  }
  func.func @transform_6(%arg0: i32) -> (i32, i32) {
    %c0_i32 = arith.constant 0 : i32
    %c0_i32_0 = arith.constant 0 : i32
    %c0_i32_1 = arith.constant 0 : i32
    return %c0_i32, %c0_i32_0 : i32, i32
  }
  func.func @transform_7(%arg0: i32) -> (i32, i32) {
    %c0_i32 = arith.constant 0 : i32
    %c0_i32_0 = arith.constant 0 : i32
    %c0_i32_1 = arith.constant 0 : i32
    return %c0_i32, %c0_i32_0 : i32, i32
  }
  func.func @transform_8(%arg0: i32) -> (i32, i32) {
    %c0_i32 = arith.constant 0 : i32
    %c0_i32_0 = arith.constant 0 : i32
    return %arg0, %c0_i32 : i32, i32
  }
}

module attributes {stable_mosaic.version = 14 : i64} {
  func.func @_decoder_tc_body(%arg0: i32, %arg1: memref<512x128xf32, #tpu.memory_space<vmem>>, %arg2: memref<512x128xf32, #tpu.memory_space<vmem>>, %arg3: memref<512x128xf32, #tpu.memory_space<vmem>>, %arg4: memref<512x128xf32, #tpu.memory_space<vmem>>, %arg5: memref<128x128xf32, #tpu.memory_space<vmem>>, %arg6: memref<1x128xf32, #tpu.memory_space<vmem>>, %arg7: memref<128x128xf32, #tpu.memory_space<vmem>>, %arg8: memref<1x128xf32, #tpu.memory_space<vmem>>, %arg9: memref<128x1xf32, #tpu.memory_space<vmem>>, %arg10: memref<1x1xf32, #tpu.memory_space<vmem>>, %arg11: memref<512x1xf32, #tpu.memory_space<vmem>>, %arg12: memref<512x1xf32, #tpu.memory_space<vmem>>) attributes {dimension_semantics = [#tpu.dimension_semantics<arbitrary>], iteration_bounds = array<i64: 40>, scalar_prefetch = 0 : i64, scratch_operands = 0 : i64, tpu.core_type = #tpu.core_type<tc>, window_params = [{transform_indices = @transform_0, window_bounds = array<i64: 512, 128>}, {transform_indices = @transform_1, window_bounds = array<i64: 512, 128>}, {transform_indices = @transform_2, window_bounds = array<i64: 512, 128>}, {transform_indices = @transform_3, window_bounds = array<i64: 512, 128>}, {pipeline_mode = #tpu.pipeline_mode<synchronous>, transform_indices = @transform_4, window_bounds = array<i64: 128, 128>}, {pipeline_mode = #tpu.pipeline_mode<synchronous>, transform_indices = @transform_5, window_bounds = array<i64: 1, 128>}, {pipeline_mode = #tpu.pipeline_mode<synchronous>, transform_indices = @transform_6, window_bounds = array<i64: 128, 128>}, {pipeline_mode = #tpu.pipeline_mode<synchronous>, transform_indices = @transform_7, window_bounds = array<i64: 1, 128>}, {pipeline_mode = #tpu.pipeline_mode<synchronous>, transform_indices = @transform_8, window_bounds = array<i64: 128, 1>}, {pipeline_mode = #tpu.pipeline_mode<synchronous>, transform_indices = @transform_9, window_bounds = array<i64: 1, 1>}, {transform_indices = @transform_10, window_bounds = array<i64: 512, 1>}, {transform_indices = @transform_11, window_bounds = array<i64: 512, 1>}]} {
    %get3A = arith.constant 0 : index
    %get3A_0 = arith.constant 0 : index
    %get3A_1 = vector.load %arg1[%get3A, %get3A_0] : memref<512x128xf32, #tpu.memory_space<vmem>>, vector<512x128xf32>
    %get3A_2 = arith.constant 0 : index
    %get3A_3 = arith.constant 0 : index
    %get3A_4 = vector.load %arg3[%get3A_2, %get3A_3] : memref<512x128xf32, #tpu.memory_space<vmem>>, vector<512x128xf32>
    %mul3A = arith.mulf %get3A_1, %get3A_4 : vector<512x128xf32>
    %get3A_5 = arith.constant 0 : index
    %get3A_6 = arith.constant 0 : index
    %get3A_7 = vector.load %arg2[%get3A_5, %get3A_6] : memref<512x128xf32, #tpu.memory_space<vmem>>, vector<512x128xf32>
    %get3A_8 = arith.constant 0 : index
    %get3A_9 = arith.constant 0 : index
    %get3A_10 = vector.load %arg4[%get3A_8, %get3A_9] : memref<512x128xf32, #tpu.memory_space<vmem>>, vector<512x128xf32>
    %mul3A_11 = arith.mulf %get3A_7, %get3A_10 : vector<512x128xf32>
    %concatenate3A = tpu.concatenate %mul3A, %mul3A_11 in 0 : vector<512x128xf32>, vector<512x128xf32> -> vector<1024x128xf32>
    %get3A_12 = arith.constant 0 : index
    %get3A_13 = arith.constant 0 : index
    %get3A_14 = vector.load %arg5[%get3A_12, %get3A_13] : memref<128x128xf32, #tpu.memory_space<vmem>>, vector<128x128xf32>
    %dot_general3A = arith.constant dense<0.000000e+00> : vector<1024x128xf32>
    %dot_general3A_15 = tpu.matmul %concatenate3A, %get3A_14, %dot_general3A {dimension_numbers = #tpu.dot_dimension_numbers<[1], [0], [0], [1], [0, 0, 1, 1], [], []>, transpose_lhs_hint = false} : vector<1024x128xf32>, vector<128x128xf32>, vector<1024x128xf32> -> vector<1024x128xf32>
    %get3A_16 = arith.constant 0 : index
    %get3A_17 = arith.constant 0 : index
    %get3A_18 = vector.load %arg6[%get3A_16, %get3A_17] : memref<1x128xf32, #tpu.memory_space<vmem>>, vector<1x128xf32>
    %add3A = vector.broadcast %get3A_18 : vector<1x128xf32> to vector<1024x128xf32>
    %add3A_19 = arith.addf %dot_general3A_15, %add3A : vector<1024x128xf32>
    %max3A = arith.constant 0.000000e+00 : f32
    %max3A_20 = vector.broadcast %max3A : f32 to vector<1024x128xf32>
    %max3A_21 = arith.maximumf %add3A_19, %max3A_20 : vector<1024x128xf32>
    %get3A_22 = arith.constant 0 : index
    %get3A_23 = arith.constant 0 : index
    %get3A_24 = vector.load %arg7[%get3A_22, %get3A_23] : memref<128x128xf32, #tpu.memory_space<vmem>>, vector<128x128xf32>
    %dot_general3A_25 = arith.constant dense<0.000000e+00> : vector<1024x128xf32>
    %dot_general3A_26 = tpu.matmul %max3A_21, %get3A_24, %dot_general3A_25 {dimension_numbers = #tpu.dot_dimension_numbers<[1], [0], [0], [1], [0, 0, 1, 1], [], []>, transpose_lhs_hint = false} : vector<1024x128xf32>, vector<128x128xf32>, vector<1024x128xf32> -> vector<1024x128xf32>
    %get3A_27 = arith.constant 0 : index
    %get3A_28 = arith.constant 0 : index
    %get3A_29 = vector.load %arg8[%get3A_27, %get3A_28] : memref<1x128xf32, #tpu.memory_space<vmem>>, vector<1x128xf32>
    %add3A_30 = vector.broadcast %get3A_29 : vector<1x128xf32> to vector<1024x128xf32>
    %add3A_31 = arith.addf %dot_general3A_26, %add3A_30 : vector<1024x128xf32>
    %max3A_32 = arith.constant 0.000000e+00 : f32
    %max3A_33 = vector.broadcast %max3A_32 : f32 to vector<1024x128xf32>
    %max3A_34 = arith.maximumf %add3A_31, %max3A_33 : vector<1024x128xf32>
    %get3A_35 = arith.constant 0 : index
    %get3A_36 = arith.constant 0 : index
    %get3A_37 = vector.load %arg9[%get3A_35, %get3A_36] : memref<128x1xf32, #tpu.memory_space<vmem>>, vector<128x1xf32>
    %dot_general3A_38 = arith.constant dense<0.000000e+00> : vector<1024x1xf32>
    %dot_general3A_39 = tpu.matmul %max3A_34, %get3A_37, %dot_general3A_38 {dimension_numbers = #tpu.dot_dimension_numbers<[1], [0], [0], [1], [0, 0, 1, 1], [], []>, transpose_lhs_hint = false} : vector<1024x128xf32>, vector<128x1xf32>, vector<1024x1xf32> -> vector<1024x1xf32>
    %get3A_40 = arith.constant 0 : index
    %get3A_41 = arith.constant 0 : index
    %get3A_42 = vector.load %arg10[%get3A_40, %get3A_41] : memref<1x1xf32, #tpu.memory_space<vmem>>, vector<1x1xf32>
    %add3A_43 = vector.broadcast %get3A_42 : vector<1x1xf32> to vector<1024x1xf32>
    %add3A_44 = arith.addf %dot_general3A_39, %add3A_43 : vector<1024x1xf32>
    %slice3A = vector.extract_strided_slice %add3A_44 {offsets = [0, 0], sizes = [512, 1], strides = [1, 1]} : vector<1024x1xf32> to vector<512x1xf32>
    %swap3A = arith.constant 0 : index
    %swap3A_45 = arith.constant 0 : index
    %swap3A_46 = vector.load %arg11[%swap3A, %swap3A_45] : memref<512x1xf32, #tpu.memory_space<vmem>>, vector<512x1xf32>
    tpu.vector_store %arg11[%swap3A, %swap3A_45], %slice3A {strides = array<i32>} : memref<512x1xf32, #tpu.memory_space<vmem>>, vector<512x1xf32>,
    %slice3A_47 = vector.extract_strided_slice %add3A_44 {offsets = [512, 0], sizes = [512, 1], strides = [1, 1]} : vector<1024x1xf32> to vector<512x1xf32>
    %swap3A_48 = arith.constant 0 : index
    %swap3A_49 = arith.constant 0 : index
    %swap3A_50 = vector.load %arg12[%swap3A_48, %swap3A_49] : memref<512x1xf32, #tpu.memory_space<vmem>>, vector<512x1xf32>
    tpu.vector_store %arg12[%swap3A_48, %swap3A_49], %slice3A_47 {strides = array<i32>} : memref<512x1xf32, #tpu.memory_space<vmem>>, vector<512x1xf32>,
    return
  }
  func.func @transform_0(%arg0: i32) -> (i32, i32) {
    %add3A = arith.constant 0 : i32
    %add3A_0 = arith.addi %arg0, %add3A : i32
    %c0_i32 = arith.constant 0 : i32
    %c0_i32_1 = arith.constant 0 : i32
    return %add3A_0, %c0_i32 : i32, i32
  }
  func.func @transform_1(%arg0: i32) -> (i32, i32) {
    %add3A = arith.constant 40 : i32
    %add3A_0 = arith.addi %arg0, %add3A : i32
    %c0_i32 = arith.constant 0 : i32
    %c0_i32_1 = arith.constant 0 : i32
    return %add3A_0, %c0_i32 : i32, i32
  }
  func.func @transform_2(%arg0: i32) -> (i32, i32) {
    %add3A = arith.constant 80 : i32
    %add3A_0 = arith.addi %arg0, %add3A : i32
    %c0_i32 = arith.constant 0 : i32
    %c0_i32_1 = arith.constant 0 : i32
    return %add3A_0, %c0_i32 : i32, i32
  }
  func.func @transform_3(%arg0: i32) -> (i32, i32) {
    %add3A = arith.constant 120 : i32
    %add3A_0 = arith.addi %arg0, %add3A : i32
    %c0_i32 = arith.constant 0 : i32
    %c0_i32_1 = arith.constant 0 : i32
    return %add3A_0, %c0_i32 : i32, i32
  }
  func.func @transform_4(%arg0: i32) -> (i32, i32) {
    %c0_i32 = arith.constant 0 : i32
    %c0_i32_0 = arith.constant 0 : i32
    %c0_i32_1 = arith.constant 0 : i32
    return %c0_i32, %c0_i32_0 : i32, i32
  }
  func.func @transform_5(%arg0: i32) -> (i32, i32) {
    %c0_i32 = arith.constant 0 : i32
    %c0_i32_0 = arith.constant 0 : i32
    %c0_i32_1 = arith.constant 0 : i32
    return %c0_i32, %c0_i32_0 : i32, i32
  }
  func.func @transform_6(%arg0: i32) -> (i32, i32) {
    %c0_i32 = arith.constant 0 : i32
    %c0_i32_0 = arith.constant 0 : i32
    %c0_i32_1 = arith.constant 0 : i32
    return %c0_i32, %c0_i32_0 : i32, i32
  }
  func.func @transform_7(%arg0: i32) -> (i32, i32) {
    %c0_i32 = arith.constant 0 : i32
    %c0_i32_0 = arith.constant 0 : i32
    %c0_i32_1 = arith.constant 0 : i32
    return %c0_i32, %c0_i32_0 : i32, i32
  }
  func.func @transform_8(%arg0: i32) -> (i32, i32) {
    %c0_i32 = arith.constant 0 : i32
    %c0_i32_0 = arith.constant 0 : i32
    %c0_i32_1 = arith.constant 0 : i32
    return %c0_i32, %c0_i32_0 : i32, i32
  }
  func.func @transform_9(%arg0: i32) -> (i32, i32) {
    %c0_i32 = arith.constant 0 : i32
    %c0_i32_0 = arith.constant 0 : i32
    %c0_i32_1 = arith.constant 0 : i32
    return %c0_i32, %c0_i32_0 : i32, i32
  }
  func.func @transform_10(%arg0: i32) -> (i32, i32) {
    %c0_i32 = arith.constant 0 : i32
    %c0_i32_0 = arith.constant 0 : i32
    return %arg0, %c0_i32 : i32, i32
  }
  func.func @transform_11(%arg0: i32) -> (i32, i32) {
    %c0_i32 = arith.constant 0 : i32
    %c0_i32_0 = arith.constant 0 : i32
    return %arg0, %c0_i32 : i32, i32
  }
}

</mosaic_0001>

<sc_bundles>
// kernel: kernel.11.cloned.1.call-start
scs
__scs_entry_jumppad:
0x0: {  	(pc) =	sbr.rel $0x88, $3  }
0x1: {  	(tag) =	ssettag $0x0;
	lr =	simm.s32 $0x1  }
0x2: {  	[smem:$0x3F90] =	sst lr;
	_ =	strace $0xD0000000  }
0x3: {  	_ = 	snop  }
0x4: {  	_ = 	snop  }
0x5: {  	_ = 	snop  }
0x6: {  	_ = 	snop  }
0x7: {  	_ = 	snop  }
__scs_overlays_trampoline_lowered:
0x8: {  	[smem:$0x3F9F] =	sst s0  }
0x9: {  	[smem:$0x3FA0] =	sst s1  }
0xa: {  	[smem:$0x3FA1] =	sst s2  }
0xb: {  	[smem:$0x3FA2] =	sst s3  }
0xc: {  	[smem:$0x3FA3] =	sst s4  }
0xd: {  	[smem:$0x3FA4] =	sst s5  }
0xe: {  	[smem:$0x3FA5] =	sst s6  }
0xf: {  	[smem:$0x3FA6] =	sst s7  }
0x10: {  	[smem:$0x3FA7] =	sst s8  }
0x11: {  	[smem:$0x3FA8] =	sst s9;
	s0 =	simm.s32 @!p0 $0x0  }
0x12: {  	s1 =	sld [smem:$0x3F8E];
	s0 =	simm.s32 @p0 $0x1  }
0x13: {  	[smem:$0x3FA9] =	sst s0;
	s0 =	simm.s32 @!p1 $0x0  }
0x14: {  	s2 =	sld [smem:$0x3F8D];
	s0 =	simm.s32 @p1 $0x1  }
0x15: {  	[smem:$0x3FAA] =	sst s0;
	s0 =	simm.s32 @!p2 $0x0  }
0x16: {  	s3 =	sld [smem:$0x3FDB];
	s0 =	simm.s32 @p2 $0x1  }
0x17: {  	s4 =	simm.s32 $0x1BF5;
	[smem:$0x3FAC] =	sst s0  }
0x18: {  	s0 =	sld [smem:$0x3F8F];
	_ =	swait.ge [sflag:s4], $0x0  }
0x19: {  	s7 =	sld [smem:$0x3F90]  }
0x1a: {  	s8 =	sadd.s32 $0xFFFFE003, lr  }
0x1b: {  	s9 =	sadd.s32 $0xFFFFFEF7, lr;
	s5 =	simm.s32 $0xFFFFFFFF;
	p2 =	slt.u32 s8, $0xFFFFF086  }
0x1c: {  	p1 =	slt.u32 s9, $0xF7A;
	s5 =	simm.s32 @!p2 $0x0  }
0x1d: {  	s5 =	simm.s32 @p1 $0x1;
	p0 =	seq.s32 s7, s2  }
0x1e: {  	s7 =	smul.u32 @!p0 $0xF7A, s2;
	p2 =	seq.s32 @!p0 s5, $0x0  }
0x1f: {  	s9 =	smul.u32 $0xF7A, s1;
	s8 =	simm.s32 @!p0 $0x1BF5;
	p2 =	por !p2, p0  }
0x20: {  	[sflag:s8] =	ssyncset.s32 @!p0 $0xFFFFF086;
	s6 =	sadd.s32 @!p0 s3, s7;
	s7 =	simm.s32 @!p0 $0x108  }
0x21: {  	s3 =	sadd.s32 s3, s9;
	s6 =	sadd.s32 @!p0 $0x88, s6;
	s7 =	simm.s32 @p2 $0x1082  }
0x22: {  	[simem:s7], [sflag:s8] =	dma.local @!p0 [hbm:s6], $0xF7A  }
0x23: {  	s9 =	sor.u32 $0xD0000000, s2;
	s6 =	simm.s32 $0x108;
	_ =	swait.ge @!p0 [sflag:s8], $0x0  }
0x24: {  	s3 =	sadd.s32 $0x88, s3;
	s6 =	simm.s32 @!p1 $0x1082;
	[sflag:s4] =	ssyncset.s32 $0xFFFFF086  }
0x25: {  	[simem:s6], [sflag:s4] =	dma.local [hbm:s3], $0xF7A  }
0x26: {  	[smem:$0x3F90] =	sst s1;
	(tag) =	ssettag s2;
	_ =	strace s9  }
0x27: {  	s1 =	sld [smem:$0x3FA0]  }
0x28: {  	s2 =	sld [smem:$0x3FA1]  }
0x29: {  	s4 =	sld [smem:$0x3FA3]  }
0x2a: {  	p0 =	seq.s32 s5, $0x0;
	s5 =	sld [smem:$0x3FA4]  }
0x2b: {  	s6 =	sld [smem:$0x3FA5]  }
0x2c: {  	s7 =	sld [smem:$0x3FA6]  }
0x2d: {  	s3 =	simm.s32 $0x108;
	s8 =	sld [smem:$0x3FA7]  }
0x2e: {  	s3 =	simm.s32 @!p0 $0x1082;
	s9 =	sld [smem:$0x3FA8]  }
0x2f: {  	lr =	sadd.s32 s0, s3;
	s0 =	sld [smem:$0x3F9F]  }
0x30: {  	s3 =	sld [smem:$0x3FA2]  }
0x31: {  	[smem:$0x3FAB] =	sst s10  }
0x32: {  	s10 =	sld [smem:$0x3FA9];
	_ =	sdelay $0x3  }
0x33: {  	p0 =	seq.s32 s10, $0x1;
	s10 =	sld [smem:$0x3FAB];
	_ =	sdelay $0x3  }
0x34: {  	[smem:$0x3FAB] =	sst s10  }
0x35: {  	s10 =	sld [smem:$0x3FAA];
	_ =	sdelay $0x3  }
0x36: {  	p1 =	seq.s32 s10, $0x1;
	s10 =	sld [smem:$0x3FAB];
	_ =	sdelay $0x3  }
0x37: {  	[smem:$0x3FAB] =	sst s10  }
0x38: {  	s10 =	sld [smem:$0x3FAC]  }
0x39: {  	_ = 	snop;
	(pc) =	sbr.ind lr, $3  }
0x3a: {  	_ = 	snop  }
0x3b: {  	_ = 	snop  }
0x3c: {  	p2 =	seq.s32 s10, $0x1;
	s10 =	sld [smem:$0x3FAB]  }
0x3d: {  	_ =	shalt  }
0x3e: {  	_ =	shalt  }
0x3f: {  	_ =	shalt  }
0x40: {  	_ =	shalt  }
0x41: {  	_ =	shalt  }
0x42: {  	_ =	shalt  }
0x43: {  	_ =	shalt  }
0x44: {  	_ =	shalt  }
0x45: {  	_ =	shalt  }
0x46: {  	_ =	shalt  }
0x47: {  	_ =	shalt  }
0x48: {  	_ =	shalt  }
0x49: {  	_ =	shalt  }
0x4a: {  	_ =	shalt  }
0x4b: {  	_ =	shalt  }
0x4c: {  	_ =	shalt  }
0x4d: {  	_ =	shalt  }
0x4e: {  	_ =	shalt  }
0x4f: {  	_ =	shalt  }
0x50: {  	_ =	shalt  }
0x51: {  	_ =	shalt  }
0x52: {  	_ =	shalt  }
0x53: {  	_ =	shalt  }
0x54: {  	_ =	shalt  }
0x55: {  	_ =	shalt  }
0x56: {  	_ =	shalt  }
0x57: {  	_ =	shalt  }
0x58: {  	_ =	shalt  }
0x59: {  	_ =	shalt  }
0x5a: {  	_ =	shalt  }
0x5b: {  	_ =	shalt  }
0x5c: {  	_ =	shalt  }
0x5d: {  	_ =	shalt  }
0x5e: {  	_ =	shalt  }
0x5f: {  	_ =	shalt  }
0x60: {  	_ =	shalt  }
0x61: {  	_ =	shalt  }
0x62: {  	_ =	shalt  }
0x63: {  	_ =	shalt  }
0x64: {  	_ =	shalt  }
0x65: {  	_ =	shalt  }
0x66: {  	_ =	shalt  }
0x67: {  	_ =	shalt  }
0x68: {  	_ =	shalt  }
0x69: {  	_ =	shalt  }
0x6a: {  	_ =	shalt  }
0x6b: {  	_ =	shalt  }
0x6c: {  	_ =	shalt  }
0x6d: {  	_ =	shalt  }
0x6e: {  	_ =	shalt  }
0x6f: {  	_ =	shalt  }
0x70: {  	_ =	shalt  }
0x71: {  	_ =	shalt  }
0x72: {  	_ =	shalt  }
0x73: {  	_ =	shalt  }
0x74: {  	_ =	shalt  }
0x75: {  	_ =	shalt  }
0x76: {  	_ =	shalt  }
0x77: {  	_ =	shalt  }
0x78: {  	_ =	shalt  }
0x79: {  	_ =	shalt  }
0x7a: {  	_ =	shalt  }
0x7b: {  	_ =	shalt  }
0x7c: {  	_ =	shalt  }
0x7d: {  	_ =	shalt  }
0x7e: {  	_ =	shalt  }
0x7f: {  	_ =	shalt  }
0x80: {  	_ =	shalt  }
0x81: {  	_ =	shalt  }
0x82: {  	_ =	shalt  }
0x83: {  	_ =	shalt  }
0x84: {  	_ =	shalt  }
0x85: {  	_ =	shalt  }
0x86: {  	_ =	shalt  }
0x87: {  	_ =	shalt  }
.Lfunc_end0:
.L_simem_size_0:
called_computation.1_lowered:
.L_overlay_start_0:
0x88: {  	s2 =	sld [smem:$0x3FD9]  }
0x89: {  	s3 =	sld [smem:$0x3FFE];
	_ =	sdelay $0x1  }
0x8a: {  	s1 =	srdreg.scid  }
0x8b: {  	s0 =	sand.u32 $0x1, s1  }
0x8c: {  	s16 =	sshll.u32 s0, $0xA;
	s2 =	sadd.s32 s3, s2  }
0x8d: {  	s2 =	sadd.s32 s2, s16  }
0x8e: {  	[smem:$0x3FB7] =	sst s2  }
0x8f: {  	_ = 	snop  }
0x90: {  	(tm) =	ssettm $0x1  }
0x91: {  	s17 =	sld [smem:$0x3FFB];
	_ =	sdelay $0x3  }
0x92: {  	_ =	strace s17  }
0x93: {  	s2 =	sld [smem:$0x3FFC];
	_ =	sdelay $0x3  }
0x94: {  	_ =	strace s2  }
0x95: {  	s2 =	sld [smem:$0x3FFD];
	_ =	sdelay $0x3  }
0x96: {  	_ =	strace s2  }
0x97: {  	_ =	strace $0x8FFFFFFF  }
0x98: {  	s18 =	sld [smem:$0x3FDB];
	_ =	sdelay $0x1  }
0x99: {  	s19 =	simm.s32 $_scs_section_size  }
0x9a: {  	s4 =	simm.s32 $_size__tile_overlayer_lowered;
	s5 =	simm.s32 $_tile_overlayer_lowered  }
0x9b: {  	s22 =	simm.s32 $0x1BFF;
	s21 =	sshll.u32 s5, $0x1;
	s2 =	sadd.s32 s19, s18  }
0x9c: {  	s6 =	simm.s32 $0x0;
	s20 =	sshll.u32 s4, $0x1;
	s4 =	sadd.s32 s21, s2  }
0x9d: {  	[timem:s6], [sflag:s22] =	dma.local [hbm:s4], s20  }
0x9e: {  	_ =	swait.ge [sflag:s22], s20  }
0x9f: {  	s3 =	ssub.s32 $0x0, s20;
	[sflag:s22] =	ssyncset.done $0x0  }
0xa0: {  	[sflag:s22] =	ssyncadd.s32 s3;
	_ =	sdelay $0x1  }
0xa1: {  	s23 =	simm.s32 $0x1B8B  }
0xa2: {  	_ =	swait.ge [sflag:s23], $0x1  }
0xa3: {  	[sflag:s23] =	ssyncset.done $0x0  }
0xa4: {  	s25 =	simm.s32 $0x1B8E;
	s24 =	sld [smem:$0x3FFE];
	[sflag:s23] =	ssyncadd.s32 $0xFFFFFFFF  }
0xa5: {  	s26 =	simm.s32 $execute0_lowered;
	[smem:$0x3FD2] =	sst s25  }
0xa6: {  	s4 =	sshll.u32 s26, $0x1;
	_ =	strace $0x80000049;
	[dreg:$0x1] =	wrdreg $0xFFFFFFFF  }
0xa7: {  	s28 =	simm.s32 $_size_execute0_lowered;
	s2 =	sadd.s32 s2, s4;
	[dreg:$0x0] =	wrdreg $0x0  }
0xa8: {  	s4 =	sshll.u32 s28, $0x1;
	[dreg:$0x2] =	wrdreg s2  }
0xa9: {  	[dreg:$0x3] =	wrdreg s4  }
0xaa: {  	[dreg:$0x4] =	wrdreg $0xC0  }
0xab: {  	_ =	task [dreg:s6], $0x5FFFF  }
0xac: {  	[dreg:$0x1] =	wrdreg $0xFFFFFFFF  }
0xad: {  	[dreg:$0x0] =	wrdreg $0x60  }
0xae: {  	[dreg:$0x2] =	wrdreg s24  }
0xaf: {  	[dreg:$0x3] =	wrdreg $0xAB000  }
0xb0: {  	[dreg:$0x4] =	wrdreg $0x1EB000  }
0xb1: {  	[dreg:$0x5] =	wrdreg $0x9  }
0xb2: {  	_ =	task.clear_ibuf [dreg:s6], $0x6FFFF;
	_ =	strace $0x90000049  }
0xb3: {  	s29 =	simm.s32 $0x9;
	_ =	strace $0x8000004B  }
0xb4: {  	_ =	swait.ge [sflag:s29], $0x1  }
0xb5: {  	[sflag:s29] =	ssyncadd.s32 $0xFFFFFFFF  }
0xb6: {  	_ =	strace $0x9000004B  }
0xb7: {  	_ =	sfence  }
0xb8: {  	s30 =	sld [smem:$0x0];
	_ =	sdelay $0x2  }
0xb9: {  	s31 =	sshll.u32 s1, $0xD;
	s1 =	sshrl.u32 s1, $0x2  }
0xba: {  	s3 =	sand.u32 $0x4000, s31;
	s1 =	sadd.s32 s1, s30  }
0xbb: {  	s0 =	sor.u32 s3, s0;
	s1 =	sshll.u32 s1, $0x11  }
0xbc: {  	s0 =	sor.u32 s1, s0  }
0xbd: {  	s0 =	sadd.s32 $0x8F2B, s0  }
0xbe: {  	[sflag:s0] =	ssyncadd.remote.s32 $0x1  }
0xbf: {  	_ =	sfence.sel $0xFFFF  }
0xc0: {  	[dreg:$0x0] =	wrdreg $0xFFFFFFFF;
	(pc) =	sbr.abs _section_cstart, $3  }
0xc1: {  	[dreg:$0x1] =	wrdreg $0xFFFFFFFF  }
0xc2: {  	_ =	task.clear_ibuf [dreg:s6], $0x2FFFF;
	_ =	strace $0x9FFFFFFF  }
0xc3: {  	(tm) =	ssettm $0x7FFFFFFF  }
tec
execute0_lowered:
.L_overlay_start_1:
0x0: {  	(tag) =	ssettag $0x1  }
0x1: {  	s0 =	rddreg [dreg:$0x0]  }
0x2: {  	s1 =	rddreg [dreg:$0x1]  }
0x3: {  	s3 =	rddreg [dreg:$0x2];
	s4 =	simm.s32 $0x0;
	s2 =	stileid.u32  }
0x4: {  	s5 =	srdreg.scid;
	s28 =	simm.s32 $0xA800;
	s11 =	smul.u32 $0x280, s2  }
0x5: {  	s29 =	simm.s32 $0x0;
	s14 =	sand.u32 $0x1, s5;
	s24 =	smul.u32 $0x50000, s2  }
0x6: {  	s23 =	sshll.u32 s2, $0x1;
	[smem:$0x7FF] =	sst s4;
	s21 =	smul.u32 $0x2800, s2  }
0x7: {  	s5 =	sor.u32 s14, s23;
	s6 =	smul.u32 $0x2800, s14;
	_ =	strace $0x8000004A  }
0x8: {  	s8 =	smul.u32 $0x28000, s14;
	s25 =	ssub.s32 $0x2, s14;
	p0 =	seq.s32 s14, $0x0  }
0x9: {  	s14 =	simm.s32 $0x36;
	s7 =	smul.u32 $0x680, s5;
	s5 =	sadd.s32 $0x2A00, s0  }
0xa: {  	s26 =	sshrl.u32 s25, $0x1;
	s16 =	sadd.s32 $0x80, s11;
	s18 =	sadd.s32 $0x100, s11  }
0xb: {  	s19 =	sadd.s32 $0x180, s11;
	s20 =	sadd.s32 $0x200, s11;
	s14 =	simm.s32 @!p0 $0x68  }
0xc: {  	s6 =	sadd.s32 s11, s6;
	s15 =	sadd.s32 s8, s0;
	s17 =	ssub.s32 s25, s26  }
0xd: {  	s30 =	sshll.u32 s16, $0x7;
	s31 =	sshll.u32 s18, $0x7;
	s9 =	sshll.u32 s19, $0x7  }
0xe: {  	s10 =	sshll.u32 s20, $0x7;
	s11 =	sadd.s32 s11, s3;
	s22 =	sshll.u32 s16, $0x4  }
0xf: {  	s23 =	sshll.u32 s18, $0x4;
	s25 =	sshll.u32 s19, $0x4;
	s26 =	sshll.u32 s20, $0x4  }
0x10: {  	s18 =	simm.s32 $0x2;
	s19 =	simm.s32 $0xA880;
	s13 =	sadd.s32 s7, s0  }
0x11: {  	s6 =	sshrl.u32 s6, $0x3;
	s7 =	sshrl.u32 s24, $0x2;
	s8 =	sadd.s32 s31, s1  }
0x12: {  	s9 =	sadd.s32 s9, s1;
	s10 =	sadd.s32 s10, s1;
	s24 =	sadd.s32 $0x2AA00, s15  }
0x13: {  	s16 =	smax.u32 s17, $0x1;
	s17 =	simm.s32 $0x6800;
	s0 =	sadd.s32 s6, s0  }
0x14: {  	s6 =	sadd.s32 s7, s1;
	s7 =	sadd.s32 s30, s1;
	s12 =	sadd.s32 $0xA2400, s13  }
0x15: {  	s13 =	sadd.s32 $0x95400, s13;
	s20 =	sadd.s32 s21, s24;
	s21 =	sadd.s32 s22, s24  }
0x16: {  	s22 =	sadd.s32 s23, s24;
	s23 =	sadd.s32 s25, s24;
	s24 =	sadd.s32 s26, s24  }
0x17: {  	v0 =	vimm.f32 $0.0e+00;
	v1 =	vimm.f32 $1.000000000e+00;
	s25 =	simm.s32 $0x80;
	s26 =	simm.s32 $0x1;
	s15 =	sadd.s32 $0x7AA00, s0  }
.LBB2_1:
0x18: {  	s0 =	sand.u32 $0xFE00, s4  }
0x19: {  	s30 =	sand.u32 $0x70, s4;
	s31 =	sshrl.u32 s0, $0x2  }
0x1a: {  	s0 =	simm.s32 $0x40;
	s31 =	sor.u32 s30, s31;
	s30 =	simm.s32 $0x0  }
.LBB2_2:
0x1b: {  	p0 =	sne.s32 s0, $0xFFC0  }
0x1c: {  	[tilespmem:s31+$0x6800] =	vst v0;
	s30 =	sadd.s32 $0x10, s30;
	s31 =	smov.u32 s0;
	s0 =	sadd.s32 $0x40, s0  }
.Ltmp0:
0x1d: {  	(pc) =	sbr.rel @p0 .LBB2_2-.Ltmp0, $4  }
0x1e: {  	_ = 	snop  }
0x1f: {  	s31 =	sand.u32 $0xFE00, s31  }
0x20: {  	s2 =	sand.u32 $0x70, s30;
	s31 =	sshrl.u32 s31, $0x2  }
0x21: {  	s31 =	sor.u32 s2, s31  }
0x22: {  	[tilespmem:s31+$0x6800] =	vst v0  }
0x23: {  	[tilespmem:$0xA880] =	vst v0  }
0x24: {  	[tilespmem:$0xA890] =	vst v0  }
0x25: {  	[tilespmem:$0xA8A0] =	vst v0  }
0x26: {  	[tilespmem:$0xA8B0] =	vst v0  }
0x27: {  	[tilespmem:$0xA8C0] =	vst v0  }
0x28: {  	[tilespmem:$0xA8D0] =	vst v0  }
0x29: {  	[tilespmem:$0xA8E0] =	vst v0  }
0x2a: {  	[tilespmem:$0xA8F0] =	vst v0  }
0x2b: {  	[tilespmem:$0xA900] =	vst v0  }
0x2c: {  	[tilespmem:$0xA910] =	vst v0  }
0x2d: {  	[tilespmem:$0xA920] =	vst v0  }
0x2e: {  	[tilespmem:$0xA930] =	vst v0  }
0x2f: {  	[tilespmem:$0xA940] =	vst v0  }
0x30: {  	[tilespmem:$0xA950] =	vst v0  }
0x31: {  	[tilespmem:$0xA960] =	vst v0  }
0x32: {  	[tilespmem:$0xA970] =	vst v0  }
0x33: {  	[tilespmem:$0xA980] =	vst v0  }
0x34: {  	[tilespmem:$0xA990] =	vst v0  }
0x35: {  	[tilespmem:$0xA9A0] =	vst v0  }
0x36: {  	[tilespmem:$0xA9B0] =	vst v0  }
0x37: {  	[tilespmem:$0xA9C0] =	vst v0  }
0x38: {  	[tilespmem:$0xA9D0] =	vst v0  }
0x39: {  	[tilespmem:$0xA9E0] =	vst v0  }
0x3a: {  	[tilespmem:$0xA9F0] =	vst v0  }
0x3b: {  	[tilespmem:$0xAA00] =	vst v0  }
0x3c: {  	[tilespmem:$0xAA10] =	vst v0  }
0x3d: {  	[tilespmem:$0xAA20] =	vst v0  }
0x3e: {  	[tilespmem:$0xAA30] =	vst v0  }
0x3f: {  	[tilespmem:$0xAA40] =	vst v0  }
0x40: {  	[tilespmem:$0xAA50] =	vst v0  }
0x41: {  	[tilespmem:$0xAA60] =	vst v0  }
0x42: {  	[tilespmem:$0xAA70] =	vst v0  }
0x43: {  	[tilespmem:$0xAA80] =	vst v0  }
0x44: {  	[tilespmem:$0xAA90] =	vst v0  }
0x45: {  	[tilespmem:$0xAAA0] =	vst v0  }
0x46: {  	[tilespmem:$0xAAB0] =	vst v0  }
0x47: {  	[tilespmem:$0xAAC0] =	vst v0  }
0x48: {  	[tilespmem:$0xAAD0] =	vst v0  }
0x49: {  	[tilespmem:$0xAAE0] =	vst v0  }
0x4a: {  	[tilespmem:$0xAAF0] =	vst v0  }
0x4b: {  	[tilespmem:$0xA800] =	vst v1  }
0x4c: {  	[tilespmem:$0xA810] =	vst v1  }
0x4d: {  	[tilespmem:$0xA820] =	vst v1  }
0x4e: {  	[tilespmem:$0xA830] =	vst v1  }
0x4f: {  	[tilespmem:$0xA840] =	vst v1  }
0x50: {  	[tilespmem:$0xA850] =	vst v1  }
0x51: {  	[tilespmem:$0xA860] =	vst v1  }
0x52: {  	[tilespmem:$0xA870] =	vst v1  }
0x53: {  	[spmem:s6] =	stream.linear.scatter [tilespmem:s17], [sflag:$0x2], $0x4000, $0x38;
	[tilespmem:$0x1ED80] =	vst v63  }
0x54: {  	_ =	swait.ge [sflag:s18], $0x4000  }
0x55: {  	[sflag:s18] =	ssyncset.done $0x0  }
0x56: {  	[sflag:s18] =	ssyncadd.s32 $0xFFFFC000  }
0x57: {  	[spmem:s7] =	stream.linear.scatter [tilespmem:s17], [sflag:$0x2], $0x4000, $0x38;
	[tilespmem:$0x1ED80] =	vst v63  }
0x58: {  	_ =	swait.ge [sflag:s18], $0x4000  }
0x59: {  	[sflag:s18] =	ssyncset.done $0x0  }
0x5a: {  	[sflag:s18] =	ssyncadd.s32 $0xFFFFC000  }
0x5b: {  	[spmem:s8] =	stream.linear.scatter [tilespmem:s17], [sflag:$0x2], $0x4000, $0x38;
	[tilespmem:$0x1ED80] =	vst v63  }
0x5c: {  	_ =	swait.ge [sflag:s18], $0x4000  }
0x5d: {  	[sflag:s18] =	ssyncset.done $0x0  }
0x5e: {  	[sflag:s18] =	ssyncadd.s32 $0xFFFFC000  }
0x5f: {  	[spmem:s9] =	stream.linear.scatter [tilespmem:s17], [sflag:$0x2], $0x4000, $0x38;
	[tilespmem:$0x1ED80] =	vst v63  }
0x60: {  	_ =	swait.ge [sflag:s18], $0x4000  }
0x61: {  	[sflag:s18] =	ssyncset.done $0x0  }
0x62: {  	[sflag:s18] =	ssyncadd.s32 $0xFFFFC000  }
0x63: {  	[spmem:s10] =	stream.linear.scatter [tilespmem:s17], [sflag:$0x2], $0x4000, $0x38;
	[tilespmem:$0x1ED80] =	vst v63  }
0x64: {  	_ =	swait.ge [sflag:s18], $0x4000  }
0x65: {  	[sflag:s18] =	ssyncset.done $0x0  }
0x66: {  	[sflag:s18] =	ssyncadd.s32 $0xFFFFC000  }
0x67: {  	[spmem:s11] =	stream.linear.scatter [tilespmem:s19], [sflag:$0x2], $0x280, $0x38;
	[tilespmem:$0x1ED80] =	vst v63  }
0x68: {  	_ =	swait.ge [sflag:s18], $0x280  }
0x69: {  	[sflag:s18] =	ssyncset.done $0x0  }
0x6a: {  	[sflag:s18] =	ssyncadd.s32 $0xFFFFFD80  }
0x6b: {  	s30 =	simm.s32 $0x0;
	[bflag:$0x0] =	sbarrier.arrive $0xFFFF  }
0x6c: {  	[tilespmem:s30], [sflag:$0x2] =	stream.linear.gather [hbm4b:s12+s30], $0x3400, $0x38;
	[tilespmem:$0x1ED80] =	vst v63  }
0x6d: {  	_ =	swait.ge [sflag:s18], $0x3400  }
0x6e: {  	[sflag:s18] =	ssyncset.done $0x0  }
0x6f: {  	s31 =	simm.s32 $0x3400;
	[sflag:s18] =	ssyncadd.s32 $0xFFFFCC00  }
0x70: {  	[tilespmem:s31], [sflag:$0x2] =	stream.linear.gather [hbm4b:s13+s30], $0x3400, $0x38;
	[tilespmem:$0x1ED80] =	vst v63  }
0x71: {  	_ =	swait.ge [sflag:s18], $0x3400  }
0x72: {  	[sflag:s18] =	ssyncset.done $0x0  }
0x73: {  	[sflag:s18] =	ssyncadd.s32 $0xFFFFCC00  }
0x74: {  	[tilespmem:s17], [sflag:$0x1] =	stream.indirect.gather [hbm4b:s5+s25], $0x80, s30, s25, $0xb8;
	[tilespmem:$0x1ED80] =	vst v63  }
0x75: {  	_ =	swait.ge [sflag:s26], $0x4000  }
0x76: {  	[sflag:s26] =	ssyncset.done $0x0  }
0x77: {  	[sflag:s26] =	ssyncadd.s32 $0xFFFFC000  }
0x78: {  	[spmem:s1] =	stream.indirect.scatter.add.f32 [tilespmem:s17], [sflag:$0x2], $0x80, s31, s25, $0xb8;
	[tilespmem:$0x1ED80] =	vst v63  }
0x79: {  	p0 =	sne.s32 s14, $0x1;
	_ =	swait.ge [sflag:s18], $0x4000  }
.Ltmp1:
0x7a: {  	[sflag:s18] =	ssyncset.done $0x0;
	(pc) =	sbr.rel @!p0 .LBB2_5-.Ltmp1, $4  }
0x7b: {  	[sflag:s18] =	ssyncadd.s32 $0xFFFFC000  }
0x7c: {  	[spmem:s3] =	stream.indirect.scatter.add.f32 [tilespmem:s28], [sflag:$0x2], $0x1, s31, s25, $0xb8;
	[tilespmem:$0x1ED80] =	vst v63  }
0x7d: {  	_ =	swait.ge [sflag:s18], $0x80  }
0x7e: {  	s0 =	sadd.s32 $0xFFFFFFFF, s14;
	[sflag:s18] =	ssyncset.done $0x0  }
.LBB2_4:
0x7f: {  	[sflag:s18] =	ssyncadd.s32 $0xFFFFFF80;
	s30 =	sadd.s32 $0x80, s30;
	s31 =	sadd.s32 $0x80, s31  }
0x80: {  	[tilespmem:s17], [sflag:$0x1] =	stream.indirect.gather [hbm4b:s5+s25], $0x80, s30, s25, $0xb8;
	[tilespmem:$0x1ED80] =	vst v63  }
0x81: {  	p0 =	sne.s32 s0, $0x1;
	s0 =	sadd.s32 $0xFFFFFFFF, s0;
	_ =	swait.ge [sflag:s26], $0x4000  }
0x82: {  	[sflag:s26] =	ssyncset.done $0x0  }
0x83: {  	[sflag:s26] =	ssyncadd.s32 $0xFFFFC000  }
0x84: {  	[spmem:s1] =	stream.indirect.scatter.add.f32 [tilespmem:s17], [sflag:$0x2], $0x80, s31, s25, $0xb8;
	[tilespmem:$0x1ED80] =	vst v63  }
0x85: {  	_ =	swait.ge [sflag:s18], $0x4000  }
.Ltmp2:
0x86: {  	[sflag:s18] =	ssyncset.done $0x0;
	(pc) =	sbr.rel @p0 .LBB2_4-.Ltmp2, $4  }
0x87: {  	[sflag:s18] =	ssyncadd.s32 $0xFFFFC000  }
0x88: {  	[spmem:s3] =	stream.indirect.scatter.add.f32 [tilespmem:s28], [sflag:$0x2], $0x1, s31, s25, $0xb8;
	[tilespmem:$0x1ED80] =	vst v63  }
0x89: {  	_ =	swait.ge [sflag:s18], $0x80  }
0x8a: {  	[sflag:s18] =	ssyncset.done $0x0  }
.LBB2_5:
0x8b: {  	[sflag:s18] =	ssyncadd.s32 $0xFFFFFF80  }
0x8c: {  	[bflag:$0x0] =	sbarrier.arrive $0xFFFF  }
0x8d: {  	[tilespmem:s17], [sflag:$0x2] =	stream.linear.gather [spmem:s6], $0x4000, $0x38;
	[tilespmem:$0x1ED80] =	vst v63  }
0x8e: {  	_ =	swait.ge [sflag:s18], $0x4000  }
0x8f: {  	[sflag:s18] =	ssyncset.done $0x0  }
0x90: {  	[sflag:s18] =	ssyncadd.s32 $0xFFFFC000  }
0x91: {  	[hbm4b:s20+s4] =	stream.linear.scatter [tilespmem:s17], [sflag:$0x2], $0x4000, $0x38;
	[tilespmem:$0x1ED80] =	vst v63  }
0x92: {  	_ =	swait.ge [sflag:s18], $0x4000  }
0x93: {  	[sflag:s18] =	ssyncset.done $0x0  }
0x94: {  	[sflag:s18] =	ssyncadd.s32 $0xFFFFC000  }
0x95: {  	[tilespmem:s17], [sflag:$0x2] =	stream.linear.gather [spmem:s7], $0x4000, $0x38;
	[tilespmem:$0x1ED80] =	vst v63  }
0x96: {  	_ =	swait.ge [sflag:s18], $0x4000  }
0x97: {  	[sflag:s18] =	ssyncset.done $0x0  }
0x98: {  	[sflag:s18] =	ssyncadd.s32 $0xFFFFC000  }
0x99: {  	[hbm4b:s21+s4] =	stream.linear.scatter [tilespmem:s17], [sflag:$0x2], $0x4000, $0x38;
	[tilespmem:$0x1ED80] =	vst v63  }
0x9a: {  	_ =	swait.ge [sflag:s18], $0x4000  }
0x9b: {  	[sflag:s18] =	ssyncset.done $0x0  }
0x9c: {  	[sflag:s18] =	ssyncadd.s32 $0xFFFFC000  }
0x9d: {  	[tilespmem:s17], [sflag:$0x2] =	stream.linear.gather [spmem:s8], $0x4000, $0x38;
	[tilespmem:$0x1ED80] =	vst v63  }
0x9e: {  	_ =	swait.ge [sflag:s18], $0x4000  }
0x9f: {  	[sflag:s18] =	ssyncset.done $0x0  }
0xa0: {  	[sflag:s18] =	ssyncadd.s32 $0xFFFFC000  }
0xa1: {  	[hbm4b:s22+s4] =	stream.linear.scatter [tilespmem:s17], [sflag:$0x2], $0x4000, $0x38;
	[tilespmem:$0x1ED80] =	vst v63  }
0xa2: {  	_ =	swait.ge [sflag:s18], $0x4000  }
0xa3: {  	[sflag:s18] =	ssyncset.done $0x0  }
0xa4: {  	[sflag:s18] =	ssyncadd.s32 $0xFFFFC000  }
0xa5: {  	[tilespmem:s17], [sflag:$0x2] =	stream.linear.gather [spmem:s9], $0x4000, $0x38;
	[tilespmem:$0x1ED80] =	vst v63  }
0xa6: {  	_ =	swait.ge [sflag:s18], $0x4000  }
0xa7: {  	[sflag:s18] =	ssyncset.done $0x0  }
0xa8: {  	[sflag:s18] =	ssyncadd.s32 $0xFFFFC000  }
0xa9: {  	[hbm4b:s23+s4] =	stream.linear.scatter [tilespmem:s17], [sflag:$0x2], $0x4000, $0x38;
	[tilespmem:$0x1ED80] =	vst v63  }
0xaa: {  	_ =	swait.ge [sflag:s18], $0x4000  }
0xab: {  	[sflag:s18] =	ssyncset.done $0x0  }
0xac: {  	[sflag:s18] =	ssyncadd.s32 $0xFFFFC000  }
0xad: {  	[tilespmem:s17], [sflag:$0x2] =	stream.linear.gather [spmem:s10], $0x4000, $0x38;
	[tilespmem:$0x1ED80] =	vst v63  }
0xae: {  	_ =	swait.ge [sflag:s18], $0x4000  }
0xaf: {  	[sflag:s18] =	ssyncset.done $0x0  }
0xb0: {  	[sflag:s18] =	ssyncadd.s32 $0xFFFFC000  }
0xb1: {  	[hbm4b:s24+s4] =	stream.linear.scatter [tilespmem:s17], [sflag:$0x2], $0x4000, $0x38;
	[tilespmem:$0x1ED80] =	vst v63  }
0xb2: {  	_ =	swait.ge [sflag:s18], $0x4000  }
0xb3: {  	[sflag:s18] =	ssyncset.done $0x0  }
0xb4: {  	[sflag:s18] =	ssyncadd.s32 $0xFFFFC000  }
0xb5: {  	[tilespmem:s19], [sflag:$0x2] =	stream.linear.gather [spmem:s11], $0x280, $0x38;
	[tilespmem:$0x1ED80] =	vst v63  }
0xb6: {  	s29 =	sadd.s32 $0x1, s29;
	_ =	swait.ge [sflag:s18], $0x280  }
0xb7: {  	p0 =	sne.s32 s29, s16;
	[sflag:s18] =	ssyncset.done $0x0  }
.Ltmp3:
0xb8: {  	[sflag:s18] =	ssyncadd.s32 $0xFFFFFD80;
	(pc) =	sbr.rel @p0 .LBB2_1-.Ltmp3, $4  }
0xb9: {  	[hbm4b:s15+s4] =	stream.linear.scatter [tilespmem:s19], [sflag:$0x2], $0x280, $0x38;
	[tilespmem:$0x1ED80] =	vst v63  }
0xba: {  	_ =	swait.ge [sflag:s18], $0x280  }
0xbb: {  	[sflag:s18] =	ssyncset.done $0x0  }
0xbc: {  	[sflag:s18] =	ssyncadd.s32 $0xFFFFFD80  }
0xbd: {  	_ =	sfence.sel $0x180000  }
0xbe: {  	[bflag:$0x0] =	sbarrier.arrive $0xFFFF  }
0xbf: {  	_ =	strace $0x9000004A  }
0xc0: {  	s0 =	stileid.u32;
	[bflag:$0x2] =	sbarrier.arrive $0xFFFF  }
0xc1: {  	p0 =	sne.s32 s0, $0x0;
	s0 =	rddreg [dreg:$0x3]  }
0xc2: {  	s0 =	sadd.s32 @!p0 $0x100000, s0  }
0xc3: {  	[sflag:s0] =	ssyncadd.tile.s32 @!p0 $0x1;
	_ =	shalt  }
.Lfunc_end2:
_tile_overlayer_lowered:
.L_overlay_start_2:
0xc4: {  	(tag) =	ssettag $0x2  }
0xc5: {  	s0 =	rddreg [dreg:$0x0];
	s2 =	stileid.u32  }
0xc6: {  	s1 =	rddreg [dreg:$0x1];
	p0 =	sne.s32 s2, $0x0  }
0xc7: {  	s3 =	rddreg [dreg:$0x2];
	[bflag:$0x3] =	sbarrier.arrive $0xFFFF;
	s2 =	simm.s32 @!p0 $0x1C02  }
0xc8: {  	[timem:s3], [sflag:s2] =	dma.local @!p0 [hbm:s0], s1  }
0xc9: {  	s0 =	simm.s32 @!p0 $0x2  }
0xca: {  	_ =	swait.ge @!p0 [sflag:s0], s1  }
0xcb: {  	s1 =	ssub.s32 @!p0 $0x0, s1;
	[sflag:s0] =	ssyncset.done @!p0 $0x0  }
0xcc: {  	[sflag:s0] =	ssyncadd.s32 @!p0 s1  }
0xcd: {  	[bflag:$0x3] =	sbarrier.arrive $0xFFFF  }
0xce: {  	_ =	shalt  }

// kernel: kernel.14.cloned.1.call-start
scs
__scs_entry_jumppad:
0x0: {  	(pc) =	sbr.rel $0x88, $3  }
0x1: {  	(tag) =	ssettag $0x0;
	lr =	simm.s32 $0x1  }
0x2: {  	[smem:$0x3F90] =	sst lr;
	_ =	strace $0xD0000000  }
0x3: {  	_ = 	snop  }
0x4: {  	_ = 	snop  }
0x5: {  	_ = 	snop  }
0x6: {  	_ = 	snop  }
0x7: {  	_ = 	snop  }
__scs_overlays_trampoline_lowered:
0x8: {  	[smem:$0x3F9F] =	sst s0  }
0x9: {  	[smem:$0x3FA0] =	sst s1  }
0xa: {  	[smem:$0x3FA1] =	sst s2  }
0xb: {  	[smem:$0x3FA2] =	sst s3  }
0xc: {  	[smem:$0x3FA3] =	sst s4  }
0xd: {  	[smem:$0x3FA4] =	sst s5  }
0xe: {  	[smem:$0x3FA5] =	sst s6  }
0xf: {  	[smem:$0x3FA6] =	sst s7  }
0x10: {  	[smem:$0x3FA7] =	sst s8  }
0x11: {  	[smem:$0x3FA8] =	sst s9;
	s0 =	simm.s32 @!p0 $0x0  }
0x12: {  	s1 =	sld [smem:$0x3F8E];
	s0 =	simm.s32 @p0 $0x1  }
0x13: {  	[smem:$0x3FA9] =	sst s0;
	s0 =	simm.s32 @!p1 $0x0  }
0x14: {  	s2 =	sld [smem:$0x3F8D];
	s0 =	simm.s32 @p1 $0x1  }
0x15: {  	[smem:$0x3FAA] =	sst s0;
	s0 =	simm.s32 @!p2 $0x0  }
0x16: {  	s3 =	sld [smem:$0x3FDB];
	s0 =	simm.s32 @p2 $0x1  }
0x17: {  	s4 =	simm.s32 $0x1BF5;
	[smem:$0x3FAC] =	sst s0  }
0x18: {  	s0 =	sld [smem:$0x3F8F];
	_ =	swait.ge [sflag:s4], $0x0  }
0x19: {  	s7 =	sld [smem:$0x3F90]  }
0x1a: {  	s8 =	sadd.s32 $0xFFFFE003, lr  }
0x1b: {  	s9 =	sadd.s32 $0xFFFFFEF7, lr;
	s5 =	simm.s32 $0xFFFFFFFF;
	p2 =	slt.u32 s8, $0xFFFFF086  }
0x1c: {  	p1 =	slt.u32 s9, $0xF7A;
	s5 =	simm.s32 @!p2 $0x0  }
0x1d: {  	s5 =	simm.s32 @p1 $0x1;
	p0 =	seq.s32 s7, s2  }
0x1e: {  	s7 =	smul.u32 @!p0 $0xF7A, s2;
	p2 =	seq.s32 @!p0 s5, $0x0  }
0x1f: {  	s9 =	smul.u32 $0xF7A, s1;
	s8 =	simm.s32 @!p0 $0x1BF5;
	p2 =	por !p2, p0  }
0x20: {  	[sflag:s8] =	ssyncset.s32 @!p0 $0xFFFFF086;
	s6 =	sadd.s32 @!p0 s3, s7;
	s7 =	simm.s32 @!p0 $0x108  }
0x21: {  	s3 =	sadd.s32 s3, s9;
	s6 =	sadd.s32 @!p0 $0x88, s6;
	s7 =	simm.s32 @p2 $0x1082  }
0x22: {  	[simem:s7], [sflag:s8] =	dma.local @!p0 [hbm:s6], $0xF7A  }
0x23: {  	s9 =	sor.u32 $0xD0000000, s2;
	s6 =	simm.s32 $0x108;
	_ =	swait.ge @!p0 [sflag:s8], $0x0  }
0x24: {  	s3 =	sadd.s32 $0x88, s3;
	s6 =	simm.s32 @!p1 $0x1082;
	[sflag:s4] =	ssyncset.s32 $0xFFFFF086  }
0x25: {  	[simem:s6], [sflag:s4] =	dma.local [hbm:s3], $0xF7A  }
0x26: {  	[smem:$0x3F90] =	sst s1;
	(tag) =	ssettag s2;
	_ =	strace s9  }
0x27: {  	s1 =	sld [smem:$0x3FA0]  }
0x28: {  	s2 =	sld [smem:$0x3FA1]  }
0x29: {  	s4 =	sld [smem:$0x3FA3]  }
0x2a: {  	p0 =	seq.s32 s5, $0x0;
	s5 =	sld [smem:$0x3FA4]  }
0x2b: {  	s6 =	sld [smem:$0x3FA5]  }
0x2c: {  	s7 =	sld [smem:$0x3FA6]  }
0x2d: {  	s3 =	simm.s32 $0x108;
	s8 =	sld [smem:$0x3FA7]  }
0x2e: {  	s3 =	simm.s32 @!p0 $0x1082;
	s9 =	sld [smem:$0x3FA8]  }
0x2f: {  	lr =	sadd.s32 s0, s3;
	s0 =	sld [smem:$0x3F9F]  }
0x30: {  	s3 =	sld [smem:$0x3FA2]  }
0x31: {  	[smem:$0x3FAB] =	sst s10  }
0x32: {  	s10 =	sld [smem:$0x3FA9];
	_ =	sdelay $0x3  }
0x33: {  	p0 =	seq.s32 s10, $0x1;
	s10 =	sld [smem:$0x3FAB];
	_ =	sdelay $0x3  }
0x34: {  	[smem:$0x3FAB] =	sst s10  }
0x35: {  	s10 =	sld [smem:$0x3FAA];
	_ =	sdelay $0x3  }
0x36: {  	p1 =	seq.s32 s10, $0x1;
	s10 =	sld [smem:$0x3FAB];
	_ =	sdelay $0x3  }
0x37: {  	[smem:$0x3FAB] =	sst s10  }
0x38: {  	s10 =	sld [smem:$0x3FAC]  }
0x39: {  	_ = 	snop;
	(pc) =	sbr.ind lr, $3  }
0x3a: {  	_ = 	snop  }
0x3b: {  	_ = 	snop  }
0x3c: {  	p2 =	seq.s32 s10, $0x1;
	s10 =	sld [smem:$0x3FAB]  }
0x3d: {  	_ =	shalt  }
0x3e: {  	_ =	shalt  }
0x3f: {  	_ =	shalt  }
0x40: {  	_ =	shalt  }
0x41: {  	_ =	shalt  }
0x42: {  	_ =	shalt  }
0x43: {  	_ =	shalt  }
0x44: {  	_ =	shalt  }
0x45: {  	_ =	shalt  }
0x46: {  	_ =	shalt  }
0x47: {  	_ =	shalt  }
0x48: {  	_ =	shalt  }
0x49: {  	_ =	shalt  }
0x4a: {  	_ =	shalt  }
0x4b: {  	_ =	shalt  }
0x4c: {  	_ =	shalt  }
0x4d: {  	_ =	shalt  }
0x4e: {  	_ =	shalt  }
0x4f: {  	_ =	shalt  }
0x50: {  	_ =	shalt  }
0x51: {  	_ =	shalt  }
0x52: {  	_ =	shalt  }
0x53: {  	_ =	shalt  }
0x54: {  	_ =	shalt  }
0x55: {  	_ =	shalt  }
0x56: {  	_ =	shalt  }
0x57: {  	_ =	shalt  }
0x58: {  	_ =	shalt  }
0x59: {  	_ =	shalt  }
0x5a: {  	_ =	shalt  }
0x5b: {  	_ =	shalt  }
0x5c: {  	_ =	shalt  }
0x5d: {  	_ =	shalt  }
0x5e: {  	_ =	shalt  }
0x5f: {  	_ =	shalt  }
0x60: {  	_ =	shalt  }
0x61: {  	_ =	shalt  }
0x62: {  	_ =	shalt  }
0x63: {  	_ =	shalt  }
0x64: {  	_ =	shalt  }
0x65: {  	_ =	shalt  }
0x66: {  	_ =	shalt  }
0x67: {  	_ =	shalt  }
0x68: {  	_ =	shalt  }
0x69: {  	_ =	shalt  }
0x6a: {  	_ =	shalt  }
0x6b: {  	_ =	shalt  }
0x6c: {  	_ =	shalt  }
0x6d: {  	_ =	shalt  }
0x6e: {  	_ =	shalt  }
0x6f: {  	_ =	shalt  }
0x70: {  	_ =	shalt  }
0x71: {  	_ =	shalt  }
0x72: {  	_ =	shalt  }
0x73: {  	_ =	shalt  }
0x74: {  	_ =	shalt  }
0x75: {  	_ =	shalt  }
0x76: {  	_ =	shalt  }
0x77: {  	_ =	shalt  }
0x78: {  	_ =	shalt  }
0x79: {  	_ =	shalt  }
0x7a: {  	_ =	shalt  }
0x7b: {  	_ =	shalt  }
0x7c: {  	_ =	shalt  }
0x7d: {  	_ =	shalt  }
0x7e: {  	_ =	shalt  }
0x7f: {  	_ =	shalt  }
0x80: {  	_ =	shalt  }
0x81: {  	_ =	shalt  }
0x82: {  	_ =	shalt  }
0x83: {  	_ =	shalt  }
0x84: {  	_ =	shalt  }
0x85: {  	_ =	shalt  }
0x86: {  	_ =	shalt  }
0x87: {  	_ =	shalt  }
.Lfunc_end0:
.L_simem_size_0:
called_computation.2_lowered:
.L_overlay_start_0:
0x88: {  	s2 =	sld [smem:$0x3FD9]  }
0x89: {  	s3 =	sld [smem:$0x3FFE];
	_ =	sdelay $0x1  }
0x8a: {  	s1 =	srdreg.scid  }
0x8b: {  	s0 =	sand.u32 $0x1, s1  }
0x8c: {  	s16 =	sshll.u32 s0, $0xA;
	s2 =	sadd.s32 s3, s2  }
0x8d: {  	s2 =	sadd.s32 s2, s16  }
0x8e: {  	[smem:$0x3FB7] =	sst s2  }
0x8f: {  	_ = 	snop  }
0x90: {  	(tm) =	ssettm $0x1  }
0x91: {  	s17 =	sld [smem:$0x3FFB];
	_ =	sdelay $0x3  }
0x92: {  	_ =	strace s17  }
0x93: {  	s2 =	sld [smem:$0x3FFC];
	_ =	sdelay $0x3  }
0x94: {  	_ =	strace s2  }
0x95: {  	s2 =	sld [smem:$0x3FFD];
	_ =	sdelay $0x3  }
0x96: {  	_ =	strace s2  }
0x97: {  	_ =	strace $0x8FFFFFFF  }
0x98: {  	s18 =	sld [smem:$0x3FDB];
	_ =	sdelay $0x1  }
0x99: {  	s19 =	simm.s32 $_scs_section_size  }
0x9a: {  	s4 =	simm.s32 $_size__tile_overlayer_lowered;
	s5 =	simm.s32 $_tile_overlayer_lowered  }
0x9b: {  	s22 =	simm.s32 $0x1BFF;
	s21 =	sshll.u32 s5, $0x1;
	s2 =	sadd.s32 s19, s18  }
0x9c: {  	s6 =	simm.s32 $0x0;
	s20 =	sshll.u32 s4, $0x1;
	s4 =	sadd.s32 s21, s2  }
0x9d: {  	[timem:s6], [sflag:s22] =	dma.local [hbm:s4], s20  }
0x9e: {  	_ =	swait.ge [sflag:s22], s20  }
0x9f: {  	s3 =	ssub.s32 $0x0, s20;
	[sflag:s22] =	ssyncset.done $0x0  }
0xa0: {  	[sflag:s22] =	ssyncadd.s32 s3;
	_ =	sdelay $0x1  }
0xa1: {  	s23 =	simm.s32 $0x1B8B  }
0xa2: {  	_ =	swait.ge [sflag:s23], $0x1  }
0xa3: {  	[sflag:s23] =	ssyncset.done $0x0  }
0xa4: {  	s25 =	simm.s32 $0x1B8E;
	s24 =	sld [smem:$0x3FFE];
	[sflag:s23] =	ssyncadd.s32 $0xFFFFFFFF  }
0xa5: {  	s26 =	simm.s32 $execute0_lowered;
	[smem:$0x3FD2] =	sst s25  }
0xa6: {  	s4 =	sshll.u32 s26, $0x1;
	_ =	strace $0x8000004C;
	[dreg:$0x1] =	wrdreg $0xFFFFFFFF  }
0xa7: {  	s28 =	simm.s32 $_size_execute0_lowered;
	s2 =	sadd.s32 s2, s4;
	[dreg:$0x0] =	wrdreg $0x0  }
0xa8: {  	s4 =	sshll.u32 s28, $0x1;
	[dreg:$0x2] =	wrdreg s2  }
0xa9: {  	[dreg:$0x3] =	wrdreg s4  }
0xaa: {  	[dreg:$0x4] =	wrdreg $0xC0  }
0xab: {  	_ =	task [dreg:s6], $0x5FFFF  }
0xac: {  	[dreg:$0x1] =	wrdreg $0xFFFFFFFF  }
0xad: {  	[dreg:$0x0] =	wrdreg $0x60  }
0xae: {  	[dreg:$0x2] =	wrdreg s24  }
0xaf: {  	[dreg:$0x3] =	wrdreg $0x9  }
0xb0: {  	_ =	task.clear_ibuf [dreg:s6], $0x4FFFF;
	_ =	strace $0x9000004C  }
0xb1: {  	s29 =	simm.s32 $0x9;
	_ =	strace $0x8000004E  }
0xb2: {  	_ =	swait.ge [sflag:s29], $0x1  }
0xb3: {  	[sflag:s29] =	ssyncadd.s32 $0xFFFFFFFF  }
0xb4: {  	_ =	strace $0x9000004E  }
0xb5: {  	_ =	sfence  }
0xb6: {  	s30 =	sld [smem:$0x0];
	_ =	sdelay $0x2  }
0xb7: {  	s31 =	sshll.u32 s1, $0xD;
	s1 =	sshrl.u32 s1, $0x2  }
0xb8: {  	s3 =	sand.u32 $0x4000, s31;
	s1 =	sadd.s32 s1, s30  }
0xb9: {  	s0 =	sor.u32 s3, s0;
	s1 =	sshll.u32 s1, $0x11  }
0xba: {  	s0 =	sor.u32 s1, s0  }
0xbb: {  	s0 =	sadd.s32 $0x8F2B, s0  }
0xbc: {  	[sflag:s0] =	ssyncadd.remote.s32 $0x1  }
0xbd: {  	_ =	sfence.sel $0xFFFF  }
0xbe: {  	[dreg:$0x0] =	wrdreg $0xFFFFFFFF;
	(pc) =	sbr.abs _section_cstart, $3  }
0xbf: {  	[dreg:$0x1] =	wrdreg $0xFFFFFFFF  }
0xc0: {  	_ =	task.clear_ibuf [dreg:s6], $0x2FFFF;
	_ =	strace $0x9FFFFFFF  }
0xc1: {  	(tm) =	ssettm $0x7FFFFFFF  }
tec
execute0_lowered:
.L_overlay_start_1:
0x0: {  	(tag) =	ssettag $0x1  }
0x1: {  	s1 =	srdreg.scid;
	s0 =	stileid.u32  }
0x2: {  	s4 =	rddreg [dreg:$0x0];
	s2 =	simm.s32 $0x0;
	s10 =	simm.s32 $0x1  }
0x3: {  	s11 =	simm.s32 $0x2;
	s3 =	sand.u32 $0x1, s1;
	s1 =	rddreg [dreg:$0x1]  }
0x4: {  	s12 =	simm.s32 $0x0;
	s30 =	sshll.u32 s0, $0x1;
	[smem:$0x7FF] =	sst s2  }
0x5: {  	s6 =	smul.u32 $0x14000, s0;
	s5 =	sor.u32 s3, s30;
	_ =	strace $0x8000004D  }
0x6: {  	s7 =	ssub.s32 $0x2, s3;
	s8 =	smul.u32 $0xA000, s3;
	s3 =	sadd.s32 $0x2A00, s4  }
0x7: {  	s5 =	smul.u32 $0x180, s5;
	s6 =	sadd.s32 s6, s4;
	s9 =	sshrl.u32 s7, $0x1  }
0x8: {  	s31 =	ssub.s32 s7, s9;
	s6 =	sadd.s32 s8, s6;
	s7 =	simm.s32 $0x3  }
0x9: {  	s8 =	simm.s32 $0x80;
	s9 =	simm.s32 $0xC00;
	s4 =	sadd.s32 s5, s4  }
0xa: {  	s5 =	smax.u32 s31, $0x1;
	s6 =	sadd.s32 $0x7E400, s6;
	s4 =	sadd.s32 $0x7B400, s4  }
.LBB2_1:
0xb: {  	[tilespmem:s2], [sflag:$0x3] =	stream.linear.gather [hbm4b:s4+s2], $0xA00, $0x38;
	[tilespmem:$0x4C00] =	vst v63  }
0xc: {  	_ =	swait.ge [sflag:s7], $0xA00  }
0xd: {  	[sflag:s7] =	ssyncset.done $0x0  }
0xe: {  	s13 =	simm.s32 $0x0;
	[sflag:s7] =	ssyncadd.s32 $0xFFFFF600  }
0xf: {  	[tilespmem:s9], [sflag:$0x1] =	stream.indirect.gather [hbm4b:s3+s8], $0x80, s13, s8, $0xb8;
	[tilespmem:$0x4C00] =	vst v63  }
0x10: {  	_ =	swait.ge [sflag:s10], $0x4000  }
0x11: {  	[sflag:s10] =	ssyncset.done $0x0  }
0x12: {  	[sflag:s10] =	ssyncadd.s32 $0xFFFFC000  }
0x13: {  	[hbm4b:s6+s2] =	stream.linear.scatter [tilespmem:s9], [sflag:$0x2], $0x4000, $0x38;
	[tilespmem:$0x4C00] =	vst v63  }
0x14: {  	s14 =	simm.s32 $0x200;
	_ =	swait.ge [sflag:s11], $0x4000  }
0x15: {  	s15 =	simm.s32 $0x400;
	s13 =	sadd.s32 $0x800, s6;
	[sflag:s11] =	ssyncset.done $0x0  }
.LBB2_2:
0x16: {  	s16 =	sshra.s32 s14, $0x2  }
0x17: {  	[sflag:s11] =	ssyncadd.s32 $0xFFFFC000;
	s14 =	smov.u32 s15;
	s17 =	sadd.s32 $0x200, s15  }
0x18: {  	[tilespmem:s9], [sflag:$0x1] =	stream.indirect.gather [hbm4b:s3+s8], $0x80, s16, s8, $0xb8;
	[tilespmem:$0x4C00] =	vst v63  }
0x19: {  	p0 =	sne.s32 s15, $0x2600;
	_ =	swait.ge [sflag:s10], $0x4000  }
.Ltmp0:
0x1a: {  	[sflag:s10] =	ssyncset.done $0x0;
	(pc) =	sbr.rel @p0 .LBB2_2-.Ltmp0, $4  }
0x1b: {  	[sflag:s10] =	ssyncadd.s32 $0xFFFFC000  }
0x1c: {  	[hbm4b:s13+s2] =	stream.linear.scatter [tilespmem:s9], [sflag:$0x2], $0x4000, $0x38;
	[tilespmem:$0x4C00] =	vst v63  }
0x1d: {  	_ =	swait.ge [sflag:s11], $0x4000  }
0x1e: {  	s15 =	smov.u32 s17;
	s13 =	sadd.s32 $0x800, s13;
	[sflag:s11] =	ssyncset.done $0x0  }
0x1f: {  	s14 =	sshra.s32 s14, $0x2;
	[sflag:s11] =	ssyncadd.s32 $0xFFFFC000  }
0x20: {  	[tilespmem:s9], [sflag:$0x1] =	stream.indirect.gather [hbm4b:s3+s8], $0x80, s14, s8, $0xb8;
	[tilespmem:$0x4C00] =	vst v63  }
0x21: {  	s12 =	sadd.s32 $0x1, s12;
	_ =	swait.ge [sflag:s10], $0x4000  }
0x22: {  	p0 =	sne.s32 s12, s5;
	[sflag:s10] =	ssyncset.done $0x0  }
.Ltmp1:
0x23: {  	[sflag:s10] =	ssyncadd.s32 $0xFFFFC000;
	(pc) =	sbr.rel @p0 .LBB2_1-.Ltmp1, $4  }
0x24: {  	[hbm4b:s13+s2] =	stream.linear.scatter [tilespmem:s9], [sflag:$0x2], $0x4000, $0x38;
	[tilespmem:$0x4C00] =	vst v63  }
0x25: {  	_ =	swait.ge [sflag:s11], $0x4000  }
0x26: {  	[sflag:s11] =	ssyncset.done $0x0  }
0x27: {  	[sflag:s11] =	ssyncadd.s32 $0xFFFFC000  }
0x28: {  	_ =	sfence.sel $0x180000  }
0x29: {  	[bflag:$0x0] =	sbarrier.arrive $0xFFFF  }
0x2a: {  	p0 =	sne.s32 s0, $0x0;
	_ =	strace $0x9000004D  }
0x2b: {  	s0 =	sadd.s32 @!p0 $0x100000, s1;
	[bflag:$0x2] =	sbarrier.arrive $0xFFFF  }
0x2c: {  	[sflag:s0] =	ssyncadd.tile.s32 @!p0 $0x1;
	_ =	shalt  }
.Lfunc_end2:
_tile_overlayer_lowered:
.L_overlay_start_2:
0x2d: {  	(tag) =	ssettag $0x2  }
0x2e: {  	s0 =	rddreg [dreg:$0x0];
	s2 =	stileid.u32  }
0x2f: {  	s1 =	rddreg [dreg:$0x1];
	p0 =	sne.s32 s2, $0x0  }
0x30: {  	s3 =	rddreg [dreg:$0x2];
	[bflag:$0x3] =	sbarrier.arrive $0xFFFF;
	s2 =	simm.s32 @!p0 $0x1C03  }
0x31: {  	[timem:s3], [sflag:s2] =	dma.local @!p0 [hbm:s0], s1  }
0x32: {  	s0 =	simm.s32 @!p0 $0x3  }
0x33: {  	_ =	swait.ge @!p0 [sflag:s0], s1  }
0x34: {  	s1 =	ssub.s32 @!p0 $0x0, s1;
	[sflag:s0] =	ssyncset.done @!p0 $0x0  }
0x35: {  	[sflag:s0] =	ssyncadd.s32 @!p0 s1  }
0x36: {  	[bflag:$0x3] =	sbarrier.arrive $0xFFFF  }
0x37: {  	_ =	shalt  }

// kernel: kernel.8.cloned.1.call-start
scs
__scs_entry_jumppad:
0x0: {  	(pc) =	sbr.rel $0x88, $3  }
0x1: {  	(tag) =	ssettag $0x0;
	lr =	simm.s32 $0x1  }
0x2: {  	[smem:$0x3F90] =	sst lr;
	_ =	strace $0xD0000000  }
0x3: {  	_ = 	snop  }
0x4: {  	_ = 	snop  }
0x5: {  	_ = 	snop  }
0x6: {  	_ = 	snop  }
0x7: {  	_ = 	snop  }
__scs_overlays_trampoline_lowered:
0x8: {  	[smem:$0x3F9F] =	sst s0  }
0x9: {  	[smem:$0x3FA0] =	sst s1  }
0xa: {  	[smem:$0x3FA1] =	sst s2  }
0xb: {  	[smem:$0x3FA2] =	sst s3  }
0xc: {  	[smem:$0x3FA3] =	sst s4  }
0xd: {  	[smem:$0x3FA4] =	sst s5  }
0xe: {  	[smem:$0x3FA5] =	sst s6  }
0xf: {  	[smem:$0x3FA6] =	sst s7  }
0x10: {  	[smem:$0x3FA7] =	sst s8  }
0x11: {  	[smem:$0x3FA8] =	sst s9;
	s0 =	simm.s32 @!p0 $0x0  }
0x12: {  	s1 =	sld [smem:$0x3F8E];
	s0 =	simm.s32 @p0 $0x1  }
0x13: {  	[smem:$0x3FA9] =	sst s0;
	s0 =	simm.s32 @!p1 $0x0  }
0x14: {  	s2 =	sld [smem:$0x3F8D];
	s0 =	simm.s32 @p1 $0x1  }
0x15: {  	[smem:$0x3FAA] =	sst s0;
	s0 =	simm.s32 @!p2 $0x0  }
0x16: {  	s3 =	sld [smem:$0x3FDB];
	s0 =	simm.s32 @p2 $0x1  }
0x17: {  	s4 =	simm.s32 $0x1BF5;
	[smem:$0x3FAC] =	sst s0  }
0x18: {  	s0 =	sld [smem:$0x3F8F];
	_ =	swait.ge [sflag:s4], $0x0  }
0x19: {  	s7 =	sld [smem:$0x3F90]  }
0x1a: {  	s8 =	sadd.s32 $0xFFFFE003, lr  }
0x1b: {  	s9 =	sadd.s32 $0xFFFFFEF7, lr;
	s5 =	simm.s32 $0xFFFFFFFF;
	p2 =	slt.u32 s8, $0xFFFFF086  }
0x1c: {  	p1 =	slt.u32 s9, $0xF7A;
	s5 =	simm.s32 @!p2 $0x0  }
0x1d: {  	s5 =	simm.s32 @p1 $0x1;
	p0 =	seq.s32 s7, s2  }
0x1e: {  	s7 =	smul.u32 @!p0 $0xF7A, s2;
	p2 =	seq.s32 @!p0 s5, $0x0  }
0x1f: {  	s9 =	smul.u32 $0xF7A, s1;
	s8 =	simm.s32 @!p0 $0x1BF5;
	p2 =	por !p2, p0  }
0x20: {  	[sflag:s8] =	ssyncset.s32 @!p0 $0xFFFFF086;
	s6 =	sadd.s32 @!p0 s3, s7;
	s7 =	simm.s32 @!p0 $0x108  }
0x21: {  	s3 =	sadd.s32 s3, s9;
	s6 =	sadd.s32 @!p0 $0x88, s6;
	s7 =	simm.s32 @p2 $0x1082  }
0x22: {  	[simem:s7], [sflag:s8] =	dma.local @!p0 [hbm:s6], $0xF7A  }
0x23: {  	s9 =	sor.u32 $0xD0000000, s2;
	s6 =	simm.s32 $0x108;
	_ =	swait.ge @!p0 [sflag:s8], $0x0  }
0x24: {  	s3 =	sadd.s32 $0x88, s3;
	s6 =	simm.s32 @!p1 $0x1082;
	[sflag:s4] =	ssyncset.s32 $0xFFFFF086  }
0x25: {  	[simem:s6], [sflag:s4] =	dma.local [hbm:s3], $0xF7A  }
0x26: {  	[smem:$0x3F90] =	sst s1;
	(tag) =	ssettag s2;
	_ =	strace s9  }
0x27: {  	s1 =	sld [smem:$0x3FA0]  }
0x28: {  	s2 =	sld [smem:$0x3FA1]  }
0x29: {  	s4 =	sld [smem:$0x3FA3]  }
0x2a: {  	p0 =	seq.s32 s5, $0x0;
	s5 =	sld [smem:$0x3FA4]  }
0x2b: {  	s6 =	sld [smem:$0x3FA5]  }
0x2c: {  	s7 =	sld [smem:$0x3FA6]  }
0x2d: {  	s3 =	simm.s32 $0x108;
	s8 =	sld [smem:$0x3FA7]  }
0x2e: {  	s3 =	simm.s32 @!p0 $0x1082;
	s9 =	sld [smem:$0x3FA8]  }
0x2f: {  	lr =	sadd.s32 s0, s3;
	s0 =	sld [smem:$0x3F9F]  }
0x30: {  	s3 =	sld [smem:$0x3FA2]  }
0x31: {  	[smem:$0x3FAB] =	sst s10  }
0x32: {  	s10 =	sld [smem:$0x3FA9];
	_ =	sdelay $0x3  }
0x33: {  	p0 =	seq.s32 s10, $0x1;
	s10 =	sld [smem:$0x3FAB];
	_ =	sdelay $0x3  }
0x34: {  	[smem:$0x3FAB] =	sst s10  }
0x35: {  	s10 =	sld [smem:$0x3FAA];
	_ =	sdelay $0x3  }
0x36: {  	p1 =	seq.s32 s10, $0x1;
	s10 =	sld [smem:$0x3FAB];
	_ =	sdelay $0x3  }
0x37: {  	[smem:$0x3FAB] =	sst s10  }
0x38: {  	s10 =	sld [smem:$0x3FAC]  }
0x39: {  	_ = 	snop;
	(pc) =	sbr.ind lr, $3  }
0x3a: {  	_ = 	snop  }
0x3b: {  	_ = 	snop  }
0x3c: {  	p2 =	seq.s32 s10, $0x1;
	s10 =	sld [smem:$0x3FAB]  }
0x3d: {  	_ =	shalt  }
0x3e: {  	_ =	shalt  }
0x3f: {  	_ =	shalt  }
0x40: {  	_ =	shalt  }
0x41: {  	_ =	shalt  }
0x42: {  	_ =	shalt  }
0x43: {  	_ =	shalt  }
0x44: {  	_ =	shalt  }
0x45: {  	_ =	shalt  }
0x46: {  	_ =	shalt  }
0x47: {  	_ =	shalt  }
0x48: {  	_ =	shalt  }
0x49: {  	_ =	shalt  }
0x4a: {  	_ =	shalt  }
0x4b: {  	_ =	shalt  }
0x4c: {  	_ =	shalt  }
0x4d: {  	_ =	shalt  }
0x4e: {  	_ =	shalt  }
0x4f: {  	_ =	shalt  }
0x50: {  	_ =	shalt  }
0x51: {  	_ =	shalt  }
0x52: {  	_ =	shalt  }
0x53: {  	_ =	shalt  }
0x54: {  	_ =	shalt  }
0x55: {  	_ =	shalt  }
0x56: {  	_ =	shalt  }
0x57: {  	_ =	shalt  }
0x58: {  	_ =	shalt  }
0x59: {  	_ =	shalt  }
0x5a: {  	_ =	shalt  }
0x5b: {  	_ =	shalt  }
0x5c: {  	_ =	shalt  }
0x5d: {  	_ =	shalt  }
0x5e: {  	_ =	shalt  }
0x5f: {  	_ =	shalt  }
0x60: {  	_ =	shalt  }
0x61: {  	_ =	shalt  }
0x62: {  	_ =	shalt  }
0x63: {  	_ =	shalt  }
0x64: {  	_ =	shalt  }
0x65: {  	_ =	shalt  }
0x66: {  	_ =	shalt  }
0x67: {  	_ =	shalt  }
0x68: {  	_ =	shalt  }
0x69: {  	_ =	shalt  }
0x6a: {  	_ =	shalt  }
0x6b: {  	_ =	shalt  }
0x6c: {  	_ =	shalt  }
0x6d: {  	_ =	shalt  }
0x6e: {  	_ =	shalt  }
0x6f: {  	_ =	shalt  }
0x70: {  	_ =	shalt  }
0x71: {  	_ =	shalt  }
0x72: {  	_ =	shalt  }
0x73: {  	_ =	shalt  }
0x74: {  	_ =	shalt  }
0x75: {  	_ =	shalt  }
0x76: {  	_ =	shalt  }
0x77: {  	_ =	shalt  }
0x78: {  	_ =	shalt  }
0x79: {  	_ =	shalt  }
0x7a: {  	_ =	shalt  }
0x7b: {  	_ =	shalt  }
0x7c: {  	_ =	shalt  }
0x7d: {  	_ =	shalt  }
0x7e: {  	_ =	shalt  }
0x7f: {  	_ =	shalt  }
0x80: {  	_ =	shalt  }
0x81: {  	_ =	shalt  }
0x82: {  	_ =	shalt  }
0x83: {  	_ =	shalt  }
0x84: {  	_ =	shalt  }
0x85: {  	_ =	shalt  }
0x86: {  	_ =	shalt  }
0x87: {  	_ =	shalt  }
.Lfunc_end0:
.L_simem_size_0:
called_computation_lowered:
.L_overlay_start_0:
0x88: {  	s2 =	sld [smem:$0x3FD9]  }
0x89: {  	s3 =	sld [smem:$0x3FFE];
	_ =	sdelay $0x1  }
0x8a: {  	s1 =	srdreg.scid  }
0x8b: {  	s0 =	sand.u32 $0x1, s1  }
0x8c: {  	s16 =	sshll.u32 s0, $0xA;
	s2 =	sadd.s32 s3, s2  }
0x8d: {  	s2 =	sadd.s32 s2, s16  }
0x8e: {  	[smem:$0x3FB7] =	sst s2  }
0x8f: {  	_ = 	snop  }
0x90: {  	(tm) =	ssettm $0x1  }
0x91: {  	s17 =	sld [smem:$0x3FFB];
	_ =	sdelay $0x3  }
0x92: {  	_ =	strace s17  }
0x93: {  	s2 =	sld [smem:$0x3FFC];
	_ =	sdelay $0x3  }
0x94: {  	_ =	strace s2  }
0x95: {  	s2 =	sld [smem:$0x3FFD];
	_ =	sdelay $0x3  }
0x96: {  	_ =	strace s2  }
0x97: {  	_ =	strace $0x8FFFFFFF  }
0x98: {  	s18 =	sld [smem:$0x3FDB];
	_ =	sdelay $0x1  }
0x99: {  	s19 =	simm.s32 $_scs_section_size  }
0x9a: {  	s4 =	simm.s32 $_size__tile_overlayer_lowered;
	s5 =	simm.s32 $_tile_overlayer_lowered  }
0x9b: {  	s22 =	simm.s32 $0x1BFF;
	s21 =	sshll.u32 s5, $0x1;
	s2 =	sadd.s32 s19, s18  }
0x9c: {  	s6 =	simm.s32 $0x0;
	s20 =	sshll.u32 s4, $0x1;
	s4 =	sadd.s32 s21, s2  }
0x9d: {  	[timem:s6], [sflag:s22] =	dma.local [hbm:s4], s20  }
0x9e: {  	_ =	swait.ge [sflag:s22], s20  }
0x9f: {  	s3 =	ssub.s32 $0x0, s20;
	[sflag:s22] =	ssyncset.done $0x0  }
0xa0: {  	[sflag:s22] =	ssyncadd.s32 s3;
	_ =	sdelay $0x1  }
0xa1: {  	s23 =	simm.s32 $0x1B8B  }
0xa2: {  	_ =	swait.ge [sflag:s23], $0x1  }
0xa3: {  	[sflag:s23] =	ssyncset.done $0x0  }
0xa4: {  	s25 =	simm.s32 $0x1B8E;
	s24 =	sld [smem:$0x3FFE];
	[sflag:s23] =	ssyncadd.s32 $0xFFFFFFFF  }
0xa5: {  	s26 =	simm.s32 $execute0_lowered;
	[smem:$0x3FD2] =	sst s25  }
0xa6: {  	s4 =	sshll.u32 s26, $0x1;
	_ =	strace $0x80000046;
	[dreg:$0x1] =	wrdreg $0xFFFFFFFF  }
0xa7: {  	s28 =	simm.s32 $_size_execute0_lowered;
	s2 =	sadd.s32 s2, s4;
	[dreg:$0x0] =	wrdreg $0x0  }
0xa8: {  	s4 =	sshll.u32 s28, $0x1;
	[dreg:$0x2] =	wrdreg s2  }
0xa9: {  	[dreg:$0x3] =	wrdreg s4  }
0xaa: {  	[dreg:$0x4] =	wrdreg $0xC0  }
0xab: {  	_ =	task [dreg:s6], $0x5FFFF  }
0xac: {  	[dreg:$0x1] =	wrdreg $0xFFFFFFFF  }
0xad: {  	[dreg:$0x0] =	wrdreg $0x60  }
0xae: {  	[dreg:$0x2] =	wrdreg s24  }
0xaf: {  	[dreg:$0x3] =	wrdreg $0xAB000  }
0xb0: {  	[dreg:$0x4] =	wrdreg $0x1EB000  }
0xb1: {  	[dreg:$0x5] =	wrdreg $0x9  }
0xb2: {  	_ =	task.clear_ibuf [dreg:s6], $0x6FFFF;
	_ =	strace $0x90000046  }
0xb3: {  	s29 =	simm.s32 $0x9;
	_ =	strace $0x80000048  }
0xb4: {  	_ =	swait.ge [sflag:s29], $0x1  }
0xb5: {  	[sflag:s29] =	ssyncadd.s32 $0xFFFFFFFF  }
0xb6: {  	_ =	strace $0x90000048  }
0xb7: {  	_ =	sfence  }
0xb8: {  	s30 =	sld [smem:$0x0];
	_ =	sdelay $0x2  }
0xb9: {  	s31 =	sshll.u32 s1, $0xD;
	s1 =	sshrl.u32 s1, $0x2  }
0xba: {  	s3 =	sand.u32 $0x4000, s31;
	s1 =	sadd.s32 s1, s30  }
0xbb: {  	s0 =	sor.u32 s3, s0;
	s1 =	sshll.u32 s1, $0x11  }
0xbc: {  	s0 =	sor.u32 s1, s0  }
0xbd: {  	s0 =	sadd.s32 $0x8F2B, s0  }
0xbe: {  	[sflag:s0] =	ssyncadd.remote.s32 $0x1  }
0xbf: {  	_ =	sfence.sel $0xFFFF  }
0xc0: {  	[dreg:$0x0] =	wrdreg $0xFFFFFFFF;
	(pc) =	sbr.abs _section_cstart, $3  }
0xc1: {  	[dreg:$0x1] =	wrdreg $0xFFFFFFFF  }
0xc2: {  	_ =	task.clear_ibuf [dreg:s6], $0x2FFFF;
	_ =	strace $0x9FFFFFFF  }
0xc3: {  	(tm) =	ssettm $0x7FFFFFFF  }
tec
execute0_lowered:
.L_overlay_start_1:
0x0: {  	(tag) =	ssettag $0x1  }
0x1: {  	s0 =	rddreg [dreg:$0x0]  }
0x2: {  	s1 =	rddreg [dreg:$0x1]  }
0x3: {  	s3 =	rddreg [dreg:$0x2];
	s4 =	simm.s32 $0x0;
	s2 =	stileid.u32  }
0x4: {  	s5 =	srdreg.scid;
	s28 =	simm.s32 $0xA800;
	s11 =	smul.u32 $0x280, s2  }
0x5: {  	s29 =	simm.s32 $0x0;
	s14 =	sand.u32 $0x1, s5;
	s24 =	smul.u32 $0x50000, s2  }
0x6: {  	s23 =	sshll.u32 s2, $0x1;
	[smem:$0x7FF] =	sst s4;
	s21 =	smul.u32 $0x2800, s2  }
0x7: {  	s5 =	sor.u32 s14, s23;
	s6 =	smul.u32 $0x2800, s14;
	_ =	strace $0x80000047  }
0x8: {  	s8 =	smul.u32 $0x28000, s14;
	s25 =	ssub.s32 $0x2, s14;
	p0 =	seq.s32 s14, $0x0  }
0x9: {  	s14 =	simm.s32 $0x36;
	s7 =	smul.u32 $0x680, s5;
	s5 =	sadd.s32 $0x1CA00, s0  }
0xa: {  	s26 =	sshrl.u32 s25, $0x1;
	s16 =	sadd.s32 $0x80, s11;
	s18 =	sadd.s32 $0x100, s11  }
0xb: {  	s19 =	sadd.s32 $0x180, s11;
	s20 =	sadd.s32 $0x200, s11;
	s14 =	simm.s32 @!p0 $0x68  }
0xc: {  	s6 =	sadd.s32 s11, s6;
	s15 =	sadd.s32 s8, s0;
	s17 =	ssub.s32 s25, s26  }
0xd: {  	s30 =	sshll.u32 s16, $0x7;
	s31 =	sshll.u32 s18, $0x7;
	s9 =	sshll.u32 s19, $0x7  }
0xe: {  	s10 =	sshll.u32 s20, $0x7;
	s11 =	sadd.s32 s11, s3;
	s22 =	sshll.u32 s16, $0x4  }
0xf: {  	s23 =	sshll.u32 s18, $0x4;
	s25 =	sshll.u32 s19, $0x4;
	s26 =	sshll.u32 s20, $0x4  }
0x10: {  	s18 =	simm.s32 $0x2;
	s19 =	simm.s32 $0xA880;
	s13 =	sadd.s32 s7, s0  }
0x11: {  	s6 =	sshrl.u32 s6, $0x3;
	s7 =	sshrl.u32 s24, $0x2;
	s8 =	sadd.s32 s31, s1  }
0x12: {  	s9 =	sadd.s32 s9, s1;
	s10 =	sadd.s32 s10, s1;
	s24 =	sadd.s32 $0x44A00, s15  }
0x13: {  	s16 =	smax.u32 s17, $0x1;
	s17 =	simm.s32 $0x6800;
	s0 =	sadd.s32 s6, s0  }
0x14: {  	s6 =	sadd.s32 s7, s1;
	s7 =	sadd.s32 s30, s1;
	s12 =	sadd.s32 $0xFA00, s13  }
0x15: {  	s13 =	sadd.s32 $0x2A00, s13;
	s20 =	sadd.s32 s21, s24;
	s21 =	sadd.s32 s22, s24  }
0x16: {  	s22 =	sadd.s32 s23, s24;
	s23 =	sadd.s32 s25, s24;
	s24 =	sadd.s32 s26, s24  }
0x17: {  	v0 =	vimm.f32 $0.0e+00;
	v1 =	vimm.f32 $1.000000000e+00;
	s25 =	simm.s32 $0x80;
	s26 =	simm.s32 $0x1;
	s15 =	sadd.s32 $0x94A00, s0  }
.LBB2_1:
0x18: {  	s0 =	sand.u32 $0xFE00, s4  }
0x19: {  	s30 =	sand.u32 $0x70, s4;
	s31 =	sshrl.u32 s0, $0x2  }
0x1a: {  	s0 =	simm.s32 $0x40;
	s31 =	sor.u32 s30, s31;
	s30 =	simm.s32 $0x0  }
.LBB2_2:
0x1b: {  	p0 =	sne.s32 s0, $0xFFC0  }
0x1c: {  	[tilespmem:s31+$0x6800] =	vst v0;
	s30 =	sadd.s32 $0x10, s30;
	s31 =	smov.u32 s0;
	s0 =	sadd.s32 $0x40, s0  }
.Ltmp0:
0x1d: {  	(pc) =	sbr.rel @p0 .LBB2_2-.Ltmp0, $4  }
0x1e: {  	_ = 	snop  }
0x1f: {  	s31 =	sand.u32 $0xFE00, s31  }
0x20: {  	s2 =	sand.u32 $0x70, s30;
	s31 =	sshrl.u32 s31, $0x2  }
0x21: {  	s31 =	sor.u32 s2, s31  }
0x22: {  	[tilespmem:s31+$0x6800] =	vst v0  }
0x23: {  	[tilespmem:$0xA880] =	vst v0  }
0x24: {  	[tilespmem:$0xA890] =	vst v0  }
0x25: {  	[tilespmem:$0xA8A0] =	vst v0  }
0x26: {  	[tilespmem:$0xA8B0] =	vst v0  }
0x27: {  	[tilespmem:$0xA8C0] =	vst v0  }
0x28: {  	[tilespmem:$0xA8D0] =	vst v0  }
0x29: {  	[tilespmem:$0xA8E0] =	vst v0  }
0x2a: {  	[tilespmem:$0xA8F0] =	vst v0  }
0x2b: {  	[tilespmem:$0xA900] =	vst v0  }
0x2c: {  	[tilespmem:$0xA910] =	vst v0  }
0x2d: {  	[tilespmem:$0xA920] =	vst v0  }
0x2e: {  	[tilespmem:$0xA930] =	vst v0  }
0x2f: {  	[tilespmem:$0xA940] =	vst v0  }
0x30: {  	[tilespmem:$0xA950] =	vst v0  }
0x31: {  	[tilespmem:$0xA960] =	vst v0  }
0x32: {  	[tilespmem:$0xA970] =	vst v0  }
0x33: {  	[tilespmem:$0xA980] =	vst v0  }
0x34: {  	[tilespmem:$0xA990] =	vst v0  }
0x35: {  	[tilespmem:$0xA9A0] =	vst v0  }
0x36: {  	[tilespmem:$0xA9B0] =	vst v0  }
0x37: {  	[tilespmem:$0xA9C0] =	vst v0  }
0x38: {  	[tilespmem:$0xA9D0] =	vst v0  }
0x39: {  	[tilespmem:$0xA9E0] =	vst v0  }
0x3a: {  	[tilespmem:$0xA9F0] =	vst v0  }
0x3b: {  	[tilespmem:$0xAA00] =	vst v0  }
0x3c: {  	[tilespmem:$0xAA10] =	vst v0  }
0x3d: {  	[tilespmem:$0xAA20] =	vst v0  }
0x3e: {  	[tilespmem:$0xAA30] =	vst v0  }
0x3f: {  	[tilespmem:$0xAA40] =	vst v0  }
0x40: {  	[tilespmem:$0xAA50] =	vst v0  }
0x41: {  	[tilespmem:$0xAA60] =	vst v0  }
0x42: {  	[tilespmem:$0xAA70] =	vst v0  }
0x43: {  	[tilespmem:$0xAA80] =	vst v0  }
0x44: {  	[tilespmem:$0xAA90] =	vst v0  }
0x45: {  	[tilespmem:$0xAAA0] =	vst v0  }
0x46: {  	[tilespmem:$0xAAB0] =	vst v0  }
0x47: {  	[tilespmem:$0xAAC0] =	vst v0  }
0x48: {  	[tilespmem:$0xAAD0] =	vst v0  }
0x49: {  	[tilespmem:$0xAAE0] =	vst v0  }
0x4a: {  	[tilespmem:$0xAAF0] =	vst v0  }
0x4b: {  	[tilespmem:$0xA800] =	vst v1  }
0x4c: {  	[tilespmem:$0xA810] =	vst v1  }
0x4d: {  	[tilespmem:$0xA820] =	vst v1  }
0x4e: {  	[tilespmem:$0xA830] =	vst v1  }
0x4f: {  	[tilespmem:$0xA840] =	vst v1  }
0x50: {  	[tilespmem:$0xA850] =	vst v1  }
0x51: {  	[tilespmem:$0xA860] =	vst v1  }
0x52: {  	[tilespmem:$0xA870] =	vst v1  }
0x53: {  	[spmem:s6] =	stream.linear.scatter [tilespmem:s17], [sflag:$0x2], $0x4000, $0x38;
	[tilespmem:$0x1ED80] =	vst v63  }
0x54: {  	_ =	swait.ge [sflag:s18], $0x4000  }
0x55: {  	[sflag:s18] =	ssyncset.done $0x0  }
0x56: {  	[sflag:s18] =	ssyncadd.s32 $0xFFFFC000  }
0x57: {  	[spmem:s7] =	stream.linear.scatter [tilespmem:s17], [sflag:$0x2], $0x4000, $0x38;
	[tilespmem:$0x1ED80] =	vst v63  }
0x58: {  	_ =	swait.ge [sflag:s18], $0x4000  }
0x59: {  	[sflag:s18] =	ssyncset.done $0x0  }
0x5a: {  	[sflag:s18] =	ssyncadd.s32 $0xFFFFC000  }
0x5b: {  	[spmem:s8] =	stream.linear.scatter [tilespmem:s17], [sflag:$0x2], $0x4000, $0x38;
	[tilespmem:$0x1ED80] =	vst v63  }
0x5c: {  	_ =	swait.ge [sflag:s18], $0x4000  }
0x5d: {  	[sflag:s18] =	ssyncset.done $0x0  }
0x5e: {  	[sflag:s18] =	ssyncadd.s32 $0xFFFFC000  }
0x5f: {  	[spmem:s9] =	stream.linear.scatter [tilespmem:s17], [sflag:$0x2], $0x4000, $0x38;
	[tilespmem:$0x1ED80] =	vst v63  }
0x60: {  	_ =	swait.ge [sflag:s18], $0x4000  }
0x61: {  	[sflag:s18] =	ssyncset.done $0x0  }
0x62: {  	[sflag:s18] =	ssyncadd.s32 $0xFFFFC000  }
0x63: {  	[spmem:s10] =	stream.linear.scatter [tilespmem:s17], [sflag:$0x2], $0x4000, $0x38;
	[tilespmem:$0x1ED80] =	vst v63  }
0x64: {  	_ =	swait.ge [sflag:s18], $0x4000  }
0x65: {  	[sflag:s18] =	ssyncset.done $0x0  }
0x66: {  	[sflag:s18] =	ssyncadd.s32 $0xFFFFC000  }
0x67: {  	[spmem:s11] =	stream.linear.scatter [tilespmem:s19], [sflag:$0x2], $0x280, $0x38;
	[tilespmem:$0x1ED80] =	vst v63  }
0x68: {  	_ =	swait.ge [sflag:s18], $0x280  }
0x69: {  	[sflag:s18] =	ssyncset.done $0x0  }
0x6a: {  	[sflag:s18] =	ssyncadd.s32 $0xFFFFFD80  }
0x6b: {  	s30 =	simm.s32 $0x0;
	[bflag:$0x0] =	sbarrier.arrive $0xFFFF  }
0x6c: {  	[tilespmem:s30], [sflag:$0x2] =	stream.linear.gather [hbm4b:s12+s30], $0x3400, $0x38;
	[tilespmem:$0x1ED80] =	vst v63  }
0x6d: {  	_ =	swait.ge [sflag:s18], $0x3400  }
0x6e: {  	[sflag:s18] =	ssyncset.done $0x0  }
0x6f: {  	s31 =	simm.s32 $0x3400;
	[sflag:s18] =	ssyncadd.s32 $0xFFFFCC00  }
0x70: {  	[tilespmem:s31], [sflag:$0x2] =	stream.linear.gather [hbm4b:s13+s30], $0x3400, $0x38;
	[tilespmem:$0x1ED80] =	vst v63  }
0x71: {  	_ =	swait.ge [sflag:s18], $0x3400  }
0x72: {  	[sflag:s18] =	ssyncset.done $0x0  }
0x73: {  	[sflag:s18] =	ssyncadd.s32 $0xFFFFCC00  }
0x74: {  	[tilespmem:s17], [sflag:$0x1] =	stream.indirect.gather [hbm4b:s5+s25], $0x80, s30, s25, $0xb8;
	[tilespmem:$0x1ED80] =	vst v63  }
0x75: {  	_ =	swait.ge [sflag:s26], $0x4000  }
0x76: {  	[sflag:s26] =	ssyncset.done $0x0  }
0x77: {  	[sflag:s26] =	ssyncadd.s32 $0xFFFFC000  }
0x78: {  	[spmem:s1] =	stream.indirect.scatter.add.f32 [tilespmem:s17], [sflag:$0x2], $0x80, s31, s25, $0xb8;
	[tilespmem:$0x1ED80] =	vst v63  }
0x79: {  	p0 =	sne.s32 s14, $0x1;
	_ =	swait.ge [sflag:s18], $0x4000  }
.Ltmp1:
0x7a: {  	[sflag:s18] =	ssyncset.done $0x0;
	(pc) =	sbr.rel @!p0 .LBB2_5-.Ltmp1, $4  }
0x7b: {  	[sflag:s18] =	ssyncadd.s32 $0xFFFFC000  }
0x7c: {  	[spmem:s3] =	stream.indirect.scatter.add.f32 [tilespmem:s28], [sflag:$0x2], $0x1, s31, s25, $0xb8;
	[tilespmem:$0x1ED80] =	vst v63  }
0x7d: {  	_ =	swait.ge [sflag:s18], $0x80  }
0x7e: {  	s0 =	sadd.s32 $0xFFFFFFFF, s14;
	[sflag:s18] =	ssyncset.done $0x0  }
.LBB2_4:
0x7f: {  	[sflag:s18] =	ssyncadd.s32 $0xFFFFFF80;
	s30 =	sadd.s32 $0x80, s30;
	s31 =	sadd.s32 $0x80, s31  }
0x80: {  	[tilespmem:s17], [sflag:$0x1] =	stream.indirect.gather [hbm4b:s5+s25], $0x80, s30, s25, $0xb8;
	[tilespmem:$0x1ED80] =	vst v63  }
0x81: {  	p0 =	sne.s32 s0, $0x1;
	s0 =	sadd.s32 $0xFFFFFFFF, s0;
	_ =	swait.ge [sflag:s26], $0x4000  }
0x82: {  	[sflag:s26] =	ssyncset.done $0x0  }
0x83: {  	[sflag:s26] =	ssyncadd.s32 $0xFFFFC000  }
0x84: {  	[spmem:s1] =	stream.indirect.scatter.add.f32 [tilespmem:s17], [sflag:$0x2], $0x80, s31, s25, $0xb8;
	[tilespmem:$0x1ED80] =	vst v63  }
0x85: {  	_ =	swait.ge [sflag:s18], $0x4000  }
.Ltmp2:
0x86: {  	[sflag:s18] =	ssyncset.done $0x0;
	(pc) =	sbr.rel @p0 .LBB2_4-.Ltmp2, $4  }
0x87: {  	[sflag:s18] =	ssyncadd.s32 $0xFFFFC000  }
0x88: {  	[spmem:s3] =	stream.indirect.scatter.add.f32 [tilespmem:s28], [sflag:$0x2], $0x1, s31, s25, $0xb8;
	[tilespmem:$0x1ED80] =	vst v63  }
0x89: {  	_ =	swait.ge [sflag:s18], $0x80  }
0x8a: {  	[sflag:s18] =	ssyncset.done $0x0  }
.LBB2_5:
0x8b: {  	[sflag:s18] =	ssyncadd.s32 $0xFFFFFF80  }
0x8c: {  	[bflag:$0x0] =	sbarrier.arrive $0xFFFF  }
0x8d: {  	[tilespmem:s17], [sflag:$0x2] =	stream.linear.gather [spmem:s6], $0x4000, $0x38;
	[tilespmem:$0x1ED80] =	vst v63  }
0x8e: {  	_ =	swait.ge [sflag:s18], $0x4000  }
0x8f: {  	[sflag:s18] =	ssyncset.done $0x0  }
0x90: {  	[sflag:s18] =	ssyncadd.s32 $0xFFFFC000  }
0x91: {  	[hbm4b:s20+s4] =	stream.linear.scatter [tilespmem:s17], [sflag:$0x2], $0x4000, $0x38;
	[tilespmem:$0x1ED80] =	vst v63  }
0x92: {  	_ =	swait.ge [sflag:s18], $0x4000  }
0x93: {  	[sflag:s18] =	ssyncset.done $0x0  }
0x94: {  	[sflag:s18] =	ssyncadd.s32 $0xFFFFC000  }
0x95: {  	[tilespmem:s17], [sflag:$0x2] =	stream.linear.gather [spmem:s7], $0x4000, $0x38;
	[tilespmem:$0x1ED80] =	vst v63  }
0x96: {  	_ =	swait.ge [sflag:s18], $0x4000  }
0x97: {  	[sflag:s18] =	ssyncset.done $0x0  }
0x98: {  	[sflag:s18] =	ssyncadd.s32 $0xFFFFC000  }
0x99: {  	[hbm4b:s21+s4] =	stream.linear.scatter [tilespmem:s17], [sflag:$0x2], $0x4000, $0x38;
	[tilespmem:$0x1ED80] =	vst v63  }
0x9a: {  	_ =	swait.ge [sflag:s18], $0x4000  }
0x9b: {  	[sflag:s18] =	ssyncset.done $0x0  }
0x9c: {  	[sflag:s18] =	ssyncadd.s32 $0xFFFFC000  }
0x9d: {  	[tilespmem:s17], [sflag:$0x2] =	stream.linear.gather [spmem:s8], $0x4000, $0x38;
	[tilespmem:$0x1ED80] =	vst v63  }
0x9e: {  	_ =	swait.ge [sflag:s18], $0x4000  }
0x9f: {  	[sflag:s18] =	ssyncset.done $0x0  }
0xa0: {  	[sflag:s18] =	ssyncadd.s32 $0xFFFFC000  }
0xa1: {  	[hbm4b:s22+s4] =	stream.linear.scatter [tilespmem:s17], [sflag:$0x2], $0x4000, $0x38;
	[tilespmem:$0x1ED80] =	vst v63  }
0xa2: {  	_ =	swait.ge [sflag:s18], $0x4000  }
0xa3: {  	[sflag:s18] =	ssyncset.done $0x0  }
0xa4: {  	[sflag:s18] =	ssyncadd.s32 $0xFFFFC000  }
0xa5: {  	[tilespmem:s17], [sflag:$0x2] =	stream.linear.gather [spmem:s9], $0x4000, $0x38;
	[tilespmem:$0x1ED80] =	vst v63  }
0xa6: {  	_ =	swait.ge [sflag:s18], $0x4000  }
0xa7: {  	[sflag:s18] =	ssyncset.done $0x0  }
0xa8: {  	[sflag:s18] =	ssyncadd.s32 $0xFFFFC000  }
0xa9: {  	[hbm4b:s23+s4] =	stream.linear.scatter [tilespmem:s17], [sflag:$0x2], $0x4000, $0x38;
	[tilespmem:$0x1ED80] =	vst v63  }
0xaa: {  	_ =	swait.ge [sflag:s18], $0x4000  }
0xab: {  	[sflag:s18] =	ssyncset.done $0x0  }
0xac: {  	[sflag:s18] =	ssyncadd.s32 $0xFFFFC000  }
0xad: {  	[tilespmem:s17], [sflag:$0x2] =	stream.linear.gather [spmem:s10], $0x4000, $0x38;
	[tilespmem:$0x1ED80] =	vst v63  }
0xae: {  	_ =	swait.ge [sflag:s18], $0x4000  }
0xaf: {  	[sflag:s18] =	ssyncset.done $0x0  }
0xb0: {  	[sflag:s18] =	ssyncadd.s32 $0xFFFFC000  }
0xb1: {  	[hbm4b:s24+s4] =	stream.linear.scatter [tilespmem:s17], [sflag:$0x2], $0x4000, $0x38;
	[tilespmem:$0x1ED80] =	vst v63  }
0xb2: {  	_ =	swait.ge [sflag:s18], $0x4000  }
0xb3: {  	[sflag:s18] =	ssyncset.done $0x0  }
0xb4: {  	[sflag:s18] =	ssyncadd.s32 $0xFFFFC000  }
0xb5: {  	[tilespmem:s19], [sflag:$0x2] =	stream.linear.gather [spmem:s11], $0x280, $0x38;
	[tilespmem:$0x1ED80] =	vst v63  }
0xb6: {  	s29 =	sadd.s32 $0x1, s29;
	_ =	swait.ge [sflag:s18], $0x280  }
0xb7: {  	p0 =	sne.s32 s29, s16;
	[sflag:s18] =	ssyncset.done $0x0  }
.Ltmp3:
0xb8: {  	[sflag:s18] =	ssyncadd.s32 $0xFFFFFD80;
	(pc) =	sbr.rel @p0 .LBB2_1-.Ltmp3, $4  }
0xb9: {  	[hbm4b:s15+s4] =	stream.linear.scatter [tilespmem:s19], [sflag:$0x2], $0x280, $0x38;
	[tilespmem:$0x1ED80] =	vst v63  }
0xba: {  	_ =	swait.ge [sflag:s18], $0x280  }
0xbb: {  	[sflag:s18] =	ssyncset.done $0x0  }
0xbc: {  	[sflag:s18] =	ssyncadd.s32 $0xFFFFFD80  }
0xbd: {  	_ =	sfence.sel $0x180000  }
0xbe: {  	[bflag:$0x0] =	sbarrier.arrive $0xFFFF  }
0xbf: {  	_ =	strace $0x90000047  }
0xc0: {  	s0 =	stileid.u32;
	[bflag:$0x2] =	sbarrier.arrive $0xFFFF  }
0xc1: {  	p0 =	sne.s32 s0, $0x0;
	s0 =	rddreg [dreg:$0x3]  }
0xc2: {  	s0 =	sadd.s32 @!p0 $0x100000, s0  }
0xc3: {  	[sflag:s0] =	ssyncadd.tile.s32 @!p0 $0x1;
	_ =	shalt  }
.Lfunc_end2:
_tile_overlayer_lowered:
.L_overlay_start_2:
0xc4: {  	(tag) =	ssettag $0x2  }
0xc5: {  	s0 =	rddreg [dreg:$0x0];
	s2 =	stileid.u32  }
0xc6: {  	s1 =	rddreg [dreg:$0x1];
	p0 =	sne.s32 s2, $0x0  }
0xc7: {  	s3 =	rddreg [dreg:$0x2];
	[bflag:$0x3] =	sbarrier.arrive $0xFFFF;
	s2 =	simm.s32 @!p0 $0x1C02  }
0xc8: {  	[timem:s3], [sflag:s2] =	dma.local @!p0 [hbm:s0], s1  }
0xc9: {  	s0 =	simm.s32 @!p0 $0x2  }
0xca: {  	_ =	swait.ge @!p0 [sflag:s0], s1  }
0xcb: {  	s1 =	ssub.s32 @!p0 $0x0, s1;
	[sflag:s0] =	ssyncset.done @!p0 $0x0  }
0xcc: {  	[sflag:s0] =	ssyncadd.s32 @!p0 s1  }
0xcd: {  	[bflag:$0x3] =	sbarrier.arrive $0xFFFF  }
0xce: {  	_ =	shalt  }

</sc_bundles>
